<compile_context>
chip_gen: v7x
topology: tpu7x:2x2x1
jax: 0.10.2.dev20260603
libtpu: 0.0.44.dev20260713+nightly
codegen_flags: <defaults>
</compile_context>

<pallas_src>
import functools
import math

import jax
import jax.numpy as jnp
from jax import lax
from jax.experimental import pallas as pl
from jax.experimental.pallas import tpu as pltpu
from jax.experimental.pallas import tpu_sc as plsc

_CUTOFF = 5.0
_NC = 2
_NS = 16
_NW = _NC * _NS
_L = 16


def _cos_pi_scaled(u):
    k = (u * 0.5 + 0.5).astype(jnp.int32).astype(jnp.float32)
    r = u - 2.0 * k
    a = jnp.abs(r)
    flip = a > 0.5
    b = jnp.where(flip, 1.0 - a, a)
    x = b * math.pi
    s = x * x
    c = 1.0 + s * (-0.5 + s * (1.0 / 24.0 + s * (-1.0 / 720.0 + s * (
        1.0 / 40320.0 + s * (-1.0 / 3628800.0 + s * (1.0 / 479001600.0))))))
    return jnp.where(flip, -c, c)


def _make_sc_kernel(n_nodes, n_edges, chunk):
    epw = n_edges // _NW
    nch = epw // chunk
    assert epw * _NW == n_edges and nch * chunk == epw
    assert chunk % _L == 0 and (epw % 8 == 0) and (chunk % 8 == 0)
    assert nch % 2 == 1 and nch >= 3
    n_iter = chunk // _L

    mesh = plsc.VectorSubcoreMesh(core_axis_name="c", subcore_axis_name="s")

    buf = lambda: pltpu.VMEM((chunk,), jnp.float32)
    ibuf = lambda: pltpu.VMEM((chunk,), jnp.int32)

    @functools.partial(
        pl.kernel,
        out_type=(
            jax.ShapeDtypeStruct((n_edges,), jnp.float32),
            jax.ShapeDtypeStruct((n_edges,), jnp.float32),
            jax.ShapeDtypeStruct((n_edges,), jnp.float32),
            jax.ShapeDtypeStruct((n_edges,), jnp.float32),
            jax.ShapeDtypeStruct((n_edges,), jnp.float32),
        ),
        mesh=mesh,
        scratch_types=[
            pltpu.VMEM_SHARED((n_nodes,), jnp.float32),
            pltpu.VMEM_SHARED((n_nodes,), jnp.float32),
            pltpu.VMEM_SHARED((n_nodes,), jnp.float32),
            [ibuf(), ibuf()] + [buf()] * 6,
            [ibuf(), ibuf()] + [buf()] * 6,
            [buf()] * 5,
            [buf()] * 5,
            pltpu.SemaphoreType.DMA,
            pltpu.SemaphoreType.DMA,
            pltpu.SemaphoreType.DMA,
            pltpu.SemaphoreType.DMA,
        ],
    )
    def sc_kernel(cx_hbm, cy_hbm, cz_hbm, src_hbm, dst_hbm,
                  vx_hbm, vy_hbm, vz_hbm, dist_hbm, sw_hbm,
                  x_sh, y_sh, z_sh, bufs_a, bufs_b, outs_a, outs_b,
                  sem_a, sem_b, sem_oa, sem_ob):
        cid = lax.axis_index("c")
        sid = lax.axis_index("s")
        wid = sid * _NC + cid

        @pl.when(sid == 0)
        def _():
            pltpu.sync_copy(cx_hbm, x_sh)

        @pl.when(sid == 1)
        def _():
            pltpu.sync_copy(cy_hbm, y_sh)

        @pl.when(sid == 2)
        def _():
            pltpu.sync_copy(cz_hbm, z_sh)

        plsc.subcore_barrier()

        def gather_descs(bufs, sem):
            src_v, dst_v = bufs[0], bufs[1]
            xs_v, ys_v, zs_v, xd_v, yd_v, zd_v = bufs[2:]
            return [
                (x_sh.at[src_v], xs_v, sem),
                (y_sh.at[src_v], ys_v, sem),
                (z_sh.at[src_v], zs_v, sem),
                (x_sh.at[dst_v], xd_v, sem),
                (y_sh.at[dst_v], yd_v, sem),
                (z_sh.at[dst_v], zd_v, sem),
            ]

        def issue(j, bufs, sem):
            base = wid * epw + j * chunk
            pltpu.sync_copy(src_hbm.at[pl.ds(base, chunk)], bufs[0])
            pltpu.sync_copy(dst_hbm.at[pl.ds(base, chunk)], bufs[1])
            for s, t, m in gather_descs(bufs, sem):
                pltpu.async_copy(s, t, m)

        def wait_gathers(bufs, sem):
            for s, t, m in gather_descs(bufs, sem):
                pltpu.make_async_copy(s, t, m).wait()

        def out_descs(j, outs, sem):
            vxo, vyo, vzo, dist_v, sw_v = outs
            base = wid * epw + j * chunk
            return [
                (vxo, vx_hbm.at[pl.ds(base, chunk)], sem),
                (vyo, vy_hbm.at[pl.ds(base, chunk)], sem),
                (vzo, vz_hbm.at[pl.ds(base, chunk)], sem),
                (dist_v, dist_hbm.at[pl.ds(base, chunk)], sem),
                (sw_v, sw_hbm.at[pl.ds(base, chunk)], sem),
            ]

        def issue_outs(j, outs, sem):
            for s, t, m in out_descs(j, outs, sem):
                pltpu.async_copy(s, t, m)

        def wait_outs(outs, sem):
            for s, t, m in out_descs(0, outs, sem):
                pltpu.make_async_copy(s, t, m).wait()

        def compute(j, bufs, outs):
            xs_v, ys_v, zs_v, xd_v, yd_v, zd_v = bufs[2:]
            vxo, vyo, vzo, dist_v, sw_v = outs

            def body(i, _):
                sl = pl.ds(i * _L, _L)
                vx = xd_v[sl] - xs_v[sl]
                vy = yd_v[sl] - ys_v[sl]
                vz = zd_v[sl] - zs_v[sl]
                d2 = vx * vx + vy * vy + vz * vz
                seed = jnp.int32(0x5F3759DF) - (
                    lax.bitcast_convert_type(d2, jnp.int32) >> 1)
                y = lax.bitcast_convert_type(seed, jnp.float32)
                y = y * (1.5 - 0.5 * d2 * y * y)
                y = y * (1.5 - 0.5 * d2 * y * y)
                d = jnp.where(d2 > 0.0, d2 * y, 0.0)
                sw = 0.5 * _cos_pi_scaled(d * (1.0 / _CUTOFF)) + 0.5
                vxo[sl] = vx
                vyo[sl] = vy
                vzo[sl] = vz
                dist_v[sl] = d
                sw_v[sl] = sw
                return 0

            lax.fori_loop(0, n_iter, body, 0)

        issue(0, bufs_a, sem_a)
        issue(1, bufs_b, sem_b)
        wait_gathers(bufs_a, sem_a)
        compute(0, bufs_a, outs_a)
        issue_outs(0, outs_a, sem_oa)
        issue(2, bufs_a, sem_a)
        wait_gathers(bufs_b, sem_b)
        compute(1, bufs_b, outs_b)
        issue_outs(1, outs_b, sem_ob)

        def pair_body(p, _):
            j0 = 2 * p + 2
            issue(j0 + 1, bufs_b, sem_b)
            wait_gathers(bufs_a, sem_a)
            wait_outs(outs_a, sem_oa)
            compute(j0, bufs_a, outs_a)
            issue_outs(j0, outs_a, sem_oa)
            issue(j0 + 2, bufs_a, sem_a)
            wait_gathers(bufs_b, sem_b)
            wait_outs(outs_b, sem_ob)
            compute(j0 + 1, bufs_b, outs_b)
            issue_outs(j0 + 1, outs_b, sem_ob)
            return 0

        lax.fori_loop(0, (nch - 3) // 2, pair_body, 0)

        wait_gathers(bufs_a, sem_a)
        wait_outs(outs_a, sem_oa)
        compute(nch - 1, bufs_a, outs_a)
        issue_outs(nch - 1, outs_a, sem_oa)
        wait_outs(outs_a, sem_oa)
        wait_outs(outs_b, sem_ob)

    return sc_kernel


_CHUNK = 2000


@jax.jit
def kernel(coordinates, edge_src, edge_dst):
    n = coordinates.shape[0]
    e = edge_src.shape[0]
    cx = coordinates[:, 0]
    cy = coordinates[:, 1]
    cz = coordinates[:, 2]
    sc = _make_sc_kernel(n, e, _CHUNK)
    vx, vy, vz, dist, sw = sc(cx, cy, cz, edge_src, edge_dst)
    vec = jnp.stack([vx, vy, vz], axis=-1)
    edge_mask = edge_src < n
    return vec, dist, sw, edge_mask

# --- scband reference (transcript-rebuilt; emitter-appended) ---
"""Pipeline reference for scband-graph-processor-6390911336571 (READ-ONLY COPY).

The authoritative reference and input builder live on the scoring server;
editing this copy changes nothing except your own understanding.
"""

import jax, jax.numpy as jnp
import numpy as np

CUTOFF = 5.0
N_NODES = 50000
N_EDGES = 1600000

def setup_inputs(seed: int = 0) -> dict:
    key = jax.random.key(seed)
    k1, k2, k3 = jax.random.split(key, 3)
    coordinates = jax.random.normal(k1, (N_NODES, 3), dtype=jnp.float32) * 10.0
    edge_src = jax.random.randint(k2, (N_EDGES,), 0, N_NODES, dtype=jnp.int32)
    edge_dst = jax.random.randint(k3, (N_EDGES,), 0, N_NODES, dtype=jnp.int32)
    return {"coordinates": coordinates, "edge_src": edge_src, "edge_dst": edge_dst}

def reference(coordinates, edge_src, edge_dst):
    # Faithful translation of GraphProcessor.__call__ (graph preprocessing core).
    edge_mask = edge_src < coordinates.shape[0]
    vec = coordinates.at[edge_dst].get(mode='fill', fill_value=CUTOFF) - coordinates.at[edge_src].get(mode='fill', fill_value=0.0)
    distances = jnp.linalg.norm(vec, axis=-1)
    switch = jnp.where(edge_mask, 0.5 * jnp.cos(distances * (jnp.pi / CUTOFF)) + 0.5, 0.0)
    return vec, distances, switch, edge_mask

if __name__ == "__main__":
    import jax
    _d = setup_inputs()
    print(jax.jit(kernel)(*tuple(_d.values())))

</pallas_src>

<mosaic_0001>
#map = affine_map<(d0, d1) -> (0)>
module attributes {stable_mosaic.version = 14 : i64} {
  func.func @sc_kernel(%arg0: i32, %arg1: i32, %arg2: memref<50000xf32, #tpu.memory_space<hbm>>, %arg3: memref<50000xf32, #tpu.memory_space<hbm>>, %arg4: memref<50000xf32, #tpu.memory_space<hbm>>, %arg5: memref<1600000xi32, #tpu.memory_space<hbm>>, %arg6: memref<1600000xi32, #tpu.memory_space<hbm>>, %arg7: memref<1600000xf32, #tpu.memory_space<hbm>>, %arg8: memref<1600000xf32, #tpu.memory_space<hbm>>, %arg9: memref<1600000xf32, #tpu.memory_space<hbm>>, %arg10: memref<1600000xf32, #tpu.memory_space<hbm>>, %arg11: memref<1600000xf32, #tpu.memory_space<hbm>>, %arg12: memref<50000xf32, #tpu.memory_space<vmem_shared>>, %arg13: memref<50000xf32, #tpu.memory_space<vmem_shared>>, %arg14: memref<50000xf32, #tpu.memory_space<vmem_shared>>, %arg15: memref<2000xi32, #tpu.memory_space<vmem>>, %arg16: memref<2000xi32, #tpu.memory_space<vmem>>, %arg17: memref<2000xf32, #tpu.memory_space<vmem>>, %arg18: memref<2000xf32, #tpu.memory_space<vmem>>, %arg19: memref<2000xf32, #tpu.memory_space<vmem>>, %arg20: memref<2000xf32, #tpu.memory_space<vmem>>, %arg21: memref<2000xf32, #tpu.memory_space<vmem>>, %arg22: memref<2000xf32, #tpu.memory_space<vmem>>, %arg23: memref<2000xi32, #tpu.memory_space<vmem>>, %arg24: memref<2000xi32, #tpu.memory_space<vmem>>, %arg25: memref<2000xf32, #tpu.memory_space<vmem>>, %arg26: memref<2000xf32, #tpu.memory_space<vmem>>, %arg27: memref<2000xf32, #tpu.memory_space<vmem>>, %arg28: memref<2000xf32, #tpu.memory_space<vmem>>, %arg29: memref<2000xf32, #tpu.memory_space<vmem>>, %arg30: memref<2000xf32, #tpu.memory_space<vmem>>, %arg31: memref<2000xf32, #tpu.memory_space<vmem>>, %arg32: memref<2000xf32, #tpu.memory_space<vmem>>, %arg33: memref<2000xf32, #tpu.memory_space<vmem>>, %arg34: memref<2000xf32, #tpu.memory_space<vmem>>, %arg35: memref<2000xf32, #tpu.memory_space<vmem>>, %arg36: memref<2000xf32, #tpu.memory_space<vmem>>, %arg37: memref<2000xf32, #tpu.memory_space<vmem>>, %arg38: memref<2000xf32, #tpu.memory_space<vmem>>, %arg39: memref<2000xf32, #tpu.memory_space<vmem>>, %arg40: memref<2000xf32, #tpu.memory_space<vmem>>, %arg41: memref<!tpu.dma_semaphore, #tpu.memory_space<semaphore_mem>>, %arg42: memref<!tpu.dma_semaphore, #tpu.memory_space<semaphore_mem>>, %arg43: memref<!tpu.dma_semaphore, #tpu.memory_space<semaphore_mem>>, %arg44: memref<!tpu.dma_semaphore, #tpu.memory_space<semaphore_mem>>) attributes {dimension_semantics = [#tpu.dimension_semantics<core_parallel>, #tpu.dimension_semantics<subcore_parallel>], iteration_bounds = array<i64: 2, 16>, scalar_prefetch = 0 : i64, scratch_operands = 33 : i64, tpu.core_type = #tpu.core_type<sc_vector_subcore>, window_params = [{transform_indices = #map}, {transform_indices = #map}, {transform_indices = #map}, {transform_indices = #map}, {transform_indices = #map}, {transform_indices = #map}, {transform_indices = #map}, {transform_indices = #map}, {transform_indices = #map}, {transform_indices = #map}]} {
    %mul3A = arith.constant 2 : i32
    %mul3A_0 = arith.muli %arg1, %mul3A : i32
    %add3A = arith.addi %mul3A_0, %arg0 : i32
    %eq3A = arith.constant 0 : i32
    %eq3A_1 = arith.cmpi eq, %arg1, %eq3A : i32
    %convert_element_type3A = arith.extui %eq3A_1 : i1 to i32
    %cond3A = arith.constant 0 : i32
    %cond3A_2 = arith.cmpi ne, %convert_element_type3A, %cond3A : i32
    scf.if %cond3A_2 {
      "tpu.region"() ({
        %run_scoped3A = tpu.sem_alloc : memref<!tpu.dma_semaphore, #tpu.memory_space<semaphore_mem>>
        tpu.enqueue_dma source(%arg2 : memref<50000xf32, #tpu.memory_space<hbm>>) target(%arg12 : memref<50000xf32, #tpu.memory_space<vmem_shared>>) target_semaphore(%run_scoped3A : memref<!tpu.dma_semaphore, #tpu.memory_space<semaphore_mem>>)
        tpu.wait_dma2 semaphore(%run_scoped3A : memref<!tpu.dma_semaphore, #tpu.memory_space<semaphore_mem>>) src(%arg2 : memref<50000xf32, #tpu.memory_space<hbm>>) dst(%arg12 : memref<50000xf32, #tpu.memory_space<vmem_shared>>)
        tpu.yield
      }) : () -> ()
    } else {
    }
    %eq3A_3 = arith.constant 1 : i32
    %eq3A_4 = arith.cmpi eq, %arg1, %eq3A_3 : i32
    %convert_element_type3A_5 = arith.extui %eq3A_4 : i1 to i32
    %cond3A_6 = arith.constant 0 : i32
    %cond3A_7 = arith.cmpi ne, %convert_element_type3A_5, %cond3A_6 : i32
    scf.if %cond3A_7 {
      "tpu.region"() ({
        %run_scoped3A = tpu.sem_alloc : memref<!tpu.dma_semaphore, #tpu.memory_space<semaphore_mem>>
        tpu.enqueue_dma source(%arg3 : memref<50000xf32, #tpu.memory_space<hbm>>) target(%arg13 : memref<50000xf32, #tpu.memory_space<vmem_shared>>) target_semaphore(%run_scoped3A : memref<!tpu.dma_semaphore, #tpu.memory_space<semaphore_mem>>)
        tpu.wait_dma2 semaphore(%run_scoped3A : memref<!tpu.dma_semaphore, #tpu.memory_space<semaphore_mem>>) src(%arg3 : memref<50000xf32, #tpu.memory_space<hbm>>) dst(%arg13 : memref<50000xf32, #tpu.memory_space<vmem_shared>>)
        tpu.yield
      }) : () -> ()
    } else {
    }
    %eq3A_8 = arith.constant 2 : i32
    %eq3A_9 = arith.cmpi eq, %arg1, %eq3A_8 : i32
    %convert_element_type3A_10 = arith.extui %eq3A_9 : i1 to i32
    %cond3A_11 = arith.constant 0 : i32
    %cond3A_12 = arith.cmpi ne, %convert_element_type3A_10, %cond3A_11 : i32
    scf.if %cond3A_12 {
      "tpu.region"() ({
        %run_scoped3A = tpu.sem_alloc : memref<!tpu.dma_semaphore, #tpu.memory_space<semaphore_mem>>
        tpu.enqueue_dma source(%arg4 : memref<50000xf32, #tpu.memory_space<hbm>>) target(%arg14 : memref<50000xf32, #tpu.memory_space<vmem_shared>>) target_semaphore(%run_scoped3A : memref<!tpu.dma_semaphore, #tpu.memory_space<semaphore_mem>>)
        tpu.wait_dma2 semaphore(%run_scoped3A : memref<!tpu.dma_semaphore, #tpu.memory_space<semaphore_mem>>) src(%arg4 : memref<50000xf32, #tpu.memory_space<hbm>>) dst(%arg14 : memref<50000xf32, #tpu.memory_space<vmem_shared>>)
        tpu.yield
      }) : () -> ()
    } else {
    }
    %barrier3A = arith.constant 0 : index
    tpu.barrier barrier_id(%barrier3A)
    %mul3A_13 = arith.constant 50000 : i32
    %mul3A_14 = arith.muli %add3A, %mul3A_13 : i32
    %add3A_15 = arith.constant 0 : i32
    %add3A_16 = arith.addi %mul3A_14, %add3A_15 : i32
    "tpu.region"() ({
      %run_scoped3A = tpu.sem_alloc : memref<!tpu.dma_semaphore, #tpu.memory_space<semaphore_mem>>
      %dma_start3A_206 = tpu.memref_slice %arg5[%add3A_16] : memref<1600000xi32, #tpu.memory_space<hbm>> -> memref<2000xi32, #tpu.memory_space<hbm>>
      %dma_start3A_207 = tpu.memref_slice %arg5[%add3A_16] : memref<1600000xi32, #tpu.memory_space<hbm>> -> memref<2000xi32, #tpu.memory_space<hbm>>
      tpu.enqueue_dma source(%dma_start3A_207 : memref<2000xi32, #tpu.memory_space<hbm>>) target(%arg15 : memref<2000xi32, #tpu.memory_space<vmem>>) target_semaphore(%run_scoped3A : memref<!tpu.dma_semaphore, #tpu.memory_space<semaphore_mem>>)
      %dma_wait3A_208 = tpu.memref_slice %arg5[%add3A_16] : memref<1600000xi32, #tpu.memory_space<hbm>> -> memref<2000xi32, #tpu.memory_space<hbm>>
      %dma_wait3A_209 = tpu.memref_slice %arg5[%add3A_16] : memref<1600000xi32, #tpu.memory_space<hbm>> -> memref<2000xi32, #tpu.memory_space<hbm>>
      tpu.wait_dma2 semaphore(%run_scoped3A : memref<!tpu.dma_semaphore, #tpu.memory_space<semaphore_mem>>) src(%dma_wait3A_209 : memref<2000xi32, #tpu.memory_space<hbm>>) dst(%arg15 : memref<2000xi32, #tpu.memory_space<vmem>>)
      tpu.yield
    }) : () -> ()
    "tpu.region"() ({
      %run_scoped3A = tpu.sem_alloc : memref<!tpu.dma_semaphore, #tpu.memory_space<semaphore_mem>>
      %dma_start3A_206 = tpu.memref_slice %arg6[%add3A_16] : memref<1600000xi32, #tpu.memory_space<hbm>> -> memref<2000xi32, #tpu.memory_space<hbm>>
      %dma_start3A_207 = tpu.memref_slice %arg6[%add3A_16] : memref<1600000xi32, #tpu.memory_space<hbm>> -> memref<2000xi32, #tpu.memory_space<hbm>>
      tpu.enqueue_dma source(%dma_start3A_207 : memref<2000xi32, #tpu.memory_space<hbm>>) target(%arg16 : memref<2000xi32, #tpu.memory_space<vmem>>) target_semaphore(%run_scoped3A : memref<!tpu.dma_semaphore, #tpu.memory_space<semaphore_mem>>)
      %dma_wait3A_208 = tpu.memref_slice %arg6[%add3A_16] : memref<1600000xi32, #tpu.memory_space<hbm>> -> memref<2000xi32, #tpu.memory_space<hbm>>
      %dma_wait3A_209 = tpu.memref_slice %arg6[%add3A_16] : memref<1600000xi32, #tpu.memory_space<hbm>> -> memref<2000xi32, #tpu.memory_space<hbm>>
      tpu.wait_dma2 semaphore(%run_scoped3A : memref<!tpu.dma_semaphore, #tpu.memory_space<semaphore_mem>>) src(%dma_wait3A_209 : memref<2000xi32, #tpu.memory_space<hbm>>) dst(%arg16 : memref<2000xi32, #tpu.memory_space<vmem>>)
      tpu.yield
    }) : () -> ()
    %dma_start3A = arith.constant 0 : i32
    %dma_start3A_17 = tpu.memref_slice %arg12[%dma_start3A] : memref<50000xf32, #tpu.memory_space<vmem_shared>> -> memref<50000xf32, #tpu.memory_space<vmem_shared>>
    tpu.enqueue_indirect_dma source(%dma_start3A_17 : memref<50000xf32, #tpu.memory_space<vmem_shared>>) target(%arg17 : memref<2000xf32, #tpu.memory_space<vmem>>) offsets(%arg15 : memref<2000xi32, #tpu.memory_space<vmem>>) semaphore(%arg41 : memref<!tpu.dma_semaphore, #tpu.memory_space<semaphore_mem>>)
    %dma_start3A_18 = arith.constant 0 : i32
    %dma_start3A_19 = tpu.memref_slice %arg13[%dma_start3A_18] : memref<50000xf32, #tpu.memory_space<vmem_shared>> -> memref<50000xf32, #tpu.memory_space<vmem_shared>>
    tpu.enqueue_indirect_dma source(%dma_start3A_19 : memref<50000xf32, #tpu.memory_space<vmem_shared>>) target(%arg18 : memref<2000xf32, #tpu.memory_space<vmem>>) offsets(%arg15 : memref<2000xi32, #tpu.memory_space<vmem>>) semaphore(%arg41 : memref<!tpu.dma_semaphore, #tpu.memory_space<semaphore_mem>>)
    %dma_start3A_20 = arith.constant 0 : i32
    %dma_start3A_21 = tpu.memref_slice %arg14[%dma_start3A_20] : memref<50000xf32, #tpu.memory_space<vmem_shared>> -> memref<50000xf32, #tpu.memory_space<vmem_shared>>
    tpu.enqueue_indirect_dma source(%dma_start3A_21 : memref<50000xf32, #tpu.memory_space<vmem_shared>>) target(%arg19 : memref<2000xf32, #tpu.memory_space<vmem>>) offsets(%arg15 : memref<2000xi32, #tpu.memory_space<vmem>>) semaphore(%arg41 : memref<!tpu.dma_semaphore, #tpu.memory_space<semaphore_mem>>)
    %dma_start3A_22 = arith.constant 0 : i32
    %dma_start3A_23 = tpu.memref_slice %arg12[%dma_start3A_22] : memref<50000xf32, #tpu.memory_space<vmem_shared>> -> memref<50000xf32, #tpu.memory_space<vmem_shared>>
    tpu.enqueue_indirect_dma source(%dma_start3A_23 : memref<50000xf32, #tpu.memory_space<vmem_shared>>) target(%arg20 : memref<2000xf32, #tpu.memory_space<vmem>>) offsets(%arg16 : memref<2000xi32, #tpu.memory_space<vmem>>) semaphore(%arg41 : memref<!tpu.dma_semaphore, #tpu.memory_space<semaphore_mem>>)
    %dma_start3A_24 = arith.constant 0 : i32
    %dma_start3A_25 = tpu.memref_slice %arg13[%dma_start3A_24] : memref<50000xf32, #tpu.memory_space<vmem_shared>> -> memref<50000xf32, #tpu.memory_space<vmem_shared>>
    tpu.enqueue_indirect_dma source(%dma_start3A_25 : memref<50000xf32, #tpu.memory_space<vmem_shared>>) target(%arg21 : memref<2000xf32, #tpu.memory_space<vmem>>) offsets(%arg16 : memref<2000xi32, #tpu.memory_space<vmem>>) semaphore(%arg41 : memref<!tpu.dma_semaphore, #tpu.memory_space<semaphore_mem>>)
    %dma_start3A_26 = arith.constant 0 : i32
    %dma_start3A_27 = tpu.memref_slice %arg14[%dma_start3A_26] : memref<50000xf32, #tpu.memory_space<vmem_shared>> -> memref<50000xf32, #tpu.memory_space<vmem_shared>>
    tpu.enqueue_indirect_dma source(%dma_start3A_27 : memref<50000xf32, #tpu.memory_space<vmem_shared>>) target(%arg22 : memref<2000xf32, #tpu.memory_space<vmem>>) offsets(%arg16 : memref<2000xi32, #tpu.memory_space<vmem>>) semaphore(%arg41 : memref<!tpu.dma_semaphore, #tpu.memory_space<semaphore_mem>>)
    %mul3A_28 = arith.constant 50000 : i32
    %mul3A_29 = arith.muli %add3A, %mul3A_28 : i32
    %add3A_30 = arith.constant 2000 : i32
    %add3A_31 = arith.addi %mul3A_29, %add3A_30 : i32
    "tpu.region"() ({
      %run_scoped3A = tpu.sem_alloc : memref<!tpu.dma_semaphore, #tpu.memory_space<semaphore_mem>>
      %dma_start3A_206 = tpu.memref_slice %arg5[%add3A_31] : memref<1600000xi32, #tpu.memory_space<hbm>> -> memref<2000xi32, #tpu.memory_space<hbm>>
      %dma_start3A_207 = tpu.memref_slice %arg5[%add3A_31] : memref<1600000xi32, #tpu.memory_space<hbm>> -> memref<2000xi32, #tpu.memory_space<hbm>>
      tpu.enqueue_dma source(%dma_start3A_207 : memref<2000xi32, #tpu.memory_space<hbm>>) target(%arg23 : memref<2000xi32, #tpu.memory_space<vmem>>) target_semaphore(%run_scoped3A : memref<!tpu.dma_semaphore, #tpu.memory_space<semaphore_mem>>)
      %dma_wait3A_208 = tpu.memref_slice %arg5[%add3A_31] : memref<1600000xi32, #tpu.memory_space<hbm>> -> memref<2000xi32, #tpu.memory_space<hbm>>
      %dma_wait3A_209 = tpu.memref_slice %arg5[%add3A_31] : memref<1600000xi32, #tpu.memory_space<hbm>> -> memref<2000xi32, #tpu.memory_space<hbm>>
      tpu.wait_dma2 semaphore(%run_scoped3A : memref<!tpu.dma_semaphore, #tpu.memory_space<semaphore_mem>>) src(%dma_wait3A_209 : memref<2000xi32, #tpu.memory_space<hbm>>) dst(%arg23 : memref<2000xi32, #tpu.memory_space<vmem>>)
      tpu.yield
    }) : () -> ()
    "tpu.region"() ({
      %run_scoped3A = tpu.sem_alloc : memref<!tpu.dma_semaphore, #tpu.memory_space<semaphore_mem>>
      %dma_start3A_206 = tpu.memref_slice %arg6[%add3A_31] : memref<1600000xi32, #tpu.memory_space<hbm>> -> memref<2000xi32, #tpu.memory_space<hbm>>
      %dma_start3A_207 = tpu.memref_slice %arg6[%add3A_31] : memref<1600000xi32, #tpu.memory_space<hbm>> -> memref<2000xi32, #tpu.memory_space<hbm>>
      tpu.enqueue_dma source(%dma_start3A_207 : memref<2000xi32, #tpu.memory_space<hbm>>) target(%arg24 : memref<2000xi32, #tpu.memory_space<vmem>>) target_semaphore(%run_scoped3A : memref<!tpu.dma_semaphore, #tpu.memory_space<semaphore_mem>>)
      %dma_wait3A_208 = tpu.memref_slice %arg6[%add3A_31] : memref<1600000xi32, #tpu.memory_space<hbm>> -> memref<2000xi32, #tpu.memory_space<hbm>>
      %dma_wait3A_209 = tpu.memref_slice %arg6[%add3A_31] : memref<1600000xi32, #tpu.memory_space<hbm>> -> memref<2000xi32, #tpu.memory_space<hbm>>
      tpu.wait_dma2 semaphore(%run_scoped3A : memref<!tpu.dma_semaphore, #tpu.memory_space<semaphore_mem>>) src(%dma_wait3A_209 : memref<2000xi32, #tpu.memory_space<hbm>>) dst(%arg24 : memref<2000xi32, #tpu.memory_space<vmem>>)
      tpu.yield
    }) : () -> ()
    %dma_start3A_32 = arith.constant 0 : i32
    %dma_start3A_33 = tpu.memref_slice %arg12[%dma_start3A_32] : memref<50000xf32, #tpu.memory_space<vmem_shared>> -> memref<50000xf32, #tpu.memory_space<vmem_shared>>
    tpu.enqueue_indirect_dma source(%dma_start3A_33 : memref<50000xf32, #tpu.memory_space<vmem_shared>>) target(%arg25 : memref<2000xf32, #tpu.memory_space<vmem>>) offsets(%arg23 : memref<2000xi32, #tpu.memory_space<vmem>>) semaphore(%arg42 : memref<!tpu.dma_semaphore, #tpu.memory_space<semaphore_mem>>)
    %dma_start3A_34 = arith.constant 0 : i32
    %dma_start3A_35 = tpu.memref_slice %arg13[%dma_start3A_34] : memref<50000xf32, #tpu.memory_space<vmem_shared>> -> memref<50000xf32, #tpu.memory_space<vmem_shared>>
    tpu.enqueue_indirect_dma source(%dma_start3A_35 : memref<50000xf32, #tpu.memory_space<vmem_shared>>) target(%arg26 : memref<2000xf32, #tpu.memory_space<vmem>>) offsets(%arg23 : memref<2000xi32, #tpu.memory_space<vmem>>) semaphore(%arg42 : memref<!tpu.dma_semaphore, #tpu.memory_space<semaphore_mem>>)
    %dma_start3A_36 = arith.constant 0 : i32
    %dma_start3A_37 = tpu.memref_slice %arg14[%dma_start3A_36] : memref<50000xf32, #tpu.memory_space<vmem_shared>> -> memref<50000xf32, #tpu.memory_space<vmem_shared>>
    tpu.enqueue_indirect_dma source(%dma_start3A_37 : memref<50000xf32, #tpu.memory_space<vmem_shared>>) target(%arg27 : memref<2000xf32, #tpu.memory_space<vmem>>) offsets(%arg23 : memref<2000xi32, #tpu.memory_space<vmem>>) semaphore(%arg42 : memref<!tpu.dma_semaphore, #tpu.memory_space<semaphore_mem>>)
    %dma_start3A_38 = arith.constant 0 : i32
    %dma_start3A_39 = tpu.memref_slice %arg12[%dma_start3A_38] : memref<50000xf32, #tpu.memory_space<vmem_shared>> -> memref<50000xf32, #tpu.memory_space<vmem_shared>>
    tpu.enqueue_indirect_dma source(%dma_start3A_39 : memref<50000xf32, #tpu.memory_space<vmem_shared>>) target(%arg28 : memref<2000xf32, #tpu.memory_space<vmem>>) offsets(%arg24 : memref<2000xi32, #tpu.memory_space<vmem>>) semaphore(%arg42 : memref<!tpu.dma_semaphore, #tpu.memory_space<semaphore_mem>>)
    %dma_start3A_40 = arith.constant 0 : i32
    %dma_start3A_41 = tpu.memref_slice %arg13[%dma_start3A_40] : memref<50000xf32, #tpu.memory_space<vmem_shared>> -> memref<50000xf32, #tpu.memory_space<vmem_shared>>
    tpu.enqueue_indirect_dma source(%dma_start3A_41 : memref<50000xf32, #tpu.memory_space<vmem_shared>>) target(%arg29 : memref<2000xf32, #tpu.memory_space<vmem>>) offsets(%arg24 : memref<2000xi32, #tpu.memory_space<vmem>>) semaphore(%arg42 : memref<!tpu.dma_semaphore, #tpu.memory_space<semaphore_mem>>)
    %dma_start3A_42 = arith.constant 0 : i32
    %dma_start3A_43 = tpu.memref_slice %arg14[%dma_start3A_42] : memref<50000xf32, #tpu.memory_space<vmem_shared>> -> memref<50000xf32, #tpu.memory_space<vmem_shared>>
    tpu.enqueue_indirect_dma source(%dma_start3A_43 : memref<50000xf32, #tpu.memory_space<vmem_shared>>) target(%arg30 : memref<2000xf32, #tpu.memory_space<vmem>>) offsets(%arg24 : memref<2000xi32, #tpu.memory_space<vmem>>) semaphore(%arg42 : memref<!tpu.dma_semaphore, #tpu.memory_space<semaphore_mem>>)
    %dma_wait3A = arith.constant 0 : i32
    %dma_wait3A_44 = tpu.memref_slice %arg12[%dma_wait3A] : memref<50000xf32, #tpu.memory_space<vmem_shared>> -> memref<50000xf32, #tpu.memory_space<vmem_shared>>
    tpu.wait_indirect_dma semaphore(%arg41 : memref<!tpu.dma_semaphore, #tpu.memory_space<semaphore_mem>>) src(%dma_wait3A_44 : memref<50000xf32, #tpu.memory_space<vmem_shared>>) dst(%arg17 : memref<2000xf32, #tpu.memory_space<vmem>>)
    %dma_wait3A_45 = arith.constant 0 : i32
    %dma_wait3A_46 = tpu.memref_slice %arg13[%dma_wait3A_45] : memref<50000xf32, #tpu.memory_space<vmem_shared>> -> memref<50000xf32, #tpu.memory_space<vmem_shared>>
    tpu.wait_indirect_dma semaphore(%arg41 : memref<!tpu.dma_semaphore, #tpu.memory_space<semaphore_mem>>) src(%dma_wait3A_46 : memref<50000xf32, #tpu.memory_space<vmem_shared>>) dst(%arg18 : memref<2000xf32, #tpu.memory_space<vmem>>)
    %dma_wait3A_47 = arith.constant 0 : i32
    %dma_wait3A_48 = tpu.memref_slice %arg14[%dma_wait3A_47] : memref<50000xf32, #tpu.memory_space<vmem_shared>> -> memref<50000xf32, #tpu.memory_space<vmem_shared>>
    tpu.wait_indirect_dma semaphore(%arg41 : memref<!tpu.dma_semaphore, #tpu.memory_space<semaphore_mem>>) src(%dma_wait3A_48 : memref<50000xf32, #tpu.memory_space<vmem_shared>>) dst(%arg19 : memref<2000xf32, #tpu.memory_space<vmem>>)
    %dma_wait3A_49 = arith.constant 0 : i32
    %dma_wait3A_50 = tpu.memref_slice %arg12[%dma_wait3A_49] : memref<50000xf32, #tpu.memory_space<vmem_shared>> -> memref<50000xf32, #tpu.memory_space<vmem_shared>>
    tpu.wait_indirect_dma semaphore(%arg41 : memref<!tpu.dma_semaphore, #tpu.memory_space<semaphore_mem>>) src(%dma_wait3A_50 : memref<50000xf32, #tpu.memory_space<vmem_shared>>) dst(%arg20 : memref<2000xf32, #tpu.memory_space<vmem>>)
    %dma_wait3A_51 = arith.constant 0 : i32
    %dma_wait3A_52 = tpu.memref_slice %arg13[%dma_wait3A_51] : memref<50000xf32, #tpu.memory_space<vmem_shared>> -> memref<50000xf32, #tpu.memory_space<vmem_shared>>
    tpu.wait_indirect_dma semaphore(%arg41 : memref<!tpu.dma_semaphore, #tpu.memory_space<semaphore_mem>>) src(%dma_wait3A_52 : memref<50000xf32, #tpu.memory_space<vmem_shared>>) dst(%arg21 : memref<2000xf32, #tpu.memory_space<vmem>>)
    %dma_wait3A_53 = arith.constant 0 : i32
    %dma_wait3A_54 = tpu.memref_slice %arg14[%dma_wait3A_53] : memref<50000xf32, #tpu.memory_space<vmem_shared>> -> memref<50000xf32, #tpu.memory_space<vmem_shared>>
    tpu.wait_indirect_dma semaphore(%arg41 : memref<!tpu.dma_semaphore, #tpu.memory_space<semaphore_mem>>) src(%dma_wait3A_54 : memref<50000xf32, #tpu.memory_space<vmem_shared>>) dst(%arg22 : memref<2000xf32, #tpu.memory_space<vmem>>)
    %scan3A = arith.constant 0 : i32
    %scan3A_55 = arith.constant 0 : i32
    %scan3A_56 = arith.constant 125 : i32
    %scan3A_57 = arith.addi %scan3A_55, %scan3A_56 : i32
    %scan3A_58 = arith.constant 1 : i32
    %scan3A_59 = scf.for %scan3A_206 = %scan3A_55 to %scan3A_57 step %scan3A_58 iter_args(%scan3A_207 = %scan3A) -> (i32)  : i32 {
      %mul3A_208 = arith.constant 16 : i32
      %mul3A_209 = arith.muli %scan3A_206, %mul3A_208 : i32
      %get3A = arith.index_cast %mul3A_209 : i32 to index
      %get3A_210 = tpu.vector_load %arg20[%get3A] {strides = array<i32>} : memref<2000xf32, #tpu.memory_space<vmem>>, vector<16xf32>,
      %get3A_211 = vector.shape_cast %get3A_210 : vector<16xf32> to vector<16xf32>
      %get3A_212 = arith.index_cast %mul3A_209 : i32 to index
      %get3A_213 = tpu.vector_load %arg17[%get3A_212] {strides = array<i32>} : memref<2000xf32, #tpu.memory_space<vmem>>, vector<16xf32>,
      %get3A_214 = vector.shape_cast %get3A_213 : vector<16xf32> to vector<16xf32>
      %sub3A = arith.subf %get3A_211, %get3A_214 : vector<16xf32>
      %get3A_215 = arith.index_cast %mul3A_209 : i32 to index
      %get3A_216 = tpu.vector_load %arg21[%get3A_215] {strides = array<i32>} : memref<2000xf32, #tpu.memory_space<vmem>>, vector<16xf32>,
      %get3A_217 = vector.shape_cast %get3A_216 : vector<16xf32> to vector<16xf32>
      %get3A_218 = arith.index_cast %mul3A_209 : i32 to index
      %get3A_219 = tpu.vector_load %arg18[%get3A_218] {strides = array<i32>} : memref<2000xf32, #tpu.memory_space<vmem>>, vector<16xf32>,
      %get3A_220 = vector.shape_cast %get3A_219 : vector<16xf32> to vector<16xf32>
      %sub3A_221 = arith.subf %get3A_217, %get3A_220 : vector<16xf32>
      %get3A_222 = arith.index_cast %mul3A_209 : i32 to index
      %get3A_223 = tpu.vector_load %arg22[%get3A_222] {strides = array<i32>} : memref<2000xf32, #tpu.memory_space<vmem>>, vector<16xf32>,
      %get3A_224 = vector.shape_cast %get3A_223 : vector<16xf32> to vector<16xf32>
      %get3A_225 = arith.index_cast %mul3A_209 : i32 to index
      %get3A_226 = tpu.vector_load %arg19[%get3A_225] {strides = array<i32>} : memref<2000xf32, #tpu.memory_space<vmem>>, vector<16xf32>,
      %get3A_227 = vector.shape_cast %get3A_226 : vector<16xf32> to vector<16xf32>
      %sub3A_228 = arith.subf %get3A_224, %get3A_227 : vector<16xf32>
      %mul3A_229 = arith.mulf %sub3A, %sub3A : vector<16xf32>
      %mul3A_230 = arith.mulf %sub3A_221, %sub3A_221 : vector<16xf32>
      %add3A_231 = arith.addf %mul3A_229, %mul3A_230 : vector<16xf32>
      %mul3A_232 = arith.mulf %sub3A_228, %sub3A_228 : vector<16xf32>
      %add3A_233 = arith.addf %add3A_231, %mul3A_232 : vector<16xf32>
      %bitcast_convert_type3A = tpu.bitcast %add3A_233 : vector<16xf32> -> vector<16xi32>
      %shift_right_arithmetic3A = arith.constant 1 : i32
      %shift_right_arithmetic3A_234 = vector.broadcast %shift_right_arithmetic3A : i32 to vector<16xi32>
      %shift_right_arithmetic3A_235 = arith.shrsi %bitcast_convert_type3A, %shift_right_arithmetic3A_234 : vector<16xi32>
      %sub3A_236 = arith.constant 1597463007 : i32
      %sub3A_237 = vector.broadcast %sub3A_236 : i32 to vector<16xi32>
      %sub3A_238 = arith.subi %sub3A_237, %shift_right_arithmetic3A_235 : vector<16xi32>
      %bitcast_convert_type3A_239 = tpu.bitcast %sub3A_238 : vector<16xi32> -> vector<16xf32>
      %mul3A_240 = arith.constant 5.000000e-01 : f32
      %mul3A_241 = vector.broadcast %mul3A_240 : f32 to vector<16xf32>
      %mul3A_242 = arith.mulf %mul3A_241, %add3A_233 : vector<16xf32>
      %mul3A_243 = arith.mulf %mul3A_242, %bitcast_convert_type3A_239 : vector<16xf32>
      %mul3A_244 = arith.mulf %mul3A_243, %bitcast_convert_type3A_239 : vector<16xf32>
      %sub3A_245 = arith.constant 1.500000e+00 : f32
      %sub3A_246 = vector.broadcast %sub3A_245 : f32 to vector<16xf32>
      %sub3A_247 = arith.subf %sub3A_246, %mul3A_244 : vector<16xf32>
      %mul3A_248 = arith.mulf %bitcast_convert_type3A_239, %sub3A_247 : vector<16xf32>
      %mul3A_249 = arith.constant 5.000000e-01 : f32
      %mul3A_250 = vector.broadcast %mul3A_249 : f32 to vector<16xf32>
      %mul3A_251 = arith.mulf %mul3A_250, %add3A_233 : vector<16xf32>
      %mul3A_252 = arith.mulf %mul3A_251, %mul3A_248 : vector<16xf32>
      %mul3A_253 = arith.mulf %mul3A_252, %mul3A_248 : vector<16xf32>
      %sub3A_254 = arith.constant 1.500000e+00 : f32
      %sub3A_255 = vector.broadcast %sub3A_254 : f32 to vector<16xf32>
      %sub3A_256 = arith.subf %sub3A_255, %mul3A_253 : vector<16xf32>
      %mul3A_257 = arith.mulf %mul3A_248, %sub3A_256 : vector<16xf32>
      %gt3A = arith.constant 0.000000e+00 : f32
      %gt3A_258 = vector.broadcast %gt3A : f32 to vector<16xf32>
      %gt3A_259 = arith.cmpf ogt, %add3A_233, %gt3A_258 : vector<16xf32>
      %mul3A_260 = arith.mulf %add3A_233, %mul3A_257 : vector<16xf32>
      %jit3A = arith.constant 0.000000e+00 : f32
      %broadcast_in_dim3A = vector.broadcast %jit3A : f32 to vector<16xf32>
      %select_n3A = arith.select %gt3A_259, %mul3A_260, %broadcast_in_dim3A : vector<16xi1>, vector<16xf32>
      %mul3A_261 = arith.constant 2.000000e-01 : f32
      %mul3A_262 = vector.broadcast %mul3A_261 : f32 to vector<16xf32>
      %mul3A_263 = arith.mulf %select_n3A, %mul3A_262 : vector<16xf32>
      %mul3A_264 = arith.constant 5.000000e-01 : f32
      %mul3A_265 = vector.broadcast %mul3A_264 : f32 to vector<16xf32>
      %mul3A_266 = arith.mulf %mul3A_263, %mul3A_265 : vector<16xf32>
      %add3A_267 = arith.constant 5.000000e-01 : f32
      %add3A_268 = vector.broadcast %add3A_267 : f32 to vector<16xf32>
      %add3A_269 = arith.addf %mul3A_266, %add3A_268 : vector<16xf32>
      %convert_element_type3A_270 = arith.fptosi %add3A_269 : vector<16xf32> to vector<16xi32>
      %convert_element_type3A_271 = arith.sitofp %convert_element_type3A_270 : vector<16xi32> to vector<16xf32>
      %mul3A_272 = arith.constant 2.000000e+00 : f32
      %mul3A_273 = vector.broadcast %mul3A_272 : f32 to vector<16xf32>
      %mul3A_274 = arith.mulf %mul3A_273, %convert_element_type3A_271 : vector<16xf32>
      %sub3A_275 = arith.subf %mul3A_263, %mul3A_274 : vector<16xf32>
      %abs3A = math.absf %sub3A_275 : vector<16xf32>
      %gt3A_276 = arith.constant 5.000000e-01 : f32
      %gt3A_277 = vector.broadcast %gt3A_276 : f32 to vector<16xf32>
      %gt3A_278 = arith.cmpf ogt, %abs3A, %gt3A_277 : vector<16xf32>
      %sub3A_279 = arith.constant 1.000000e+00 : f32
      %sub3A_280 = vector.broadcast %sub3A_279 : f32 to vector<16xf32>
      %sub3A_281 = arith.subf %sub3A_280, %abs3A : vector<16xf32>
      %select_n3A_282 = arith.select %gt3A_278, %sub3A_281, %abs3A : vector<16xi1>, vector<16xf32>
      %mul3A_283 = arith.constant 3.14159274 : f32
      %mul3A_284 = vector.broadcast %mul3A_283 : f32 to vector<16xf32>
      %mul3A_285 = arith.mulf %select_n3A_282, %mul3A_284 : vector<16xf32>
      %mul3A_286 = arith.mulf %mul3A_285, %mul3A_285 : vector<16xf32>
      %mul3A_287 = arith.constant 2.08767559E-9 : f32
      %mul3A_288 = vector.broadcast %mul3A_287 : f32 to vector<16xf32>
      %mul3A_289 = arith.mulf %mul3A_286, %mul3A_288 : vector<16xf32>
      %add3A_290 = arith.constant -2.755732E-7 : f32
      %add3A_291 = vector.broadcast %add3A_290 : f32 to vector<16xf32>
      %add3A_292 = arith.addf %add3A_291, %mul3A_289 : vector<16xf32>
      %mul3A_293 = arith.mulf %mul3A_286, %add3A_292 : vector<16xf32>
      %add3A_294 = arith.constant 2.48015876E-5 : f32
      %add3A_295 = vector.broadcast %add3A_294 : f32 to vector<16xf32>
      %add3A_296 = arith.addf %add3A_295, %mul3A_293 : vector<16xf32>
      %mul3A_297 = arith.mulf %mul3A_286, %add3A_296 : vector<16xf32>
      %add3A_298 = arith.constant -0.00138888892 : f32
      %add3A_299 = vector.broadcast %add3A_298 : f32 to vector<16xf32>
      %add3A_300 = arith.addf %add3A_299, %mul3A_297 : vector<16xf32>
      %mul3A_301 = arith.mulf %mul3A_286, %add3A_300 : vector<16xf32>
      %add3A_302 = arith.constant 0.0416666679 : f32
      %add3A_303 = vector.broadcast %add3A_302 : f32 to vector<16xf32>
      %add3A_304 = arith.addf %add3A_303, %mul3A_301 : vector<16xf32>
      %mul3A_305 = arith.mulf %mul3A_286, %add3A_304 : vector<16xf32>
      %add3A_306 = arith.constant -5.000000e-01 : f32
      %add3A_307 = vector.broadcast %add3A_306 : f32 to vector<16xf32>
      %add3A_308 = arith.addf %add3A_307, %mul3A_305 : vector<16xf32>
      %mul3A_309 = arith.mulf %mul3A_286, %add3A_308 : vector<16xf32>
      %add3A_310 = arith.constant 1.000000e+00 : f32
      %add3A_311 = vector.broadcast %add3A_310 : f32 to vector<16xf32>
      %add3A_312 = arith.addf %add3A_311, %mul3A_309 : vector<16xf32>
      %neg3A = arith.constant 0.000000e+00 : f32
      %neg3A_313 = vector.broadcast %neg3A : f32 to vector<16xf32>
      %neg3A_314 = arith.subf %neg3A_313, %add3A_312 : vector<16xf32>
      %select_n3A_315 = arith.select %gt3A_278, %neg3A_314, %add3A_312 : vector<16xi1>, vector<16xf32>
      %mul3A_316 = arith.constant 5.000000e-01 : f32
      %mul3A_317 = vector.broadcast %mul3A_316 : f32 to vector<16xf32>
      %mul3A_318 = arith.mulf %mul3A_317, %select_n3A_315 : vector<16xf32>
      %add3A_319 = arith.constant 5.000000e-01 : f32
      %add3A_320 = vector.broadcast %add3A_319 : f32 to vector<16xf32>
      %add3A_321 = arith.addf %mul3A_318, %add3A_320 : vector<16xf32>
      %swap3A = arith.index_cast %mul3A_209 : i32 to index
      %swap3A_322 = tpu.vector_load %arg31[%swap3A] {strides = array<i32>} : memref<2000xf32, #tpu.memory_space<vmem>>, vector<16xf32>,
      %swap3A_323 = vector.shape_cast %swap3A_322 : vector<16xf32> to vector<16xf32>
      %swap3A_324 = vector.shape_cast %sub3A : vector<16xf32> to vector<16xf32>
      tpu.vector_store %arg31[%swap3A], %swap3A_324 {strides = array<i32>} : memref<2000xf32, #tpu.memory_space<vmem>>, vector<16xf32>,
      %swap3A_325 = arith.index_cast %mul3A_209 : i32 to index
      %swap3A_326 = tpu.vector_load %arg32[%swap3A_325] {strides = array<i32>} : memref<2000xf32, #tpu.memory_space<vmem>>, vector<16xf32>,
      %swap3A_327 = vector.shape_cast %swap3A_326 : vector<16xf32> to vector<16xf32>
      %swap3A_328 = vector.shape_cast %sub3A_221 : vector<16xf32> to vector<16xf32>
      tpu.vector_store %arg32[%swap3A_325], %swap3A_328 {strides = array<i32>} : memref<2000xf32, #tpu.memory_space<vmem>>, vector<16xf32>,
      %swap3A_329 = arith.index_cast %mul3A_209 : i32 to index
      %swap3A_330 = tpu.vector_load %arg33[%swap3A_329] {strides = array<i32>} : memref<2000xf32, #tpu.memory_space<vmem>>, vector<16xf32>,
      %swap3A_331 = vector.shape_cast %swap3A_330 : vector<16xf32> to vector<16xf32>
      %swap3A_332 = vector.shape_cast %sub3A_228 : vector<16xf32> to vector<16xf32>
      tpu.vector_store %arg33[%swap3A_329], %swap3A_332 {strides = array<i32>} : memref<2000xf32, #tpu.memory_space<vmem>>, vector<16xf32>,
      %swap3A_333 = arith.index_cast %mul3A_209 : i32 to index
      %swap3A_334 = tpu.vector_load %arg34[%swap3A_333] {strides = array<i32>} : memref<2000xf32, #tpu.memory_space<vmem>>, vector<16xf32>,
      %swap3A_335 = vector.shape_cast %swap3A_334 : vector<16xf32> to vector<16xf32>
      %swap3A_336 = vector.shape_cast %select_n3A : vector<16xf32> to vector<16xf32>
      tpu.vector_store %arg34[%swap3A_333], %swap3A_336 {strides = array<i32>} : memref<2000xf32, #tpu.memory_space<vmem>>, vector<16xf32>,
      %swap3A_337 = arith.index_cast %mul3A_209 : i32 to index
      %swap3A_338 = tpu.vector_load %arg35[%swap3A_337] {strides = array<i32>} : memref<2000xf32, #tpu.memory_space<vmem>>, vector<16xf32>,
      %swap3A_339 = vector.shape_cast %swap3A_338 : vector<16xf32> to vector<16xf32>
      %swap3A_340 = vector.shape_cast %add3A_321 : vector<16xf32> to vector<16xf32>
      tpu.vector_store %arg35[%swap3A_337], %swap3A_340 {strides = array<i32>} : memref<2000xf32, #tpu.memory_space<vmem>>, vector<16xf32>,
      %scan3A_341 = arith.constant 0 : i32
      scf.yield %scan3A_341 : i32
    }
    %scan3A_60 = arith.constant 125 : i32
    %mul3A_61 = arith.constant 50000 : i32
    %mul3A_62 = arith.muli %add3A, %mul3A_61 : i32
    %add3A_63 = arith.constant 0 : i32
    %add3A_64 = arith.addi %mul3A_62, %add3A_63 : i32
    %dma_start3A_65 = tpu.memref_slice %arg7[%add3A_64] : memref<1600000xf32, #tpu.memory_space<hbm>> -> memref<2000xf32, #tpu.memory_space<hbm>>
    %dma_start3A_66 = tpu.memref_slice %arg7[%add3A_64] : memref<1600000xf32, #tpu.memory_space<hbm>> -> memref<2000xf32, #tpu.memory_space<hbm>>
    tpu.enqueue_dma source(%arg31 : memref<2000xf32, #tpu.memory_space<vmem>>) target(%dma_start3A_66 : memref<2000xf32, #tpu.memory_space<hbm>>) target_semaphore(%arg43 : memref<!tpu.dma_semaphore, #tpu.memory_space<semaphore_mem>>)
    %dma_start3A_67 = tpu.memref_slice %arg8[%add3A_64] : memref<1600000xf32, #tpu.memory_space<hbm>> -> memref<2000xf32, #tpu.memory_space<hbm>>
    %dma_start3A_68 = tpu.memref_slice %arg8[%add3A_64] : memref<1600000xf32, #tpu.memory_space<hbm>> -> memref<2000xf32, #tpu.memory_space<hbm>>
    tpu.enqueue_dma source(%arg32 : memref<2000xf32, #tpu.memory_space<vmem>>) target(%dma_start3A_68 : memref<2000xf32, #tpu.memory_space<hbm>>) target_semaphore(%arg43 : memref<!tpu.dma_semaphore, #tpu.memory_space<semaphore_mem>>)
    %dma_start3A_69 = tpu.memref_slice %arg9[%add3A_64] : memref<1600000xf32, #tpu.memory_space<hbm>> -> memref<2000xf32, #tpu.memory_space<hbm>>
    %dma_start3A_70 = tpu.memref_slice %arg9[%add3A_64] : memref<1600000xf32, #tpu.memory_space<hbm>> -> memref<2000xf32, #tpu.memory_space<hbm>>
    tpu.enqueue_dma source(%arg33 : memref<2000xf32, #tpu.memory_space<vmem>>) target(%dma_start3A_70 : memref<2000xf32, #tpu.memory_space<hbm>>) target_semaphore(%arg43 : memref<!tpu.dma_semaphore, #tpu.memory_space<semaphore_mem>>)
    %dma_start3A_71 = tpu.memref_slice %arg10[%add3A_64] : memref<1600000xf32, #tpu.memory_space<hbm>> -> memref<2000xf32, #tpu.memory_space<hbm>>
    %dma_start3A_72 = tpu.memref_slice %arg10[%add3A_64] : memref<1600000xf32, #tpu.memory_space<hbm>> -> memref<2000xf32, #tpu.memory_space<hbm>>
    tpu.enqueue_dma source(%arg34 : memref<2000xf32, #tpu.memory_space<vmem>>) target(%dma_start3A_72 : memref<2000xf32, #tpu.memory_space<hbm>>) target_semaphore(%arg43 : memref<!tpu.dma_semaphore, #tpu.memory_space<semaphore_mem>>)
    %dma_start3A_73 = tpu.memref_slice %arg11[%add3A_64] : memref<1600000xf32, #tpu.memory_space<hbm>> -> memref<2000xf32, #tpu.memory_space<hbm>>
    %dma_start3A_74 = tpu.memref_slice %arg11[%add3A_64] : memref<1600000xf32, #tpu.memory_space<hbm>> -> memref<2000xf32, #tpu.memory_space<hbm>>
    tpu.enqueue_dma source(%arg35 : memref<2000xf32, #tpu.memory_space<vmem>>) target(%dma_start3A_74 : memref<2000xf32, #tpu.memory_space<hbm>>) target_semaphore(%arg43 : memref<!tpu.dma_semaphore, #tpu.memory_space<semaphore_mem>>)
    %mul3A_75 = arith.constant 50000 : i32
    %mul3A_76 = arith.muli %add3A, %mul3A_75 : i32
    %add3A_77 = arith.constant 4000 : i32
    %add3A_78 = arith.addi %mul3A_76, %add3A_77 : i32
    "tpu.region"() ({
      %run_scoped3A = tpu.sem_alloc : memref<!tpu.dma_semaphore, #tpu.memory_space<semaphore_mem>>
      %dma_start3A_206 = tpu.memref_slice %arg5[%add3A_78] : memref<1600000xi32, #tpu.memory_space<hbm>> -> memref<2000xi32, #tpu.memory_space<hbm>>
      %dma_start3A_207 = tpu.memref_slice %arg5[%add3A_78] : memref<1600000xi32, #tpu.memory_space<hbm>> -> memref<2000xi32, #tpu.memory_space<hbm>>
      tpu.enqueue_dma source(%dma_start3A_207 : memref<2000xi32, #tpu.memory_space<hbm>>) target(%arg15 : memref<2000xi32, #tpu.memory_space<vmem>>) target_semaphore(%run_scoped3A : memref<!tpu.dma_semaphore, #tpu.memory_space<semaphore_mem>>)
      %dma_wait3A_208 = tpu.memref_slice %arg5[%add3A_78] : memref<1600000xi32, #tpu.memory_space<hbm>> -> memref<2000xi32, #tpu.memory_space<hbm>>
      %dma_wait3A_209 = tpu.memref_slice %arg5[%add3A_78] : memref<1600000xi32, #tpu.memory_space<hbm>> -> memref<2000xi32, #tpu.memory_space<hbm>>
      tpu.wait_dma2 semaphore(%run_scoped3A : memref<!tpu.dma_semaphore, #tpu.memory_space<semaphore_mem>>) src(%dma_wait3A_209 : memref<2000xi32, #tpu.memory_space<hbm>>) dst(%arg15 : memref<2000xi32, #tpu.memory_space<vmem>>)
      tpu.yield
    }) : () -> ()
    "tpu.region"() ({
      %run_scoped3A = tpu.sem_alloc : memref<!tpu.dma_semaphore, #tpu.memory_space<semaphore_mem>>
      %dma_start3A_206 = tpu.memref_slice %arg6[%add3A_78] : memref<1600000xi32, #tpu.memory_space<hbm>> -> memref<2000xi32, #tpu.memory_space<hbm>>
      %dma_start3A_207 = tpu.memref_slice %arg6[%add3A_78] : memref<1600000xi32, #tpu.memory_space<hbm>> -> memref<2000xi32, #tpu.memory_space<hbm>>
      tpu.enqueue_dma source(%dma_start3A_207 : memref<2000xi32, #tpu.memory_space<hbm>>) target(%arg16 : memref<2000xi32, #tpu.memory_space<vmem>>) target_semaphore(%run_scoped3A : memref<!tpu.dma_semaphore, #tpu.memory_space<semaphore_mem>>)
      %dma_wait3A_208 = tpu.memref_slice %arg6[%add3A_78] : memref<1600000xi32, #tpu.memory_space<hbm>> -> memref<2000xi32, #tpu.memory_space<hbm>>
      %dma_wait3A_209 = tpu.memref_slice %arg6[%add3A_78] : memref<1600000xi32, #tpu.memory_space<hbm>> -> memref<2000xi32, #tpu.memory_space<hbm>>
      tpu.wait_dma2 semaphore(%run_scoped3A : memref<!tpu.dma_semaphore, #tpu.memory_space<semaphore_mem>>) src(%dma_wait3A_209 : memref<2000xi32, #tpu.memory_space<hbm>>) dst(%arg16 : memref<2000xi32, #tpu.memory_space<vmem>>)
      tpu.yield
    }) : () -> ()
    %dma_start3A_79 = arith.constant 0 : i32
    %dma_start3A_80 = tpu.memref_slice %arg12[%dma_start3A_79] : memref<50000xf32, #tpu.memory_space<vmem_shared>> -> memref<50000xf32, #tpu.memory_space<vmem_shared>>
    tpu.enqueue_indirect_dma source(%dma_start3A_80 : memref<50000xf32, #tpu.memory_space<vmem_shared>>) target(%arg17 : memref<2000xf32, #tpu.memory_space<vmem>>) offsets(%arg15 : memref<2000xi32, #tpu.memory_space<vmem>>) semaphore(%arg41 : memref<!tpu.dma_semaphore, #tpu.memory_space<semaphore_mem>>)
    %dma_start3A_81 = arith.constant 0 : i32
    %dma_start3A_82 = tpu.memref_slice %arg13[%dma_start3A_81] : memref<50000xf32, #tpu.memory_space<vmem_shared>> -> memref<50000xf32, #tpu.memory_space<vmem_shared>>
    tpu.enqueue_indirect_dma source(%dma_start3A_82 : memref<50000xf32, #tpu.memory_space<vmem_shared>>) target(%arg18 : memref<2000xf32, #tpu.memory_space<vmem>>) offsets(%arg15 : memref<2000xi32, #tpu.memory_space<vmem>>) semaphore(%arg41 : memref<!tpu.dma_semaphore, #tpu.memory_space<semaphore_mem>>)
    %dma_start3A_83 = arith.constant 0 : i32
    %dma_start3A_84 = tpu.memref_slice %arg14[%dma_start3A_83] : memref<50000xf32, #tpu.memory_space<vmem_shared>> -> memref<50000xf32, #tpu.memory_space<vmem_shared>>
    tpu.enqueue_indirect_dma source(%dma_start3A_84 : memref<50000xf32, #tpu.memory_space<vmem_shared>>) target(%arg19 : memref<2000xf32, #tpu.memory_space<vmem>>) offsets(%arg15 : memref<2000xi32, #tpu.memory_space<vmem>>) semaphore(%arg41 : memref<!tpu.dma_semaphore, #tpu.memory_space<semaphore_mem>>)
    %dma_start3A_85 = arith.constant 0 : i32
    %dma_start3A_86 = tpu.memref_slice %arg12[%dma_start3A_85] : memref<50000xf32, #tpu.memory_space<vmem_shared>> -> memref<50000xf32, #tpu.memory_space<vmem_shared>>
    tpu.enqueue_indirect_dma source(%dma_start3A_86 : memref<50000xf32, #tpu.memory_space<vmem_shared>>) target(%arg20 : memref<2000xf32, #tpu.memory_space<vmem>>) offsets(%arg16 : memref<2000xi32, #tpu.memory_space<vmem>>) semaphore(%arg41 : memref<!tpu.dma_semaphore, #tpu.memory_space<semaphore_mem>>)
    %dma_start3A_87 = arith.constant 0 : i32
    %dma_start3A_88 = tpu.memref_slice %arg13[%dma_start3A_87] : memref<50000xf32, #tpu.memory_space<vmem_shared>> -> memref<50000xf32, #tpu.memory_space<vmem_shared>>
    tpu.enqueue_indirect_dma source(%dma_start3A_88 : memref<50000xf32, #tpu.memory_space<vmem_shared>>) target(%arg21 : memref<2000xf32, #tpu.memory_space<vmem>>) offsets(%arg16 : memref<2000xi32, #tpu.memory_space<vmem>>) semaphore(%arg41 : memref<!tpu.dma_semaphore, #tpu.memory_space<semaphore_mem>>)
    %dma_start3A_89 = arith.constant 0 : i32
    %dma_start3A_90 = tpu.memref_slice %arg14[%dma_start3A_89] : memref<50000xf32, #tpu.memory_space<vmem_shared>> -> memref<50000xf32, #tpu.memory_space<vmem_shared>>
    tpu.enqueue_indirect_dma source(%dma_start3A_90 : memref<50000xf32, #tpu.memory_space<vmem_shared>>) target(%arg22 : memref<2000xf32, #tpu.memory_space<vmem>>) offsets(%arg16 : memref<2000xi32, #tpu.memory_space<vmem>>) semaphore(%arg41 : memref<!tpu.dma_semaphore, #tpu.memory_space<semaphore_mem>>)
    %dma_wait3A_91 = arith.constant 0 : i32
    %dma_wait3A_92 = tpu.memref_slice %arg12[%dma_wait3A_91] : memref<50000xf32, #tpu.memory_space<vmem_shared>> -> memref<50000xf32, #tpu.memory_space<vmem_shared>>
    tpu.wait_indirect_dma semaphore(%arg42 : memref<!tpu.dma_semaphore, #tpu.memory_space<semaphore_mem>>) src(%dma_wait3A_92 : memref<50000xf32, #tpu.memory_space<vmem_shared>>) dst(%arg25 : memref<2000xf32, #tpu.memory_space<vmem>>)
    %dma_wait3A_93 = arith.constant 0 : i32
    %dma_wait3A_94 = tpu.memref_slice %arg13[%dma_wait3A_93] : memref<50000xf32, #tpu.memory_space<vmem_shared>> -> memref<50000xf32, #tpu.memory_space<vmem_shared>>
    tpu.wait_indirect_dma semaphore(%arg42 : memref<!tpu.dma_semaphore, #tpu.memory_space<semaphore_mem>>) src(%dma_wait3A_94 : memref<50000xf32, #tpu.memory_space<vmem_shared>>) dst(%arg26 : memref<2000xf32, #tpu.memory_space<vmem>>)
    %dma_wait3A_95 = arith.constant 0 : i32
    %dma_wait3A_96 = tpu.memref_slice %arg14[%dma_wait3A_95] : memref<50000xf32, #tpu.memory_space<vmem_shared>> -> memref<50000xf32, #tpu.memory_space<vmem_shared>>
    tpu.wait_indirect_dma semaphore(%arg42 : memref<!tpu.dma_semaphore, #tpu.memory_space<semaphore_mem>>) src(%dma_wait3A_96 : memref<50000xf32, #tpu.memory_space<vmem_shared>>) dst(%arg27 : memref<2000xf32, #tpu.memory_space<vmem>>)
    %dma_wait3A_97 = arith.constant 0 : i32
    %dma_wait3A_98 = tpu.memref_slice %arg12[%dma_wait3A_97] : memref<50000xf32, #tpu.memory_space<vmem_shared>> -> memref<50000xf32, #tpu.memory_space<vmem_shared>>
    tpu.wait_indirect_dma semaphore(%arg42 : memref<!tpu.dma_semaphore, #tpu.memory_space<semaphore_mem>>) src(%dma_wait3A_98 : memref<50000xf32, #tpu.memory_space<vmem_shared>>) dst(%arg28 : memref<2000xf32, #tpu.memory_space<vmem>>)
    %dma_wait3A_99 = arith.constant 0 : i32
    %dma_wait3A_100 = tpu.memref_slice %arg13[%dma_wait3A_99] : memref<50000xf32, #tpu.memory_space<vmem_shared>> -> memref<50000xf32, #tpu.memory_space<vmem_shared>>
    tpu.wait_indirect_dma semaphore(%arg42 : memref<!tpu.dma_semaphore, #tpu.memory_space<semaphore_mem>>) src(%dma_wait3A_100 : memref<50000xf32, #tpu.memory_space<vmem_shared>>) dst(%arg29 : memref<2000xf32, #tpu.memory_space<vmem>>)
    %dma_wait3A_101 = arith.constant 0 : i32
    %dma_wait3A_102 = tpu.memref_slice %arg14[%dma_wait3A_101] : memref<50000xf32, #tpu.memory_space<vmem_shared>> -> memref<50000xf32, #tpu.memory_space<vmem_shared>>
    tpu.wait_indirect_dma semaphore(%arg42 : memref<!tpu.dma_semaphore, #tpu.memory_space<semaphore_mem>>) src(%dma_wait3A_102 : memref<50000xf32, #tpu.memory_space<vmem_shared>>) dst(%arg30 : memref<2000xf32, #tpu.memory_space<vmem>>)
    %scan3A_103 = arith.constant 0 : i32
    %scan3A_104 = arith.constant 0 : i32
    %scan3A_105 = arith.constant 125 : i32
    %scan3A_106 = arith.addi %scan3A_104, %scan3A_105 : i32
    %scan3A_107 = arith.constant 1 : i32
    %scan3A_108 = scf.for %scan3A_206 = %scan3A_104 to %scan3A_106 step %scan3A_107 iter_args(%scan3A_207 = %scan3A_103) -> (i32)  : i32 {
      %mul3A_208 = arith.constant 16 : i32
      %mul3A_209 = arith.muli %scan3A_206, %mul3A_208 : i32
      %get3A = arith.index_cast %mul3A_209 : i32 to index
      %get3A_210 = tpu.vector_load %arg28[%get3A] {strides = array<i32>} : memref<2000xf32, #tpu.memory_space<vmem>>, vector<16xf32>,
      %get3A_211 = vector.shape_cast %get3A_210 : vector<16xf32> to vector<16xf32>
      %get3A_212 = arith.index_cast %mul3A_209 : i32 to index
      %get3A_213 = tpu.vector_load %arg25[%get3A_212] {strides = array<i32>} : memref<2000xf32, #tpu.memory_space<vmem>>, vector<16xf32>,
      %get3A_214 = vector.shape_cast %get3A_213 : vector<16xf32> to vector<16xf32>
      %sub3A = arith.subf %get3A_211, %get3A_214 : vector<16xf32>
      %get3A_215 = arith.index_cast %mul3A_209 : i32 to index
      %get3A_216 = tpu.vector_load %arg29[%get3A_215] {strides = array<i32>} : memref<2000xf32, #tpu.memory_space<vmem>>, vector<16xf32>,
      %get3A_217 = vector.shape_cast %get3A_216 : vector<16xf32> to vector<16xf32>
      %get3A_218 = arith.index_cast %mul3A_209 : i32 to index
      %get3A_219 = tpu.vector_load %arg26[%get3A_218] {strides = array<i32>} : memref<2000xf32, #tpu.memory_space<vmem>>, vector<16xf32>,
      %get3A_220 = vector.shape_cast %get3A_219 : vector<16xf32> to vector<16xf32>
      %sub3A_221 = arith.subf %get3A_217, %get3A_220 : vector<16xf32>
      %get3A_222 = arith.index_cast %mul3A_209 : i32 to index
      %get3A_223 = tpu.vector_load %arg30[%get3A_222] {strides = array<i32>} : memref<2000xf32, #tpu.memory_space<vmem>>, vector<16xf32>,
      %get3A_224 = vector.shape_cast %get3A_223 : vector<16xf32> to vector<16xf32>
      %get3A_225 = arith.index_cast %mul3A_209 : i32 to index
      %get3A_226 = tpu.vector_load %arg27[%get3A_225] {strides = array<i32>} : memref<2000xf32, #tpu.memory_space<vmem>>, vector<16xf32>,
      %get3A_227 = vector.shape_cast %get3A_226 : vector<16xf32> to vector<16xf32>
      %sub3A_228 = arith.subf %get3A_224, %get3A_227 : vector<16xf32>
      %mul3A_229 = arith.mulf %sub3A, %sub3A : vector<16xf32>
      %mul3A_230 = arith.mulf %sub3A_221, %sub3A_221 : vector<16xf32>
      %add3A_231 = arith.addf %mul3A_229, %mul3A_230 : vector<16xf32>
      %mul3A_232 = arith.mulf %sub3A_228, %sub3A_228 : vector<16xf32>
      %add3A_233 = arith.addf %add3A_231, %mul3A_232 : vector<16xf32>
      %bitcast_convert_type3A = tpu.bitcast %add3A_233 : vector<16xf32> -> vector<16xi32>
      %shift_right_arithmetic3A = arith.constant 1 : i32
      %shift_right_arithmetic3A_234 = vector.broadcast %shift_right_arithmetic3A : i32 to vector<16xi32>
      %shift_right_arithmetic3A_235 = arith.shrsi %bitcast_convert_type3A, %shift_right_arithmetic3A_234 : vector<16xi32>
      %sub3A_236 = arith.constant 1597463007 : i32
      %sub3A_237 = vector.broadcast %sub3A_236 : i32 to vector<16xi32>
      %sub3A_238 = arith.subi %sub3A_237, %shift_right_arithmetic3A_235 : vector<16xi32>
      %bitcast_convert_type3A_239 = tpu.bitcast %sub3A_238 : vector<16xi32> -> vector<16xf32>
      %mul3A_240 = arith.constant 5.000000e-01 : f32
      %mul3A_241 = vector.broadcast %mul3A_240 : f32 to vector<16xf32>
      %mul3A_242 = arith.mulf %mul3A_241, %add3A_233 : vector<16xf32>
      %mul3A_243 = arith.mulf %mul3A_242, %bitcast_convert_type3A_239 : vector<16xf32>
      %mul3A_244 = arith.mulf %mul3A_243, %bitcast_convert_type3A_239 : vector<16xf32>
      %sub3A_245 = arith.constant 1.500000e+00 : f32
      %sub3A_246 = vector.broadcast %sub3A_245 : f32 to vector<16xf32>
      %sub3A_247 = arith.subf %sub3A_246, %mul3A_244 : vector<16xf32>
      %mul3A_248 = arith.mulf %bitcast_convert_type3A_239, %sub3A_247 : vector<16xf32>
      %mul3A_249 = arith.constant 5.000000e-01 : f32
      %mul3A_250 = vector.broadcast %mul3A_249 : f32 to vector<16xf32>
      %mul3A_251 = arith.mulf %mul3A_250, %add3A_233 : vector<16xf32>
      %mul3A_252 = arith.mulf %mul3A_251, %mul3A_248 : vector<16xf32>
      %mul3A_253 = arith.mulf %mul3A_252, %mul3A_248 : vector<16xf32>
      %sub3A_254 = arith.constant 1.500000e+00 : f32
      %sub3A_255 = vector.broadcast %sub3A_254 : f32 to vector<16xf32>
      %sub3A_256 = arith.subf %sub3A_255, %mul3A_253 : vector<16xf32>
      %mul3A_257 = arith.mulf %mul3A_248, %sub3A_256 : vector<16xf32>
      %gt3A = arith.constant 0.000000e+00 : f32
      %gt3A_258 = vector.broadcast %gt3A : f32 to vector<16xf32>
      %gt3A_259 = arith.cmpf ogt, %add3A_233, %gt3A_258 : vector<16xf32>
      %mul3A_260 = arith.mulf %add3A_233, %mul3A_257 : vector<16xf32>
      %jit3A = arith.constant 0.000000e+00 : f32
      %broadcast_in_dim3A = vector.broadcast %jit3A : f32 to vector<16xf32>
      %select_n3A = arith.select %gt3A_259, %mul3A_260, %broadcast_in_dim3A : vector<16xi1>, vector<16xf32>
      %mul3A_261 = arith.constant 2.000000e-01 : f32
      %mul3A_262 = vector.broadcast %mul3A_261 : f32 to vector<16xf32>
      %mul3A_263 = arith.mulf %select_n3A, %mul3A_262 : vector<16xf32>
      %mul3A_264 = arith.constant 5.000000e-01 : f32
      %mul3A_265 = vector.broadcast %mul3A_264 : f32 to vector<16xf32>
      %mul3A_266 = arith.mulf %mul3A_263, %mul3A_265 : vector<16xf32>
      %add3A_267 = arith.constant 5.000000e-01 : f32
      %add3A_268 = vector.broadcast %add3A_267 : f32 to vector<16xf32>
      %add3A_269 = arith.addf %mul3A_266, %add3A_268 : vector<16xf32>
      %convert_element_type3A_270 = arith.fptosi %add3A_269 : vector<16xf32> to vector<16xi32>
      %convert_element_type3A_271 = arith.sitofp %convert_element_type3A_270 : vector<16xi32> to vector<16xf32>
      %mul3A_272 = arith.constant 2.000000e+00 : f32
      %mul3A_273 = vector.broadcast %mul3A_272 : f32 to vector<16xf32>
      %mul3A_274 = arith.mulf %mul3A_273, %convert_element_type3A_271 : vector<16xf32>
      %sub3A_275 = arith.subf %mul3A_263, %mul3A_274 : vector<16xf32>
      %abs3A = math.absf %sub3A_275 : vector<16xf32>
      %gt3A_276 = arith.constant 5.000000e-01 : f32
      %gt3A_277 = vector.broadcast %gt3A_276 : f32 to vector<16xf32>
      %gt3A_278 = arith.cmpf ogt, %abs3A, %gt3A_277 : vector<16xf32>
      %sub3A_279 = arith.constant 1.000000e+00 : f32
      %sub3A_280 = vector.broadcast %sub3A_279 : f32 to vector<16xf32>
      %sub3A_281 = arith.subf %sub3A_280, %abs3A : vector<16xf32>
      %select_n3A_282 = arith.select %gt3A_278, %sub3A_281, %abs3A : vector<16xi1>, vector<16xf32>
      %mul3A_283 = arith.constant 3.14159274 : f32
      %mul3A_284 = vector.broadcast %mul3A_283 : f32 to vector<16xf32>
      %mul3A_285 = arith.mulf %select_n3A_282, %mul3A_284 : vector<16xf32>
      %mul3A_286 = arith.mulf %mul3A_285, %mul3A_285 : vector<16xf32>
      %mul3A_287 = arith.constant 2.08767559E-9 : f32
      %mul3A_288 = vector.broadcast %mul3A_287 : f32 to vector<16xf32>
      %mul3A_289 = arith.mulf %mul3A_286, %mul3A_288 : vector<16xf32>
      %add3A_290 = arith.constant -2.755732E-7 : f32
      %add3A_291 = vector.broadcast %add3A_290 : f32 to vector<16xf32>
      %add3A_292 = arith.addf %add3A_291, %mul3A_289 : vector<16xf32>
      %mul3A_293 = arith.mulf %mul3A_286, %add3A_292 : vector<16xf32>
      %add3A_294 = arith.constant 2.48015876E-5 : f32
      %add3A_295 = vector.broadcast %add3A_294 : f32 to vector<16xf32>
      %add3A_296 = arith.addf %add3A_295, %mul3A_293 : vector<16xf32>
      %mul3A_297 = arith.mulf %mul3A_286, %add3A_296 : vector<16xf32>
      %add3A_298 = arith.constant -0.00138888892 : f32
      %add3A_299 = vector.broadcast %add3A_298 : f32 to vector<16xf32>
      %add3A_300 = arith.addf %add3A_299, %mul3A_297 : vector<16xf32>
      %mul3A_301 = arith.mulf %mul3A_286, %add3A_300 : vector<16xf32>
      %add3A_302 = arith.constant 0.0416666679 : f32
      %add3A_303 = vector.broadcast %add3A_302 : f32 to vector<16xf32>
      %add3A_304 = arith.addf %add3A_303, %mul3A_301 : vector<16xf32>
      %mul3A_305 = arith.mulf %mul3A_286, %add3A_304 : vector<16xf32>
      %add3A_306 = arith.constant -5.000000e-01 : f32
      %add3A_307 = vector.broadcast %add3A_306 : f32 to vector<16xf32>
      %add3A_308 = arith.addf %add3A_307, %mul3A_305 : vector<16xf32>
      %mul3A_309 = arith.mulf %mul3A_286, %add3A_308 : vector<16xf32>
      %add3A_310 = arith.constant 1.000000e+00 : f32
      %add3A_311 = vector.broadcast %add3A_310 : f32 to vector<16xf32>
      %add3A_312 = arith.addf %add3A_311, %mul3A_309 : vector<16xf32>
      %neg3A = arith.constant 0.000000e+00 : f32
      %neg3A_313 = vector.broadcast %neg3A : f32 to vector<16xf32>
      %neg3A_314 = arith.subf %neg3A_313, %add3A_312 : vector<16xf32>
      %select_n3A_315 = arith.select %gt3A_278, %neg3A_314, %add3A_312 : vector<16xi1>, vector<16xf32>
      %mul3A_316 = arith.constant 5.000000e-01 : f32
      %mul3A_317 = vector.broadcast %mul3A_316 : f32 to vector<16xf32>
      %mul3A_318 = arith.mulf %mul3A_317, %select_n3A_315 : vector<16xf32>
      %add3A_319 = arith.constant 5.000000e-01 : f32
      %add3A_320 = vector.broadcast %add3A_319 : f32 to vector<16xf32>
      %add3A_321 = arith.addf %mul3A_318, %add3A_320 : vector<16xf32>
      %swap3A = arith.index_cast %mul3A_209 : i32 to index
      %swap3A_322 = tpu.vector_load %arg36[%swap3A] {strides = array<i32>} : memref<2000xf32, #tpu.memory_space<vmem>>, vector<16xf32>,
      %swap3A_323 = vector.shape_cast %swap3A_322 : vector<16xf32> to vector<16xf32>
      %swap3A_324 = vector.shape_cast %sub3A : vector<16xf32> to vector<16xf32>
      tpu.vector_store %arg36[%swap3A], %swap3A_324 {strides = array<i32>} : memref<2000xf32, #tpu.memory_space<vmem>>, vector<16xf32>,
      %swap3A_325 = arith.index_cast %mul3A_209 : i32 to index
      %swap3A_326 = tpu.vector_load %arg37[%swap3A_325] {strides = array<i32>} : memref<2000xf32, #tpu.memory_space<vmem>>, vector<16xf32>,
      %swap3A_327 = vector.shape_cast %swap3A_326 : vector<16xf32> to vector<16xf32>
      %swap3A_328 = vector.shape_cast %sub3A_221 : vector<16xf32> to vector<16xf32>
      tpu.vector_store %arg37[%swap3A_325], %swap3A_328 {strides = array<i32>} : memref<2000xf32, #tpu.memory_space<vmem>>, vector<16xf32>,
      %swap3A_329 = arith.index_cast %mul3A_209 : i32 to index
      %swap3A_330 = tpu.vector_load %arg38[%swap3A_329] {strides = array<i32>} : memref<2000xf32, #tpu.memory_space<vmem>>, vector<16xf32>,
      %swap3A_331 = vector.shape_cast %swap3A_330 : vector<16xf32> to vector<16xf32>
      %swap3A_332 = vector.shape_cast %sub3A_228 : vector<16xf32> to vector<16xf32>
      tpu.vector_store %arg38[%swap3A_329], %swap3A_332 {strides = array<i32>} : memref<2000xf32, #tpu.memory_space<vmem>>, vector<16xf32>,
      %swap3A_333 = arith.index_cast %mul3A_209 : i32 to index
      %swap3A_334 = tpu.vector_load %arg39[%swap3A_333] {strides = array<i32>} : memref<2000xf32, #tpu.memory_space<vmem>>, vector<16xf32>,
      %swap3A_335 = vector.shape_cast %swap3A_334 : vector<16xf32> to vector<16xf32>
      %swap3A_336 = vector.shape_cast %select_n3A : vector<16xf32> to vector<16xf32>
      tpu.vector_store %arg39[%swap3A_333], %swap3A_336 {strides = array<i32>} : memref<2000xf32, #tpu.memory_space<vmem>>, vector<16xf32>,
      %swap3A_337 = arith.index_cast %mul3A_209 : i32 to index
      %swap3A_338 = tpu.vector_load %arg40[%swap3A_337] {strides = array<i32>} : memref<2000xf32, #tpu.memory_space<vmem>>, vector<16xf32>,
      %swap3A_339 = vector.shape_cast %swap3A_338 : vector<16xf32> to vector<16xf32>
      %swap3A_340 = vector.shape_cast %add3A_321 : vector<16xf32> to vector<16xf32>
      tpu.vector_store %arg40[%swap3A_337], %swap3A_340 {strides = array<i32>} : memref<2000xf32, #tpu.memory_space<vmem>>, vector<16xf32>,
      %scan3A_341 = arith.constant 0 : i32
      scf.yield %scan3A_341 : i32
    }
    %scan3A_109 = arith.constant 125 : i32
    %mul3A_110 = arith.constant 50000 : i32
    %mul3A_111 = arith.muli %add3A, %mul3A_110 : i32
    %add3A_112 = arith.constant 2000 : i32
    %add3A_113 = arith.addi %mul3A_111, %add3A_112 : i32
    %dma_start3A_114 = tpu.memref_slice %arg7[%add3A_113] : memref<1600000xf32, #tpu.memory_space<hbm>> -> memref<2000xf32, #tpu.memory_space<hbm>>
    %dma_start3A_115 = tpu.memref_slice %arg7[%add3A_113] : memref<1600000xf32, #tpu.memory_space<hbm>> -> memref<2000xf32, #tpu.memory_space<hbm>>
    tpu.enqueue_dma source(%arg36 : memref<2000xf32, #tpu.memory_space<vmem>>) target(%dma_start3A_115 : memref<2000xf32, #tpu.memory_space<hbm>>) target_semaphore(%arg44 : memref<!tpu.dma_semaphore, #tpu.memory_space<semaphore_mem>>)
    %dma_start3A_116 = tpu.memref_slice %arg8[%add3A_113] : memref<1600000xf32, #tpu.memory_space<hbm>> -> memref<2000xf32, #tpu.memory_space<hbm>>
    %dma_start3A_117 = tpu.memref_slice %arg8[%add3A_113] : memref<1600000xf32, #tpu.memory_space<hbm>> -> memref<2000xf32, #tpu.memory_space<hbm>>
    tpu.enqueue_dma source(%arg37 : memref<2000xf32, #tpu.memory_space<vmem>>) target(%dma_start3A_117 : memref<2000xf32, #tpu.memory_space<hbm>>) target_semaphore(%arg44 : memref<!tpu.dma_semaphore, #tpu.memory_space<semaphore_mem>>)
    %dma_start3A_118 = tpu.memref_slice %arg9[%add3A_113] : memref<1600000xf32, #tpu.memory_space<hbm>> -> memref<2000xf32, #tpu.memory_space<hbm>>
    %dma_start3A_119 = tpu.memref_slice %arg9[%add3A_113] : memref<1600000xf32, #tpu.memory_space<hbm>> -> memref<2000xf32, #tpu.memory_space<hbm>>
    tpu.enqueue_dma source(%arg38 : memref<2000xf32, #tpu.memory_space<vmem>>) target(%dma_start3A_119 : memref<2000xf32, #tpu.memory_space<hbm>>) target_semaphore(%arg44 : memref<!tpu.dma_semaphore, #tpu.memory_space<semaphore_mem>>)
    %dma_start3A_120 = tpu.memref_slice %arg10[%add3A_113] : memref<1600000xf32, #tpu.memory_space<hbm>> -> memref<2000xf32, #tpu.memory_space<hbm>>
    %dma_start3A_121 = tpu.memref_slice %arg10[%add3A_113] : memref<1600000xf32, #tpu.memory_space<hbm>> -> memref<2000xf32, #tpu.memory_space<hbm>>
    tpu.enqueue_dma source(%arg39 : memref<2000xf32, #tpu.memory_space<vmem>>) target(%dma_start3A_121 : memref<2000xf32, #tpu.memory_space<hbm>>) target_semaphore(%arg44 : memref<!tpu.dma_semaphore, #tpu.memory_space<semaphore_mem>>)
    %dma_start3A_122 = tpu.memref_slice %arg11[%add3A_113] : memref<1600000xf32, #tpu.memory_space<hbm>> -> memref<2000xf32, #tpu.memory_space<hbm>>
    %dma_start3A_123 = tpu.memref_slice %arg11[%add3A_113] : memref<1600000xf32, #tpu.memory_space<hbm>> -> memref<2000xf32, #tpu.memory_space<hbm>>
    tpu.enqueue_dma source(%arg40 : memref<2000xf32, #tpu.memory_space<vmem>>) target(%dma_start3A_123 : memref<2000xf32, #tpu.memory_space<hbm>>) target_semaphore(%arg44 : memref<!tpu.dma_semaphore, #tpu.memory_space<semaphore_mem>>)
    %scan3A_124 = arith.constant 0 : i32
    %scan3A_125 = arith.constant 0 : i32
    %scan3A_126 = arith.constant 11 : i32
    %scan3A_127 = arith.addi %scan3A_125, %scan3A_126 : i32
    %scan3A_128 = arith.constant 1 : i32
    %scan3A_129 = scf.for %scan3A_206 = %scan3A_125 to %scan3A_127 step %scan3A_128 iter_args(%scan3A_207 = %scan3A_124) -> (i32)  : i32 {
      %mul3A_208 = arith.constant 2 : i32
      %mul3A_209 = arith.muli %mul3A_208, %scan3A_206 : i32
      %add3A_210 = arith.constant 2 : i32
      %add3A_211 = arith.addi %mul3A_209, %add3A_210 : i32
      %add3A_212 = arith.constant 1 : i32
      %add3A_213 = arith.addi %add3A_211, %add3A_212 : i32
      %mul3A_214 = arith.constant 50000 : i32
      %mul3A_215 = arith.muli %add3A, %mul3A_214 : i32
      %mul3A_216 = arith.constant 2000 : i32
      %mul3A_217 = arith.muli %add3A_213, %mul3A_216 : i32
      %add3A_218 = arith.addi %mul3A_215, %mul3A_217 : i32
      "tpu.region"() ({
        %run_scoped3A = tpu.sem_alloc : memref<!tpu.dma_semaphore, #tpu.memory_space<semaphore_mem>>
        %dma_start3A_351 = tpu.memref_slice %arg5[%add3A_218] : memref<1600000xi32, #tpu.memory_space<hbm>> -> memref<2000xi32, #tpu.memory_space<hbm>>
        %dma_start3A_352 = tpu.memref_slice %arg5[%add3A_218] : memref<1600000xi32, #tpu.memory_space<hbm>> -> memref<2000xi32, #tpu.memory_space<hbm>>
        tpu.enqueue_dma source(%dma_start3A_352 : memref<2000xi32, #tpu.memory_space<hbm>>) target(%arg23 : memref<2000xi32, #tpu.memory_space<vmem>>) target_semaphore(%run_scoped3A : memref<!tpu.dma_semaphore, #tpu.memory_space<semaphore_mem>>)
        %dma_wait3A_353 = tpu.memref_slice %arg5[%add3A_218] : memref<1600000xi32, #tpu.memory_space<hbm>> -> memref<2000xi32, #tpu.memory_space<hbm>>
        %dma_wait3A_354 = tpu.memref_slice %arg5[%add3A_218] : memref<1600000xi32, #tpu.memory_space<hbm>> -> memref<2000xi32, #tpu.memory_space<hbm>>
        tpu.wait_dma2 semaphore(%run_scoped3A : memref<!tpu.dma_semaphore, #tpu.memory_space<semaphore_mem>>) src(%dma_wait3A_354 : memref<2000xi32, #tpu.memory_space<hbm>>) dst(%arg23 : memref<2000xi32, #tpu.memory_space<vmem>>)
        tpu.yield
      }) : () -> ()
      "tpu.region"() ({
        %run_scoped3A = tpu.sem_alloc : memref<!tpu.dma_semaphore, #tpu.memory_space<semaphore_mem>>
        %dma_start3A_351 = tpu.memref_slice %arg6[%add3A_218] : memref<1600000xi32, #tpu.memory_space<hbm>> -> memref<2000xi32, #tpu.memory_space<hbm>>
        %dma_start3A_352 = tpu.memref_slice %arg6[%add3A_218] : memref<1600000xi32, #tpu.memory_space<hbm>> -> memref<2000xi32, #tpu.memory_space<hbm>>
        tpu.enqueue_dma source(%dma_start3A_352 : memref<2000xi32, #tpu.memory_space<hbm>>) target(%arg24 : memref<2000xi32, #tpu.memory_space<vmem>>) target_semaphore(%run_scoped3A : memref<!tpu.dma_semaphore, #tpu.memory_space<semaphore_mem>>)
        %dma_wait3A_353 = tpu.memref_slice %arg6[%add3A_218] : memref<1600000xi32, #tpu.memory_space<hbm>> -> memref<2000xi32, #tpu.memory_space<hbm>>
        %dma_wait3A_354 = tpu.memref_slice %arg6[%add3A_218] : memref<1600000xi32, #tpu.memory_space<hbm>> -> memref<2000xi32, #tpu.memory_space<hbm>>
        tpu.wait_dma2 semaphore(%run_scoped3A : memref<!tpu.dma_semaphore, #tpu.memory_space<semaphore_mem>>) src(%dma_wait3A_354 : memref<2000xi32, #tpu.memory_space<hbm>>) dst(%arg24 : memref<2000xi32, #tpu.memory_space<vmem>>)
        tpu.yield
      }) : () -> ()
      %dma_start3A_219 = arith.constant 0 : i32
      %dma_start3A_220 = tpu.memref_slice %arg12[%dma_start3A_219] : memref<50000xf32, #tpu.memory_space<vmem_shared>> -> memref<50000xf32, #tpu.memory_space<vmem_shared>>
      tpu.enqueue_indirect_dma source(%dma_start3A_220 : memref<50000xf32, #tpu.memory_space<vmem_shared>>) target(%arg25 : memref<2000xf32, #tpu.memory_space<vmem>>) offsets(%arg23 : memref<2000xi32, #tpu.memory_space<vmem>>) semaphore(%arg42 : memref<!tpu.dma_semaphore, #tpu.memory_space<semaphore_mem>>)
      %dma_start3A_221 = arith.constant 0 : i32
      %dma_start3A_222 = tpu.memref_slice %arg13[%dma_start3A_221] : memref<50000xf32, #tpu.memory_space<vmem_shared>> -> memref<50000xf32, #tpu.memory_space<vmem_shared>>
      tpu.enqueue_indirect_dma source(%dma_start3A_222 : memref<50000xf32, #tpu.memory_space<vmem_shared>>) target(%arg26 : memref<2000xf32, #tpu.memory_space<vmem>>) offsets(%arg23 : memref<2000xi32, #tpu.memory_space<vmem>>) semaphore(%arg42 : memref<!tpu.dma_semaphore, #tpu.memory_space<semaphore_mem>>)
      %dma_start3A_223 = arith.constant 0 : i32
      %dma_start3A_224 = tpu.memref_slice %arg14[%dma_start3A_223] : memref<50000xf32, #tpu.memory_space<vmem_shared>> -> memref<50000xf32, #tpu.memory_space<vmem_shared>>
      tpu.enqueue_indirect_dma source(%dma_start3A_224 : memref<50000xf32, #tpu.memory_space<vmem_shared>>) target(%arg27 : memref<2000xf32, #tpu.memory_space<vmem>>) offsets(%arg23 : memref<2000xi32, #tpu.memory_space<vmem>>) semaphore(%arg42 : memref<!tpu.dma_semaphore, #tpu.memory_space<semaphore_mem>>)
      %dma_start3A_225 = arith.constant 0 : i32
      %dma_start3A_226 = tpu.memref_slice %arg12[%dma_start3A_225] : memref<50000xf32, #tpu.memory_space<vmem_shared>> -> memref<50000xf32, #tpu.memory_space<vmem_shared>>
      tpu.enqueue_indirect_dma source(%dma_start3A_226 : memref<50000xf32, #tpu.memory_space<vmem_shared>>) target(%arg28 : memref<2000xf32, #tpu.memory_space<vmem>>) offsets(%arg24 : memref<2000xi32, #tpu.memory_space<vmem>>) semaphore(%arg42 : memref<!tpu.dma_semaphore, #tpu.memory_space<semaphore_mem>>)
      %dma_start3A_227 = arith.constant 0 : i32
      %dma_start3A_228 = tpu.memref_slice %arg13[%dma_start3A_227] : memref<50000xf32, #tpu.memory_space<vmem_shared>> -> memref<50000xf32, #tpu.memory_space<vmem_shared>>
      tpu.enqueue_indirect_dma source(%dma_start3A_228 : memref<50000xf32, #tpu.memory_space<vmem_shared>>) target(%arg29 : memref<2000xf32, #tpu.memory_space<vmem>>) offsets(%arg24 : memref<2000xi32, #tpu.memory_space<vmem>>) semaphore(%arg42 : memref<!tpu.dma_semaphore, #tpu.memory_space<semaphore_mem>>)
      %dma_start3A_229 = arith.constant 0 : i32
      %dma_start3A_230 = tpu.memref_slice %arg14[%dma_start3A_229] : memref<50000xf32, #tpu.memory_space<vmem_shared>> -> memref<50000xf32, #tpu.memory_space<vmem_shared>>
      tpu.enqueue_indirect_dma source(%dma_start3A_230 : memref<50000xf32, #tpu.memory_space<vmem_shared>>) target(%arg30 : memref<2000xf32, #tpu.memory_space<vmem>>) offsets(%arg24 : memref<2000xi32, #tpu.memory_space<vmem>>) semaphore(%arg42 : memref<!tpu.dma_semaphore, #tpu.memory_space<semaphore_mem>>)
      %dma_wait3A_231 = arith.constant 0 : i32
      %dma_wait3A_232 = tpu.memref_slice %arg12[%dma_wait3A_231] : memref<50000xf32, #tpu.memory_space<vmem_shared>> -> memref<50000xf32, #tpu.memory_space<vmem_shared>>
      tpu.wait_indirect_dma semaphore(%arg41 : memref<!tpu.dma_semaphore, #tpu.memory_space<semaphore_mem>>) src(%dma_wait3A_232 : memref<50000xf32, #tpu.memory_space<vmem_shared>>) dst(%arg17 : memref<2000xf32, #tpu.memory_space<vmem>>)
      %dma_wait3A_233 = arith.constant 0 : i32
      %dma_wait3A_234 = tpu.memref_slice %arg13[%dma_wait3A_233] : memref<50000xf32, #tpu.memory_space<vmem_shared>> -> memref<50000xf32, #tpu.memory_space<vmem_shared>>
      tpu.wait_indirect_dma semaphore(%arg41 : memref<!tpu.dma_semaphore, #tpu.memory_space<semaphore_mem>>) src(%dma_wait3A_234 : memref<50000xf32, #tpu.memory_space<vmem_shared>>) dst(%arg18 : memref<2000xf32, #tpu.memory_space<vmem>>)
      %dma_wait3A_235 = arith.constant 0 : i32
      %dma_wait3A_236 = tpu.memref_slice %arg14[%dma_wait3A_235] : memref<50000xf32, #tpu.memory_space<vmem_shared>> -> memref<50000xf32, #tpu.memory_space<vmem_shared>>
      tpu.wait_indirect_dma semaphore(%arg41 : memref<!tpu.dma_semaphore, #tpu.memory_space<semaphore_mem>>) src(%dma_wait3A_236 : memref<50000xf32, #tpu.memory_space<vmem_shared>>) dst(%arg19 : memref<2000xf32, #tpu.memory_space<vmem>>)
      %dma_wait3A_237 = arith.constant 0 : i32
      %dma_wait3A_238 = tpu.memref_slice %arg12[%dma_wait3A_237] : memref<50000xf32, #tpu.memory_space<vmem_shared>> -> memref<50000xf32, #tpu.memory_space<vmem_shared>>
      tpu.wait_indirect_dma semaphore(%arg41 : memref<!tpu.dma_semaphore, #tpu.memory_space<semaphore_mem>>) src(%dma_wait3A_238 : memref<50000xf32, #tpu.memory_space<vmem_shared>>) dst(%arg20 : memref<2000xf32, #tpu.memory_space<vmem>>)
      %dma_wait3A_239 = arith.constant 0 : i32
      %dma_wait3A_240 = tpu.memref_slice %arg13[%dma_wait3A_239] : memref<50000xf32, #tpu.memory_space<vmem_shared>> -> memref<50000xf32, #tpu.memory_space<vmem_shared>>
      tpu.wait_indirect_dma semaphore(%arg41 : memref<!tpu.dma_semaphore, #tpu.memory_space<semaphore_mem>>) src(%dma_wait3A_240 : memref<50000xf32, #tpu.memory_space<vmem_shared>>) dst(%arg21 : memref<2000xf32, #tpu.memory_space<vmem>>)
      %dma_wait3A_241 = arith.constant 0 : i32
      %dma_wait3A_242 = tpu.memref_slice %arg14[%dma_wait3A_241] : memref<50000xf32, #tpu.memory_space<vmem_shared>> -> memref<50000xf32, #tpu.memory_space<vmem_shared>>
      tpu.wait_indirect_dma semaphore(%arg41 : memref<!tpu.dma_semaphore, #tpu.memory_space<semaphore_mem>>) src(%dma_wait3A_242 : memref<50000xf32, #tpu.memory_space<vmem_shared>>) dst(%arg22 : memref<2000xf32, #tpu.memory_space<vmem>>)
      %mul3A_243 = arith.constant 50000 : i32
      %mul3A_244 = arith.muli %add3A, %mul3A_243 : i32
      %add3A_245 = arith.constant 0 : i32
      %add3A_246 = arith.addi %mul3A_244, %add3A_245 : i32
      %dma_wait3A_247 = tpu.memref_slice %arg7[%add3A_246] : memref<1600000xf32, #tpu.memory_space<hbm>> -> memref<2000xf32, #tpu.memory_space<hbm>>
      %dma_wait3A_248 = tpu.memref_slice %arg7[%add3A_246] : memref<1600000xf32, #tpu.memory_space<hbm>> -> memref<2000xf32, #tpu.memory_space<hbm>>
      tpu.wait_dma2 semaphore(%arg43 : memref<!tpu.dma_semaphore, #tpu.memory_space<semaphore_mem>>) src(%arg31 : memref<2000xf32, #tpu.memory_space<vmem>>) dst(%dma_wait3A_248 : memref<2000xf32, #tpu.memory_space<hbm>>)
      %dma_wait3A_249 = tpu.memref_slice %arg8[%add3A_246] : memref<1600000xf32, #tpu.memory_space<hbm>> -> memref<2000xf32, #tpu.memory_space<hbm>>
      %dma_wait3A_250 = tpu.memref_slice %arg8[%add3A_246] : memref<1600000xf32, #tpu.memory_space<hbm>> -> memref<2000xf32, #tpu.memory_space<hbm>>
      tpu.wait_dma2 semaphore(%arg43 : memref<!tpu.dma_semaphore, #tpu.memory_space<semaphore_mem>>) src(%arg32 : memref<2000xf32, #tpu.memory_space<vmem>>) dst(%dma_wait3A_250 : memref<2000xf32, #tpu.memory_space<hbm>>)
      %dma_wait3A_251 = tpu.memref_slice %arg9[%add3A_246] : memref<1600000xf32, #tpu.memory_space<hbm>> -> memref<2000xf32, #tpu.memory_space<hbm>>
      %dma_wait3A_252 = tpu.memref_slice %arg9[%add3A_246] : memref<1600000xf32, #tpu.memory_space<hbm>> -> memref<2000xf32, #tpu.memory_space<hbm>>
      tpu.wait_dma2 semaphore(%arg43 : memref<!tpu.dma_semaphore, #tpu.memory_space<semaphore_mem>>) src(%arg33 : memref<2000xf32, #tpu.memory_space<vmem>>) dst(%dma_wait3A_252 : memref<2000xf32, #tpu.memory_space<hbm>>)
      %dma_wait3A_253 = tpu.memref_slice %arg10[%add3A_246] : memref<1600000xf32, #tpu.memory_space<hbm>> -> memref<2000xf32, #tpu.memory_space<hbm>>
      %dma_wait3A_254 = tpu.memref_slice %arg10[%add3A_246] : memref<1600000xf32, #tpu.memory_space<hbm>> -> memref<2000xf32, #tpu.memory_space<hbm>>
      tpu.wait_dma2 semaphore(%arg43 : memref<!tpu.dma_semaphore, #tpu.memory_space<semaphore_mem>>) src(%arg34 : memref<2000xf32, #tpu.memory_space<vmem>>) dst(%dma_wait3A_254 : memref<2000xf32, #tpu.memory_space<hbm>>)
      %dma_wait3A_255 = tpu.memref_slice %arg11[%add3A_246] : memref<1600000xf32, #tpu.memory_space<hbm>> -> memref<2000xf32, #tpu.memory_space<hbm>>
      %dma_wait3A_256 = tpu.memref_slice %arg11[%add3A_246] : memref<1600000xf32, #tpu.memory_space<hbm>> -> memref<2000xf32, #tpu.memory_space<hbm>>
      tpu.wait_dma2 semaphore(%arg43 : memref<!tpu.dma_semaphore, #tpu.memory_space<semaphore_mem>>) src(%arg35 : memref<2000xf32, #tpu.memory_space<vmem>>) dst(%dma_wait3A_256 : memref<2000xf32, #tpu.memory_space<hbm>>)
      %scan3A_257 = arith.constant 0 : i32
      %scan3A_258 = arith.constant 0 : i32
      %scan3A_259 = arith.constant 125 : i32
      %scan3A_260 = arith.addi %scan3A_258, %scan3A_259 : i32
      %scan3A_261 = arith.constant 1 : i32
      %scan3A_262 = scf.for %scan3A_351 = %scan3A_258 to %scan3A_260 step %scan3A_261 iter_args(%scan3A_352 = %scan3A_257) -> (i32)  : i32 {
        %mul3A_353 = arith.constant 16 : i32
        %mul3A_354 = arith.muli %scan3A_351, %mul3A_353 : i32
        %get3A = arith.index_cast %mul3A_354 : i32 to index
        %get3A_355 = tpu.vector_load %arg20[%get3A] {strides = array<i32>} : memref<2000xf32, #tpu.memory_space<vmem>>, vector<16xf32>,
        %get3A_356 = vector.shape_cast %get3A_355 : vector<16xf32> to vector<16xf32>
        %get3A_357 = arith.index_cast %mul3A_354 : i32 to index
        %get3A_358 = tpu.vector_load %arg17[%get3A_357] {strides = array<i32>} : memref<2000xf32, #tpu.memory_space<vmem>>, vector<16xf32>,
        %get3A_359 = vector.shape_cast %get3A_358 : vector<16xf32> to vector<16xf32>
        %sub3A = arith.subf %get3A_356, %get3A_359 : vector<16xf32>
        %get3A_360 = arith.index_cast %mul3A_354 : i32 to index
        %get3A_361 = tpu.vector_load %arg21[%get3A_360] {strides = array<i32>} : memref<2000xf32, #tpu.memory_space<vmem>>, vector<16xf32>,
        %get3A_362 = vector.shape_cast %get3A_361 : vector<16xf32> to vector<16xf32>
        %get3A_363 = arith.index_cast %mul3A_354 : i32 to index
        %get3A_364 = tpu.vector_load %arg18[%get3A_363] {strides = array<i32>} : memref<2000xf32, #tpu.memory_space<vmem>>, vector<16xf32>,
        %get3A_365 = vector.shape_cast %get3A_364 : vector<16xf32> to vector<16xf32>
        %sub3A_366 = arith.subf %get3A_362, %get3A_365 : vector<16xf32>
        %get3A_367 = arith.index_cast %mul3A_354 : i32 to index
        %get3A_368 = tpu.vector_load %arg22[%get3A_367] {strides = array<i32>} : memref<2000xf32, #tpu.memory_space<vmem>>, vector<16xf32>,
        %get3A_369 = vector.shape_cast %get3A_368 : vector<16xf32> to vector<16xf32>
        %get3A_370 = arith.index_cast %mul3A_354 : i32 to index
        %get3A_371 = tpu.vector_load %arg19[%get3A_370] {strides = array<i32>} : memref<2000xf32, #tpu.memory_space<vmem>>, vector<16xf32>,
        %get3A_372 = vector.shape_cast %get3A_371 : vector<16xf32> to vector<16xf32>
        %sub3A_373 = arith.subf %get3A_369, %get3A_372 : vector<16xf32>
        %mul3A_374 = arith.mulf %sub3A, %sub3A : vector<16xf32>
        %mul3A_375 = arith.mulf %sub3A_366, %sub3A_366 : vector<16xf32>
        %add3A_376 = arith.addf %mul3A_374, %mul3A_375 : vector<16xf32>
        %mul3A_377 = arith.mulf %sub3A_373, %sub3A_373 : vector<16xf32>
        %add3A_378 = arith.addf %add3A_376, %mul3A_377 : vector<16xf32>
        %bitcast_convert_type3A = tpu.bitcast %add3A_378 : vector<16xf32> -> vector<16xi32>
        %shift_right_arithmetic3A = arith.constant 1 : i32
        %shift_right_arithmetic3A_379 = vector.broadcast %shift_right_arithmetic3A : i32 to vector<16xi32>
        %shift_right_arithmetic3A_380 = arith.shrsi %bitcast_convert_type3A, %shift_right_arithmetic3A_379 : vector<16xi32>
        %sub3A_381 = arith.constant 1597463007 : i32
        %sub3A_382 = vector.broadcast %sub3A_381 : i32 to vector<16xi32>
        %sub3A_383 = arith.subi %sub3A_382, %shift_right_arithmetic3A_380 : vector<16xi32>
        %bitcast_convert_type3A_384 = tpu.bitcast %sub3A_383 : vector<16xi32> -> vector<16xf32>
        %mul3A_385 = arith.constant 5.000000e-01 : f32
        %mul3A_386 = vector.broadcast %mul3A_385 : f32 to vector<16xf32>
        %mul3A_387 = arith.mulf %mul3A_386, %add3A_378 : vector<16xf32>
        %mul3A_388 = arith.mulf %mul3A_387, %bitcast_convert_type3A_384 : vector<16xf32>
        %mul3A_389 = arith.mulf %mul3A_388, %bitcast_convert_type3A_384 : vector<16xf32>
        %sub3A_390 = arith.constant 1.500000e+00 : f32
        %sub3A_391 = vector.broadcast %sub3A_390 : f32 to vector<16xf32>
        %sub3A_392 = arith.subf %sub3A_391, %mul3A_389 : vector<16xf32>
        %mul3A_393 = arith.mulf %bitcast_convert_type3A_384, %sub3A_392 : vector<16xf32>
        %mul3A_394 = arith.constant 5.000000e-01 : f32
        %mul3A_395 = vector.broadcast %mul3A_394 : f32 to vector<16xf32>
        %mul3A_396 = arith.mulf %mul3A_395, %add3A_378 : vector<16xf32>
        %mul3A_397 = arith.mulf %mul3A_396, %mul3A_393 : vector<16xf32>
        %mul3A_398 = arith.mulf %mul3A_397, %mul3A_393 : vector<16xf32>
        %sub3A_399 = arith.constant 1.500000e+00 : f32
        %sub3A_400 = vector.broadcast %sub3A_399 : f32 to vector<16xf32>
        %sub3A_401 = arith.subf %sub3A_400, %mul3A_398 : vector<16xf32>
        %mul3A_402 = arith.mulf %mul3A_393, %sub3A_401 : vector<16xf32>
        %gt3A = arith.constant 0.000000e+00 : f32
        %gt3A_403 = vector.broadcast %gt3A : f32 to vector<16xf32>
        %gt3A_404 = arith.cmpf ogt, %add3A_378, %gt3A_403 : vector<16xf32>
        %mul3A_405 = arith.mulf %add3A_378, %mul3A_402 : vector<16xf32>
        %jit3A = arith.constant 0.000000e+00 : f32
        %broadcast_in_dim3A = vector.broadcast %jit3A : f32 to vector<16xf32>
        %select_n3A = arith.select %gt3A_404, %mul3A_405, %broadcast_in_dim3A : vector<16xi1>, vector<16xf32>
        %mul3A_406 = arith.constant 2.000000e-01 : f32
        %mul3A_407 = vector.broadcast %mul3A_406 : f32 to vector<16xf32>
        %mul3A_408 = arith.mulf %select_n3A, %mul3A_407 : vector<16xf32>
        %mul3A_409 = arith.constant 5.000000e-01 : f32
        %mul3A_410 = vector.broadcast %mul3A_409 : f32 to vector<16xf32>
        %mul3A_411 = arith.mulf %mul3A_408, %mul3A_410 : vector<16xf32>
        %add3A_412 = arith.constant 5.000000e-01 : f32
        %add3A_413 = vector.broadcast %add3A_412 : f32 to vector<16xf32>
        %add3A_414 = arith.addf %mul3A_411, %add3A_413 : vector<16xf32>
        %convert_element_type3A_415 = arith.fptosi %add3A_414 : vector<16xf32> to vector<16xi32>
        %convert_element_type3A_416 = arith.sitofp %convert_element_type3A_415 : vector<16xi32> to vector<16xf32>
        %mul3A_417 = arith.constant 2.000000e+00 : f32
        %mul3A_418 = vector.broadcast %mul3A_417 : f32 to vector<16xf32>
        %mul3A_419 = arith.mulf %mul3A_418, %convert_element_type3A_416 : vector<16xf32>
        %sub3A_420 = arith.subf %mul3A_408, %mul3A_419 : vector<16xf32>
        %abs3A = math.absf %sub3A_420 : vector<16xf32>
        %gt3A_421 = arith.constant 5.000000e-01 : f32
        %gt3A_422 = vector.broadcast %gt3A_421 : f32 to vector<16xf32>
        %gt3A_423 = arith.cmpf ogt, %abs3A, %gt3A_422 : vector<16xf32>
        %sub3A_424 = arith.constant 1.000000e+00 : f32
        %sub3A_425 = vector.broadcast %sub3A_424 : f32 to vector<16xf32>
        %sub3A_426 = arith.subf %sub3A_425, %abs3A : vector<16xf32>
        %select_n3A_427 = arith.select %gt3A_423, %sub3A_426, %abs3A : vector<16xi1>, vector<16xf32>
        %mul3A_428 = arith.constant 3.14159274 : f32
        %mul3A_429 = vector.broadcast %mul3A_428 : f32 to vector<16xf32>
        %mul3A_430 = arith.mulf %select_n3A_427, %mul3A_429 : vector<16xf32>
        %mul3A_431 = arith.mulf %mul3A_430, %mul3A_430 : vector<16xf32>
        %mul3A_432 = arith.constant 2.08767559E-9 : f32
        %mul3A_433 = vector.broadcast %mul3A_432 : f32 to vector<16xf32>
        %mul3A_434 = arith.mulf %mul3A_431, %mul3A_433 : vector<16xf32>
        %add3A_435 = arith.constant -2.755732E-7 : f32
        %add3A_436 = vector.broadcast %add3A_435 : f32 to vector<16xf32>
        %add3A_437 = arith.addf %add3A_436, %mul3A_434 : vector<16xf32>
        %mul3A_438 = arith.mulf %mul3A_431, %add3A_437 : vector<16xf32>
        %add3A_439 = arith.constant 2.48015876E-5 : f32
        %add3A_440 = vector.broadcast %add3A_439 : f32 to vector<16xf32>
        %add3A_441 = arith.addf %add3A_440, %mul3A_438 : vector<16xf32>
        %mul3A_442 = arith.mulf %mul3A_431, %add3A_441 : vector<16xf32>
        %add3A_443 = arith.constant -0.00138888892 : f32
        %add3A_444 = vector.broadcast %add3A_443 : f32 to vector<16xf32>
        %add3A_445 = arith.addf %add3A_444, %mul3A_442 : vector<16xf32>
        %mul3A_446 = arith.mulf %mul3A_431, %add3A_445 : vector<16xf32>
        %add3A_447 = arith.constant 0.0416666679 : f32
        %add3A_448 = vector.broadcast %add3A_447 : f32 to vector<16xf32>
        %add3A_449 = arith.addf %add3A_448, %mul3A_446 : vector<16xf32>
        %mul3A_450 = arith.mulf %mul3A_431, %add3A_449 : vector<16xf32>
        %add3A_451 = arith.constant -5.000000e-01 : f32
        %add3A_452 = vector.broadcast %add3A_451 : f32 to vector<16xf32>
        %add3A_453 = arith.addf %add3A_452, %mul3A_450 : vector<16xf32>
        %mul3A_454 = arith.mulf %mul3A_431, %add3A_453 : vector<16xf32>
        %add3A_455 = arith.constant 1.000000e+00 : f32
        %add3A_456 = vector.broadcast %add3A_455 : f32 to vector<16xf32>
        %add3A_457 = arith.addf %add3A_456, %mul3A_454 : vector<16xf32>
        %neg3A = arith.constant 0.000000e+00 : f32
        %neg3A_458 = vector.broadcast %neg3A : f32 to vector<16xf32>
        %neg3A_459 = arith.subf %neg3A_458, %add3A_457 : vector<16xf32>
        %select_n3A_460 = arith.select %gt3A_423, %neg3A_459, %add3A_457 : vector<16xi1>, vector<16xf32>
        %mul3A_461 = arith.constant 5.000000e-01 : f32
        %mul3A_462 = vector.broadcast %mul3A_461 : f32 to vector<16xf32>
        %mul3A_463 = arith.mulf %mul3A_462, %select_n3A_460 : vector<16xf32>
        %add3A_464 = arith.constant 5.000000e-01 : f32
        %add3A_465 = vector.broadcast %add3A_464 : f32 to vector<16xf32>
        %add3A_466 = arith.addf %mul3A_463, %add3A_465 : vector<16xf32>
        %swap3A = arith.index_cast %mul3A_354 : i32 to index
        %swap3A_467 = tpu.vector_load %arg31[%swap3A] {strides = array<i32>} : memref<2000xf32, #tpu.memory_space<vmem>>, vector<16xf32>,
        %swap3A_468 = vector.shape_cast %swap3A_467 : vector<16xf32> to vector<16xf32>
        %swap3A_469 = vector.shape_cast %sub3A : vector<16xf32> to vector<16xf32>
        tpu.vector_store %arg31[%swap3A], %swap3A_469 {strides = array<i32>} : memref<2000xf32, #tpu.memory_space<vmem>>, vector<16xf32>,
        %swap3A_470 = arith.index_cast %mul3A_354 : i32 to index
        %swap3A_471 = tpu.vector_load %arg32[%swap3A_470] {strides = array<i32>} : memref<2000xf32, #tpu.memory_space<vmem>>, vector<16xf32>,
        %swap3A_472 = vector.shape_cast %swap3A_471 : vector<16xf32> to vector<16xf32>
        %swap3A_473 = vector.shape_cast %sub3A_366 : vector<16xf32> to vector<16xf32>
        tpu.vector_store %arg32[%swap3A_470], %swap3A_473 {strides = array<i32>} : memref<2000xf32, #tpu.memory_space<vmem>>, vector<16xf32>,
        %swap3A_474 = arith.index_cast %mul3A_354 : i32 to index
        %swap3A_475 = tpu.vector_load %arg33[%swap3A_474] {strides = array<i32>} : memref<2000xf32, #tpu.memory_space<vmem>>, vector<16xf32>,
        %swap3A_476 = vector.shape_cast %swap3A_475 : vector<16xf32> to vector<16xf32>
        %swap3A_477 = vector.shape_cast %sub3A_373 : vector<16xf32> to vector<16xf32>
        tpu.vector_store %arg33[%swap3A_474], %swap3A_477 {strides = array<i32>} : memref<2000xf32, #tpu.memory_space<vmem>>, vector<16xf32>,
        %swap3A_478 = arith.index_cast %mul3A_354 : i32 to index
        %swap3A_479 = tpu.vector_load %arg34[%swap3A_478] {strides = array<i32>} : memref<2000xf32, #tpu.memory_space<vmem>>, vector<16xf32>,
        %swap3A_480 = vector.shape_cast %swap3A_479 : vector<16xf32> to vector<16xf32>
        %swap3A_481 = vector.shape_cast %select_n3A : vector<16xf32> to vector<16xf32>
        tpu.vector_store %arg34[%swap3A_478], %swap3A_481 {strides = array<i32>} : memref<2000xf32, #tpu.memory_space<vmem>>, vector<16xf32>,
        %swap3A_482 = arith.index_cast %mul3A_354 : i32 to index
        %swap3A_483 = tpu.vector_load %arg35[%swap3A_482] {strides = array<i32>} : memref<2000xf32, #tpu.memory_space<vmem>>, vector<16xf32>,
        %swap3A_484 = vector.shape_cast %swap3A_483 : vector<16xf32> to vector<16xf32>
        %swap3A_485 = vector.shape_cast %add3A_466 : vector<16xf32> to vector<16xf32>
        tpu.vector_store %arg35[%swap3A_482], %swap3A_485 {strides = array<i32>} : memref<2000xf32, #tpu.memory_space<vmem>>, vector<16xf32>,
        %scan3A_486 = arith.constant 0 : i32
        scf.yield %scan3A_486 : i32
      }
      %scan3A_263 = arith.constant 125 : i32
      %mul3A_264 = arith.constant 50000 : i32
      %mul3A_265 = arith.muli %add3A, %mul3A_264 : i32
      %mul3A_266 = arith.constant 2000 : i32
      %mul3A_267 = arith.muli %add3A_211, %mul3A_266 : i32
      %add3A_268 = arith.addi %mul3A_265, %mul3A_267 : i32
      %dma_start3A_269 = tpu.memref_slice %arg7[%add3A_268] : memref<1600000xf32, #tpu.memory_space<hbm>> -> memref<2000xf32, #tpu.memory_space<hbm>>
      %dma_start3A_270 = tpu.memref_slice %arg7[%add3A_268] : memref<1600000xf32, #tpu.memory_space<hbm>> -> memref<2000xf32, #tpu.memory_space<hbm>>
      tpu.enqueue_dma source(%arg31 : memref<2000xf32, #tpu.memory_space<vmem>>) target(%dma_start3A_270 : memref<2000xf32, #tpu.memory_space<hbm>>) target_semaphore(%arg43 : memref<!tpu.dma_semaphore, #tpu.memory_space<semaphore_mem>>)
      %dma_start3A_271 = tpu.memref_slice %arg8[%add3A_268] : memref<1600000xf32, #tpu.memory_space<hbm>> -> memref<2000xf32, #tpu.memory_space<hbm>>
      %dma_start3A_272 = tpu.memref_slice %arg8[%add3A_268] : memref<1600000xf32, #tpu.memory_space<hbm>> -> memref<2000xf32, #tpu.memory_space<hbm>>
      tpu.enqueue_dma source(%arg32 : memref<2000xf32, #tpu.memory_space<vmem>>) target(%dma_start3A_272 : memref<2000xf32, #tpu.memory_space<hbm>>) target_semaphore(%arg43 : memref<!tpu.dma_semaphore, #tpu.memory_space<semaphore_mem>>)
      %dma_start3A_273 = tpu.memref_slice %arg9[%add3A_268] : memref<1600000xf32, #tpu.memory_space<hbm>> -> memref<2000xf32, #tpu.memory_space<hbm>>
      %dma_start3A_274 = tpu.memref_slice %arg9[%add3A_268] : memref<1600000xf32, #tpu.memory_space<hbm>> -> memref<2000xf32, #tpu.memory_space<hbm>>
      tpu.enqueue_dma source(%arg33 : memref<2000xf32, #tpu.memory_space<vmem>>) target(%dma_start3A_274 : memref<2000xf32, #tpu.memory_space<hbm>>) target_semaphore(%arg43 : memref<!tpu.dma_semaphore, #tpu.memory_space<semaphore_mem>>)
      %dma_start3A_275 = tpu.memref_slice %arg10[%add3A_268] : memref<1600000xf32, #tpu.memory_space<hbm>> -> memref<2000xf32, #tpu.memory_space<hbm>>
      %dma_start3A_276 = tpu.memref_slice %arg10[%add3A_268] : memref<1600000xf32, #tpu.memory_space<hbm>> -> memref<2000xf32, #tpu.memory_space<hbm>>
      tpu.enqueue_dma source(%arg34 : memref<2000xf32, #tpu.memory_space<vmem>>) target(%dma_start3A_276 : memref<2000xf32, #tpu.memory_space<hbm>>) target_semaphore(%arg43 : memref<!tpu.dma_semaphore, #tpu.memory_space<semaphore_mem>>)
      %dma_start3A_277 = tpu.memref_slice %arg11[%add3A_268] : memref<1600000xf32, #tpu.memory_space<hbm>> -> memref<2000xf32, #tpu.memory_space<hbm>>
      %dma_start3A_278 = tpu.memref_slice %arg11[%add3A_268] : memref<1600000xf32, #tpu.memory_space<hbm>> -> memref<2000xf32, #tpu.memory_space<hbm>>
      tpu.enqueue_dma source(%arg35 : memref<2000xf32, #tpu.memory_space<vmem>>) target(%dma_start3A_278 : memref<2000xf32, #tpu.memory_space<hbm>>) target_semaphore(%arg43 : memref<!tpu.dma_semaphore, #tpu.memory_space<semaphore_mem>>)
      %add3A_279 = arith.constant 2 : i32
      %add3A_280 = arith.addi %add3A_211, %add3A_279 : i32
      %mul3A_281 = arith.constant 50000 : i32
      %mul3A_282 = arith.muli %add3A, %mul3A_281 : i32
      %mul3A_283 = arith.constant 2000 : i32
      %mul3A_284 = arith.muli %add3A_280, %mul3A_283 : i32
      %add3A_285 = arith.addi %mul3A_282, %mul3A_284 : i32
      "tpu.region"() ({
        %run_scoped3A = tpu.sem_alloc : memref<!tpu.dma_semaphore, #tpu.memory_space<semaphore_mem>>
        %dma_start3A_351 = tpu.memref_slice %arg5[%add3A_285] : memref<1600000xi32, #tpu.memory_space<hbm>> -> memref<2000xi32, #tpu.memory_space<hbm>>
        %dma_start3A_352 = tpu.memref_slice %arg5[%add3A_285] : memref<1600000xi32, #tpu.memory_space<hbm>> -> memref<2000xi32, #tpu.memory_space<hbm>>
        tpu.enqueue_dma source(%dma_start3A_352 : memref<2000xi32, #tpu.memory_space<hbm>>) target(%arg15 : memref<2000xi32, #tpu.memory_space<vmem>>) target_semaphore(%run_scoped3A : memref<!tpu.dma_semaphore, #tpu.memory_space<semaphore_mem>>)
        %dma_wait3A_353 = tpu.memref_slice %arg5[%add3A_285] : memref<1600000xi32, #tpu.memory_space<hbm>> -> memref<2000xi32, #tpu.memory_space<hbm>>
        %dma_wait3A_354 = tpu.memref_slice %arg5[%add3A_285] : memref<1600000xi32, #tpu.memory_space<hbm>> -> memref<2000xi32, #tpu.memory_space<hbm>>
        tpu.wait_dma2 semaphore(%run_scoped3A : memref<!tpu.dma_semaphore, #tpu.memory_space<semaphore_mem>>) src(%dma_wait3A_354 : memref<2000xi32, #tpu.memory_space<hbm>>) dst(%arg15 : memref<2000xi32, #tpu.memory_space<vmem>>)
        tpu.yield
      }) : () -> ()
      "tpu.region"() ({
        %run_scoped3A = tpu.sem_alloc : memref<!tpu.dma_semaphore, #tpu.memory_space<semaphore_mem>>
        %dma_start3A_351 = tpu.memref_slice %arg6[%add3A_285] : memref<1600000xi32, #tpu.memory_space<hbm>> -> memref<2000xi32, #tpu.memory_space<hbm>>
        %dma_start3A_352 = tpu.memref_slice %arg6[%add3A_285] : memref<1600000xi32, #tpu.memory_space<hbm>> -> memref<2000xi32, #tpu.memory_space<hbm>>
        tpu.enqueue_dma source(%dma_start3A_352 : memref<2000xi32, #tpu.memory_space<hbm>>) target(%arg16 : memref<2000xi32, #tpu.memory_space<vmem>>) target_semaphore(%run_scoped3A : memref<!tpu.dma_semaphore, #tpu.memory_space<semaphore_mem>>)
        %dma_wait3A_353 = tpu.memref_slice %arg6[%add3A_285] : memref<1600000xi32, #tpu.memory_space<hbm>> -> memref<2000xi32, #tpu.memory_space<hbm>>
        %dma_wait3A_354 = tpu.memref_slice %arg6[%add3A_285] : memref<1600000xi32, #tpu.memory_space<hbm>> -> memref<2000xi32, #tpu.memory_space<hbm>>
        tpu.wait_dma2 semaphore(%run_scoped3A : memref<!tpu.dma_semaphore, #tpu.memory_space<semaphore_mem>>) src(%dma_wait3A_354 : memref<2000xi32, #tpu.memory_space<hbm>>) dst(%arg16 : memref<2000xi32, #tpu.memory_space<vmem>>)
        tpu.yield
      }) : () -> ()
      %dma_start3A_286 = arith.constant 0 : i32
      %dma_start3A_287 = tpu.memref_slice %arg12[%dma_start3A_286] : memref<50000xf32, #tpu.memory_space<vmem_shared>> -> memref<50000xf32, #tpu.memory_space<vmem_shared>>
      tpu.enqueue_indirect_dma source(%dma_start3A_287 : memref<50000xf32, #tpu.memory_space<vmem_shared>>) target(%arg17 : memref<2000xf32, #tpu.memory_space<vmem>>) offsets(%arg15 : memref<2000xi32, #tpu.memory_space<vmem>>) semaphore(%arg41 : memref<!tpu.dma_semaphore, #tpu.memory_space<semaphore_mem>>)
      %dma_start3A_288 = arith.constant 0 : i32
      %dma_start3A_289 = tpu.memref_slice %arg13[%dma_start3A_288] : memref<50000xf32, #tpu.memory_space<vmem_shared>> -> memref<50000xf32, #tpu.memory_space<vmem_shared>>
      tpu.enqueue_indirect_dma source(%dma_start3A_289 : memref<50000xf32, #tpu.memory_space<vmem_shared>>) target(%arg18 : memref<2000xf32, #tpu.memory_space<vmem>>) offsets(%arg15 : memref<2000xi32, #tpu.memory_space<vmem>>) semaphore(%arg41 : memref<!tpu.dma_semaphore, #tpu.memory_space<semaphore_mem>>)
      %dma_start3A_290 = arith.constant 0 : i32
      %dma_start3A_291 = tpu.memref_slice %arg14[%dma_start3A_290] : memref<50000xf32, #tpu.memory_space<vmem_shared>> -> memref<50000xf32, #tpu.memory_space<vmem_shared>>
      tpu.enqueue_indirect_dma source(%dma_start3A_291 : memref<50000xf32, #tpu.memory_space<vmem_shared>>) target(%arg19 : memref<2000xf32, #tpu.memory_space<vmem>>) offsets(%arg15 : memref<2000xi32, #tpu.memory_space<vmem>>) semaphore(%arg41 : memref<!tpu.dma_semaphore, #tpu.memory_space<semaphore_mem>>)
      %dma_start3A_292 = arith.constant 0 : i32
      %dma_start3A_293 = tpu.memref_slice %arg12[%dma_start3A_292] : memref<50000xf32, #tpu.memory_space<vmem_shared>> -> memref<50000xf32, #tpu.memory_space<vmem_shared>>
      tpu.enqueue_indirect_dma source(%dma_start3A_293 : memref<50000xf32, #tpu.memory_space<vmem_shared>>) target(%arg20 : memref<2000xf32, #tpu.memory_space<vmem>>) offsets(%arg16 : memref<2000xi32, #tpu.memory_space<vmem>>) semaphore(%arg41 : memref<!tpu.dma_semaphore, #tpu.memory_space<semaphore_mem>>)
      %dma_start3A_294 = arith.constant 0 : i32
      %dma_start3A_295 = tpu.memref_slice %arg13[%dma_start3A_294] : memref<50000xf32, #tpu.memory_space<vmem_shared>> -> memref<50000xf32, #tpu.memory_space<vmem_shared>>
      tpu.enqueue_indirect_dma source(%dma_start3A_295 : memref<50000xf32, #tpu.memory_space<vmem_shared>>) target(%arg21 : memref<2000xf32, #tpu.memory_space<vmem>>) offsets(%arg16 : memref<2000xi32, #tpu.memory_space<vmem>>) semaphore(%arg41 : memref<!tpu.dma_semaphore, #tpu.memory_space<semaphore_mem>>)
      %dma_start3A_296 = arith.constant 0 : i32
      %dma_start3A_297 = tpu.memref_slice %arg14[%dma_start3A_296] : memref<50000xf32, #tpu.memory_space<vmem_shared>> -> memref<50000xf32, #tpu.memory_space<vmem_shared>>
      tpu.enqueue_indirect_dma source(%dma_start3A_297 : memref<50000xf32, #tpu.memory_space<vmem_shared>>) target(%arg22 : memref<2000xf32, #tpu.memory_space<vmem>>) offsets(%arg16 : memref<2000xi32, #tpu.memory_space<vmem>>) semaphore(%arg41 : memref<!tpu.dma_semaphore, #tpu.memory_space<semaphore_mem>>)
      %dma_wait3A_298 = arith.constant 0 : i32
      %dma_wait3A_299 = tpu.memref_slice %arg12[%dma_wait3A_298] : memref<50000xf32, #tpu.memory_space<vmem_shared>> -> memref<50000xf32, #tpu.memory_space<vmem_shared>>
      tpu.wait_indirect_dma semaphore(%arg42 : memref<!tpu.dma_semaphore, #tpu.memory_space<semaphore_mem>>) src(%dma_wait3A_299 : memref<50000xf32, #tpu.memory_space<vmem_shared>>) dst(%arg25 : memref<2000xf32, #tpu.memory_space<vmem>>)
      %dma_wait3A_300 = arith.constant 0 : i32
      %dma_wait3A_301 = tpu.memref_slice %arg13[%dma_wait3A_300] : memref<50000xf32, #tpu.memory_space<vmem_shared>> -> memref<50000xf32, #tpu.memory_space<vmem_shared>>
      tpu.wait_indirect_dma semaphore(%arg42 : memref<!tpu.dma_semaphore, #tpu.memory_space<semaphore_mem>>) src(%dma_wait3A_301 : memref<50000xf32, #tpu.memory_space<vmem_shared>>) dst(%arg26 : memref<2000xf32, #tpu.memory_space<vmem>>)
      %dma_wait3A_302 = arith.constant 0 : i32
      %dma_wait3A_303 = tpu.memref_slice %arg14[%dma_wait3A_302] : memref<50000xf32, #tpu.memory_space<vmem_shared>> -> memref<50000xf32, #tpu.memory_space<vmem_shared>>
      tpu.wait_indirect_dma semaphore(%arg42 : memref<!tpu.dma_semaphore, #tpu.memory_space<semaphore_mem>>) src(%dma_wait3A_303 : memref<50000xf32, #tpu.memory_space<vmem_shared>>) dst(%arg27 : memref<2000xf32, #tpu.memory_space<vmem>>)
      %dma_wait3A_304 = arith.constant 0 : i32
      %dma_wait3A_305 = tpu.memref_slice %arg12[%dma_wait3A_304] : memref<50000xf32, #tpu.memory_space<vmem_shared>> -> memref<50000xf32, #tpu.memory_space<vmem_shared>>
      tpu.wait_indirect_dma semaphore(%arg42 : memref<!tpu.dma_semaphore, #tpu.memory_space<semaphore_mem>>) src(%dma_wait3A_305 : memref<50000xf32, #tpu.memory_space<vmem_shared>>) dst(%arg28 : memref<2000xf32, #tpu.memory_space<vmem>>)
      %dma_wait3A_306 = arith.constant 0 : i32
      %dma_wait3A_307 = tpu.memref_slice %arg13[%dma_wait3A_306] : memref<50000xf32, #tpu.memory_space<vmem_shared>> -> memref<50000xf32, #tpu.memory_space<vmem_shared>>
      tpu.wait_indirect_dma semaphore(%arg42 : memref<!tpu.dma_semaphore, #tpu.memory_space<semaphore_mem>>) src(%dma_wait3A_307 : memref<50000xf32, #tpu.memory_space<vmem_shared>>) dst(%arg29 : memref<2000xf32, #tpu.memory_space<vmem>>)
      %dma_wait3A_308 = arith.constant 0 : i32
      %dma_wait3A_309 = tpu.memref_slice %arg14[%dma_wait3A_308] : memref<50000xf32, #tpu.memory_space<vmem_shared>> -> memref<50000xf32, #tpu.memory_space<vmem_shared>>
      tpu.wait_indirect_dma semaphore(%arg42 : memref<!tpu.dma_semaphore, #tpu.memory_space<semaphore_mem>>) src(%dma_wait3A_309 : memref<50000xf32, #tpu.memory_space<vmem_shared>>) dst(%arg30 : memref<2000xf32, #tpu.memory_space<vmem>>)
      %mul3A_310 = arith.constant 50000 : i32
      %mul3A_311 = arith.muli %add3A, %mul3A_310 : i32
      %add3A_312 = arith.constant 0 : i32
      %add3A_313 = arith.addi %mul3A_311, %add3A_312 : i32
      %dma_wait3A_314 = tpu.memref_slice %arg7[%add3A_313] : memref<1600000xf32, #tpu.memory_space<hbm>> -> memref<2000xf32, #tpu.memory_space<hbm>>
      %dma_wait3A_315 = tpu.memref_slice %arg7[%add3A_313] : memref<1600000xf32, #tpu.memory_space<hbm>> -> memref<2000xf32, #tpu.memory_space<hbm>>
      tpu.wait_dma2 semaphore(%arg44 : memref<!tpu.dma_semaphore, #tpu.memory_space<semaphore_mem>>) src(%arg36 : memref<2000xf32, #tpu.memory_space<vmem>>) dst(%dma_wait3A_315 : memref<2000xf32, #tpu.memory_space<hbm>>)
      %dma_wait3A_316 = tpu.memref_slice %arg8[%add3A_313] : memref<1600000xf32, #tpu.memory_space<hbm>> -> memref<2000xf32, #tpu.memory_space<hbm>>
      %dma_wait3A_317 = tpu.memref_slice %arg8[%add3A_313] : memref<1600000xf32, #tpu.memory_space<hbm>> -> memref<2000xf32, #tpu.memory_space<hbm>>
      tpu.wait_dma2 semaphore(%arg44 : memref<!tpu.dma_semaphore, #tpu.memory_space<semaphore_mem>>) src(%arg37 : memref<2000xf32, #tpu.memory_space<vmem>>) dst(%dma_wait3A_317 : memref<2000xf32, #tpu.memory_space<hbm>>)
      %dma_wait3A_318 = tpu.memref_slice %arg9[%add3A_313] : memref<1600000xf32, #tpu.memory_space<hbm>> -> memref<2000xf32, #tpu.memory_space<hbm>>
      %dma_wait3A_319 = tpu.memref_slice %arg9[%add3A_313] : memref<1600000xf32, #tpu.memory_space<hbm>> -> memref<2000xf32, #tpu.memory_space<hbm>>
      tpu.wait_dma2 semaphore(%arg44 : memref<!tpu.dma_semaphore, #tpu.memory_space<semaphore_mem>>) src(%arg38 : memref<2000xf32, #tpu.memory_space<vmem>>) dst(%dma_wait3A_319 : memref<2000xf32, #tpu.memory_space<hbm>>)
      %dma_wait3A_320 = tpu.memref_slice %arg10[%add3A_313] : memref<1600000xf32, #tpu.memory_space<hbm>> -> memref<2000xf32, #tpu.memory_space<hbm>>
      %dma_wait3A_321 = tpu.memref_slice %arg10[%add3A_313] : memref<1600000xf32, #tpu.memory_space<hbm>> -> memref<2000xf32, #tpu.memory_space<hbm>>
      tpu.wait_dma2 semaphore(%arg44 : memref<!tpu.dma_semaphore, #tpu.memory_space<semaphore_mem>>) src(%arg39 : memref<2000xf32, #tpu.memory_space<vmem>>) dst(%dma_wait3A_321 : memref<2000xf32, #tpu.memory_space<hbm>>)
      %dma_wait3A_322 = tpu.memref_slice %arg11[%add3A_313] : memref<1600000xf32, #tpu.memory_space<hbm>> -> memref<2000xf32, #tpu.memory_space<hbm>>
      %dma_wait3A_323 = tpu.memref_slice %arg11[%add3A_313] : memref<1600000xf32, #tpu.memory_space<hbm>> -> memref<2000xf32, #tpu.memory_space<hbm>>
      tpu.wait_dma2 semaphore(%arg44 : memref<!tpu.dma_semaphore, #tpu.memory_space<semaphore_mem>>) src(%arg40 : memref<2000xf32, #tpu.memory_space<vmem>>) dst(%dma_wait3A_323 : memref<2000xf32, #tpu.memory_space<hbm>>)
      %add3A_324 = arith.constant 1 : i32
      %add3A_325 = arith.addi %add3A_211, %add3A_324 : i32
      %scan3A_326 = arith.constant 0 : i32
      %scan3A_327 = arith.constant 0 : i32
      %scan3A_328 = arith.constant 125 : i32
      %scan3A_329 = arith.addi %scan3A_327, %scan3A_328 : i32
      %scan3A_330 = arith.constant 1 : i32
      %scan3A_331 = scf.for %scan3A_351 = %scan3A_327 to %scan3A_329 step %scan3A_330 iter_args(%scan3A_352 = %scan3A_326) -> (i32)  : i32 {
        %mul3A_353 = arith.constant 16 : i32
        %mul3A_354 = arith.muli %scan3A_351, %mul3A_353 : i32
        %get3A = arith.index_cast %mul3A_354 : i32 to index
        %get3A_355 = tpu.vector_load %arg28[%get3A] {strides = array<i32>} : memref<2000xf32, #tpu.memory_space<vmem>>, vector<16xf32>,
        %get3A_356 = vector.shape_cast %get3A_355 : vector<16xf32> to vector<16xf32>
        %get3A_357 = arith.index_cast %mul3A_354 : i32 to index
        %get3A_358 = tpu.vector_load %arg25[%get3A_357] {strides = array<i32>} : memref<2000xf32, #tpu.memory_space<vmem>>, vector<16xf32>,
        %get3A_359 = vector.shape_cast %get3A_358 : vector<16xf32> to vector<16xf32>
        %sub3A = arith.subf %get3A_356, %get3A_359 : vector<16xf32>
        %get3A_360 = arith.index_cast %mul3A_354 : i32 to index
        %get3A_361 = tpu.vector_load %arg29[%get3A_360] {strides = array<i32>} : memref<2000xf32, #tpu.memory_space<vmem>>, vector<16xf32>,
        %get3A_362 = vector.shape_cast %get3A_361 : vector<16xf32> to vector<16xf32>
        %get3A_363 = arith.index_cast %mul3A_354 : i32 to index
        %get3A_364 = tpu.vector_load %arg26[%get3A_363] {strides = array<i32>} : memref<2000xf32, #tpu.memory_space<vmem>>, vector<16xf32>,
        %get3A_365 = vector.shape_cast %get3A_364 : vector<16xf32> to vector<16xf32>
        %sub3A_366 = arith.subf %get3A_362, %get3A_365 : vector<16xf32>
        %get3A_367 = arith.index_cast %mul3A_354 : i32 to index
        %get3A_368 = tpu.vector_load %arg30[%get3A_367] {strides = array<i32>} : memref<2000xf32, #tpu.memory_space<vmem>>, vector<16xf32>,
        %get3A_369 = vector.shape_cast %get3A_368 : vector<16xf32> to vector<16xf32>
        %get3A_370 = arith.index_cast %mul3A_354 : i32 to index
        %get3A_371 = tpu.vector_load %arg27[%get3A_370] {strides = array<i32>} : memref<2000xf32, #tpu.memory_space<vmem>>, vector<16xf32>,
        %get3A_372 = vector.shape_cast %get3A_371 : vector<16xf32> to vector<16xf32>
        %sub3A_373 = arith.subf %get3A_369, %get3A_372 : vector<16xf32>
        %mul3A_374 = arith.mulf %sub3A, %sub3A : vector<16xf32>
        %mul3A_375 = arith.mulf %sub3A_366, %sub3A_366 : vector<16xf32>
        %add3A_376 = arith.addf %mul3A_374, %mul3A_375 : vector<16xf32>
        %mul3A_377 = arith.mulf %sub3A_373, %sub3A_373 : vector<16xf32>
        %add3A_378 = arith.addf %add3A_376, %mul3A_377 : vector<16xf32>
        %bitcast_convert_type3A = tpu.bitcast %add3A_378 : vector<16xf32> -> vector<16xi32>
        %shift_right_arithmetic3A = arith.constant 1 : i32
        %shift_right_arithmetic3A_379 = vector.broadcast %shift_right_arithmetic3A : i32 to vector<16xi32>
        %shift_right_arithmetic3A_380 = arith.shrsi %bitcast_convert_type3A, %shift_right_arithmetic3A_379 : vector<16xi32>
        %sub3A_381 = arith.constant 1597463007 : i32
        %sub3A_382 = vector.broadcast %sub3A_381 : i32 to vector<16xi32>
        %sub3A_383 = arith.subi %sub3A_382, %shift_right_arithmetic3A_380 : vector<16xi32>
        %bitcast_convert_type3A_384 = tpu.bitcast %sub3A_383 : vector<16xi32> -> vector<16xf32>
        %mul3A_385 = arith.constant 5.000000e-01 : f32
        %mul3A_386 = vector.broadcast %mul3A_385 : f32 to vector<16xf32>
        %mul3A_387 = arith.mulf %mul3A_386, %add3A_378 : vector<16xf32>
        %mul3A_388 = arith.mulf %mul3A_387, %bitcast_convert_type3A_384 : vector<16xf32>
        %mul3A_389 = arith.mulf %mul3A_388, %bitcast_convert_type3A_384 : vector<16xf32>
        %sub3A_390 = arith.constant 1.500000e+00 : f32
        %sub3A_391 = vector.broadcast %sub3A_390 : f32 to vector<16xf32>
        %sub3A_392 = arith.subf %sub3A_391, %mul3A_389 : vector<16xf32>
        %mul3A_393 = arith.mulf %bitcast_convert_type3A_384, %sub3A_392 : vector<16xf32>
        %mul3A_394 = arith.constant 5.000000e-01 : f32
        %mul3A_395 = vector.broadcast %mul3A_394 : f32 to vector<16xf32>
        %mul3A_396 = arith.mulf %mul3A_395, %add3A_378 : vector<16xf32>
        %mul3A_397 = arith.mulf %mul3A_396, %mul3A_393 : vector<16xf32>
        %mul3A_398 = arith.mulf %mul3A_397, %mul3A_393 : vector<16xf32>
        %sub3A_399 = arith.constant 1.500000e+00 : f32
        %sub3A_400 = vector.broadcast %sub3A_399 : f32 to vector<16xf32>
        %sub3A_401 = arith.subf %sub3A_400, %mul3A_398 : vector<16xf32>
        %mul3A_402 = arith.mulf %mul3A_393, %sub3A_401 : vector<16xf32>
        %gt3A = arith.constant 0.000000e+00 : f32
        %gt3A_403 = vector.broadcast %gt3A : f32 to vector<16xf32>
        %gt3A_404 = arith.cmpf ogt, %add3A_378, %gt3A_403 : vector<16xf32>
        %mul3A_405 = arith.mulf %add3A_378, %mul3A_402 : vector<16xf32>
        %jit3A = arith.constant 0.000000e+00 : f32
        %broadcast_in_dim3A = vector.broadcast %jit3A : f32 to vector<16xf32>
        %select_n3A = arith.select %gt3A_404, %mul3A_405, %broadcast_in_dim3A : vector<16xi1>, vector<16xf32>
        %mul3A_406 = arith.constant 2.000000e-01 : f32
        %mul3A_407 = vector.broadcast %mul3A_406 : f32 to vector<16xf32>
        %mul3A_408 = arith.mulf %select_n3A, %mul3A_407 : vector<16xf32>
        %mul3A_409 = arith.constant 5.000000e-01 : f32
        %mul3A_410 = vector.broadcast %mul3A_409 : f32 to vector<16xf32>
        %mul3A_411 = arith.mulf %mul3A_408, %mul3A_410 : vector<16xf32>
        %add3A_412 = arith.constant 5.000000e-01 : f32
        %add3A_413 = vector.broadcast %add3A_412 : f32 to vector<16xf32>
        %add3A_414 = arith.addf %mul3A_411, %add3A_413 : vector<16xf32>
        %convert_element_type3A_415 = arith.fptosi %add3A_414 : vector<16xf32> to vector<16xi32>
        %convert_element_type3A_416 = arith.sitofp %convert_element_type3A_415 : vector<16xi32> to vector<16xf32>
        %mul3A_417 = arith.constant 2.000000e+00 : f32
        %mul3A_418 = vector.broadcast %mul3A_417 : f32 to vector<16xf32>
        %mul3A_419 = arith.mulf %mul3A_418, %convert_element_type3A_416 : vector<16xf32>
        %sub3A_420 = arith.subf %mul3A_408, %mul3A_419 : vector<16xf32>
        %abs3A = math.absf %sub3A_420 : vector<16xf32>
        %gt3A_421 = arith.constant 5.000000e-01 : f32
        %gt3A_422 = vector.broadcast %gt3A_421 : f32 to vector<16xf32>
        %gt3A_423 = arith.cmpf ogt, %abs3A, %gt3A_422 : vector<16xf32>
        %sub3A_424 = arith.constant 1.000000e+00 : f32
        %sub3A_425 = vector.broadcast %sub3A_424 : f32 to vector<16xf32>
        %sub3A_426 = arith.subf %sub3A_425, %abs3A : vector<16xf32>
        %select_n3A_427 = arith.select %gt3A_423, %sub3A_426, %abs3A : vector<16xi1>, vector<16xf32>
        %mul3A_428 = arith.constant 3.14159274 : f32
        %mul3A_429 = vector.broadcast %mul3A_428 : f32 to vector<16xf32>
        %mul3A_430 = arith.mulf %select_n3A_427, %mul3A_429 : vector<16xf32>
        %mul3A_431 = arith.mulf %mul3A_430, %mul3A_430 : vector<16xf32>
        %mul3A_432 = arith.constant 2.08767559E-9 : f32
        %mul3A_433 = vector.broadcast %mul3A_432 : f32 to vector<16xf32>
        %mul3A_434 = arith.mulf %mul3A_431, %mul3A_433 : vector<16xf32>
        %add3A_435 = arith.constant -2.755732E-7 : f32
        %add3A_436 = vector.broadcast %add3A_435 : f32 to vector<16xf32>
        %add3A_437 = arith.addf %add3A_436, %mul3A_434 : vector<16xf32>
        %mul3A_438 = arith.mulf %mul3A_431, %add3A_437 : vector<16xf32>
        %add3A_439 = arith.constant 2.48015876E-5 : f32
        %add3A_440 = vector.broadcast %add3A_439 : f32 to vector<16xf32>
        %add3A_441 = arith.addf %add3A_440, %mul3A_438 : vector<16xf32>
        %mul3A_442 = arith.mulf %mul3A_431, %add3A_441 : vector<16xf32>
        %add3A_443 = arith.constant -0.00138888892 : f32
        %add3A_444 = vector.broadcast %add3A_443 : f32 to vector<16xf32>
        %add3A_445 = arith.addf %add3A_444, %mul3A_442 : vector<16xf32>
        %mul3A_446 = arith.mulf %mul3A_431, %add3A_445 : vector<16xf32>
        %add3A_447 = arith.constant 0.0416666679 : f32
        %add3A_448 = vector.broadcast %add3A_447 : f32 to vector<16xf32>
        %add3A_449 = arith.addf %add3A_448, %mul3A_446 : vector<16xf32>
        %mul3A_450 = arith.mulf %mul3A_431, %add3A_449 : vector<16xf32>
        %add3A_451 = arith.constant -5.000000e-01 : f32
        %add3A_452 = vector.broadcast %add3A_451 : f32 to vector<16xf32>
        %add3A_453 = arith.addf %add3A_452, %mul3A_450 : vector<16xf32>
        %mul3A_454 = arith.mulf %mul3A_431, %add3A_453 : vector<16xf32>
        %add3A_455 = arith.constant 1.000000e+00 : f32
        %add3A_456 = vector.broadcast %add3A_455 : f32 to vector<16xf32>
        %add3A_457 = arith.addf %add3A_456, %mul3A_454 : vector<16xf32>
        %neg3A = arith.constant 0.000000e+00 : f32
        %neg3A_458 = vector.broadcast %neg3A : f32 to vector<16xf32>
        %neg3A_459 = arith.subf %neg3A_458, %add3A_457 : vector<16xf32>
        %select_n3A_460 = arith.select %gt3A_423, %neg3A_459, %add3A_457 : vector<16xi1>, vector<16xf32>
        %mul3A_461 = arith.constant 5.000000e-01 : f32
        %mul3A_462 = vector.broadcast %mul3A_461 : f32 to vector<16xf32>
        %mul3A_463 = arith.mulf %mul3A_462, %select_n3A_460 : vector<16xf32>
        %add3A_464 = arith.constant 5.000000e-01 : f32
        %add3A_465 = vector.broadcast %add3A_464 : f32 to vector<16xf32>
        %add3A_466 = arith.addf %mul3A_463, %add3A_465 : vector<16xf32>
        %swap3A = arith.index_cast %mul3A_354 : i32 to index
        %swap3A_467 = tpu.vector_load %arg36[%swap3A] {strides = array<i32>} : memref<2000xf32, #tpu.memory_space<vmem>>, vector<16xf32>,
        %swap3A_468 = vector.shape_cast %swap3A_467 : vector<16xf32> to vector<16xf32>
        %swap3A_469 = vector.shape_cast %sub3A : vector<16xf32> to vector<16xf32>
        tpu.vector_store %arg36[%swap3A], %swap3A_469 {strides = array<i32>} : memref<2000xf32, #tpu.memory_space<vmem>>, vector<16xf32>,
        %swap3A_470 = arith.index_cast %mul3A_354 : i32 to index
        %swap3A_471 = tpu.vector_load %arg37[%swap3A_470] {strides = array<i32>} : memref<2000xf32, #tpu.memory_space<vmem>>, vector<16xf32>,
        %swap3A_472 = vector.shape_cast %swap3A_471 : vector<16xf32> to vector<16xf32>
        %swap3A_473 = vector.shape_cast %sub3A_366 : vector<16xf32> to vector<16xf32>
        tpu.vector_store %arg37[%swap3A_470], %swap3A_473 {strides = array<i32>} : memref<2000xf32, #tpu.memory_space<vmem>>, vector<16xf32>,
        %swap3A_474 = arith.index_cast %mul3A_354 : i32 to index
        %swap3A_475 = tpu.vector_load %arg38[%swap3A_474] {strides = array<i32>} : memref<2000xf32, #tpu.memory_space<vmem>>, vector<16xf32>,
        %swap3A_476 = vector.shape_cast %swap3A_475 : vector<16xf32> to vector<16xf32>
        %swap3A_477 = vector.shape_cast %sub3A_373 : vector<16xf32> to vector<16xf32>
        tpu.vector_store %arg38[%swap3A_474], %swap3A_477 {strides = array<i32>} : memref<2000xf32, #tpu.memory_space<vmem>>, vector<16xf32>,
        %swap3A_478 = arith.index_cast %mul3A_354 : i32 to index
        %swap3A_479 = tpu.vector_load %arg39[%swap3A_478] {strides = array<i32>} : memref<2000xf32, #tpu.memory_space<vmem>>, vector<16xf32>,
        %swap3A_480 = vector.shape_cast %swap3A_479 : vector<16xf32> to vector<16xf32>
        %swap3A_481 = vector.shape_cast %select_n3A : vector<16xf32> to vector<16xf32>
        tpu.vector_store %arg39[%swap3A_478], %swap3A_481 {strides = array<i32>} : memref<2000xf32, #tpu.memory_space<vmem>>, vector<16xf32>,
        %swap3A_482 = arith.index_cast %mul3A_354 : i32 to index
        %swap3A_483 = tpu.vector_load %arg40[%swap3A_482] {strides = array<i32>} : memref<2000xf32, #tpu.memory_space<vmem>>, vector<16xf32>,
        %swap3A_484 = vector.shape_cast %swap3A_483 : vector<16xf32> to vector<16xf32>
        %swap3A_485 = vector.shape_cast %add3A_466 : vector<16xf32> to vector<16xf32>
        tpu.vector_store %arg40[%swap3A_482], %swap3A_485 {strides = array<i32>} : memref<2000xf32, #tpu.memory_space<vmem>>, vector<16xf32>,
        %scan3A_486 = arith.constant 0 : i32
        scf.yield %scan3A_486 : i32
      }
      %scan3A_332 = arith.constant 125 : i32
      %add3A_333 = arith.constant 1 : i32
      %add3A_334 = arith.addi %add3A_211, %add3A_333 : i32
      %mul3A_335 = arith.constant 50000 : i32
      %mul3A_336 = arith.muli %add3A, %mul3A_335 : i32
      %mul3A_337 = arith.constant 2000 : i32
      %mul3A_338 = arith.muli %add3A_334, %mul3A_337 : i32
      %add3A_339 = arith.addi %mul3A_336, %mul3A_338 : i32
      %dma_start3A_340 = tpu.memref_slice %arg7[%add3A_339] : memref<1600000xf32, #tpu.memory_space<hbm>> -> memref<2000xf32, #tpu.memory_space<hbm>>
      %dma_start3A_341 = tpu.memref_slice %arg7[%add3A_339] : memref<1600000xf32, #tpu.memory_space<hbm>> -> memref<2000xf32, #tpu.memory_space<hbm>>
      tpu.enqueue_dma source(%arg36 : memref<2000xf32, #tpu.memory_space<vmem>>) target(%dma_start3A_341 : memref<2000xf32, #tpu.memory_space<hbm>>) target_semaphore(%arg44 : memref<!tpu.dma_semaphore, #tpu.memory_space<semaphore_mem>>)
      %dma_start3A_342 = tpu.memref_slice %arg8[%add3A_339] : memref<1600000xf32, #tpu.memory_space<hbm>> -> memref<2000xf32, #tpu.memory_space<hbm>>
      %dma_start3A_343 = tpu.memref_slice %arg8[%add3A_339] : memref<1600000xf32, #tpu.memory_space<hbm>> -> memref<2000xf32, #tpu.memory_space<hbm>>
      tpu.enqueue_dma source(%arg37 : memref<2000xf32, #tpu.memory_space<vmem>>) target(%dma_start3A_343 : memref<2000xf32, #tpu.memory_space<hbm>>) target_semaphore(%arg44 : memref<!tpu.dma_semaphore, #tpu.memory_space<semaphore_mem>>)
      %dma_start3A_344 = tpu.memref_slice %arg9[%add3A_339] : memref<1600000xf32, #tpu.memory_space<hbm>> -> memref<2000xf32, #tpu.memory_space<hbm>>
      %dma_start3A_345 = tpu.memref_slice %arg9[%add3A_339] : memref<1600000xf32, #tpu.memory_space<hbm>> -> memref<2000xf32, #tpu.memory_space<hbm>>
      tpu.enqueue_dma source(%arg38 : memref<2000xf32, #tpu.memory_space<vmem>>) target(%dma_start3A_345 : memref<2000xf32, #tpu.memory_space<hbm>>) target_semaphore(%arg44 : memref<!tpu.dma_semaphore, #tpu.memory_space<semaphore_mem>>)
      %dma_start3A_346 = tpu.memref_slice %arg10[%add3A_339] : memref<1600000xf32, #tpu.memory_space<hbm>> -> memref<2000xf32, #tpu.memory_space<hbm>>
      %dma_start3A_347 = tpu.memref_slice %arg10[%add3A_339] : memref<1600000xf32, #tpu.memory_space<hbm>> -> memref<2000xf32, #tpu.memory_space<hbm>>
      tpu.enqueue_dma source(%arg39 : memref<2000xf32, #tpu.memory_space<vmem>>) target(%dma_start3A_347 : memref<2000xf32, #tpu.memory_space<hbm>>) target_semaphore(%arg44 : memref<!tpu.dma_semaphore, #tpu.memory_space<semaphore_mem>>)
      %dma_start3A_348 = tpu.memref_slice %arg11[%add3A_339] : memref<1600000xf32, #tpu.memory_space<hbm>> -> memref<2000xf32, #tpu.memory_space<hbm>>
      %dma_start3A_349 = tpu.memref_slice %arg11[%add3A_339] : memref<1600000xf32, #tpu.memory_space<hbm>> -> memref<2000xf32, #tpu.memory_space<hbm>>
      tpu.enqueue_dma source(%arg40 : memref<2000xf32, #tpu.memory_space<vmem>>) target(%dma_start3A_349 : memref<2000xf32, #tpu.memory_space<hbm>>) target_semaphore(%arg44 : memref<!tpu.dma_semaphore, #tpu.memory_space<semaphore_mem>>)
      %scan3A_350 = arith.constant 0 : i32
      scf.yield %scan3A_350 : i32
    }
    %scan3A_130 = arith.constant 11 : i32
    %dma_wait3A_131 = arith.constant 0 : i32
    %dma_wait3A_132 = tpu.memref_slice %arg12[%dma_wait3A_131] : memref<50000xf32, #tpu.memory_space<vmem_shared>> -> memref<50000xf32, #tpu.memory_space<vmem_shared>>
    tpu.wait_indirect_dma semaphore(%arg41 : memref<!tpu.dma_semaphore, #tpu.memory_space<semaphore_mem>>) src(%dma_wait3A_132 : memref<50000xf32, #tpu.memory_space<vmem_shared>>) dst(%arg17 : memref<2000xf32, #tpu.memory_space<vmem>>)
    %dma_wait3A_133 = arith.constant 0 : i32
    %dma_wait3A_134 = tpu.memref_slice %arg13[%dma_wait3A_133] : memref<50000xf32, #tpu.memory_space<vmem_shared>> -> memref<50000xf32, #tpu.memory_space<vmem_shared>>
    tpu.wait_indirect_dma semaphore(%arg41 : memref<!tpu.dma_semaphore, #tpu.memory_space<semaphore_mem>>) src(%dma_wait3A_134 : memref<50000xf32, #tpu.memory_space<vmem_shared>>) dst(%arg18 : memref<2000xf32, #tpu.memory_space<vmem>>)
    %dma_wait3A_135 = arith.constant 0 : i32
    %dma_wait3A_136 = tpu.memref_slice %arg14[%dma_wait3A_135] : memref<50000xf32, #tpu.memory_space<vmem_shared>> -> memref<50000xf32, #tpu.memory_space<vmem_shared>>
    tpu.wait_indirect_dma semaphore(%arg41 : memref<!tpu.dma_semaphore, #tpu.memory_space<semaphore_mem>>) src(%dma_wait3A_136 : memref<50000xf32, #tpu.memory_space<vmem_shared>>) dst(%arg19 : memref<2000xf32, #tpu.memory_space<vmem>>)
    %dma_wait3A_137 = arith.constant 0 : i32
    %dma_wait3A_138 = tpu.memref_slice %arg12[%dma_wait3A_137] : memref<50000xf32, #tpu.memory_space<vmem_shared>> -> memref<50000xf32, #tpu.memory_space<vmem_shared>>
    tpu.wait_indirect_dma semaphore(%arg41 : memref<!tpu.dma_semaphore, #tpu.memory_space<semaphore_mem>>) src(%dma_wait3A_138 : memref<50000xf32, #tpu.memory_space<vmem_shared>>) dst(%arg20 : memref<2000xf32, #tpu.memory_space<vmem>>)
    %dma_wait3A_139 = arith.constant 0 : i32
    %dma_wait3A_140 = tpu.memref_slice %arg13[%dma_wait3A_139] : memref<50000xf32, #tpu.memory_space<vmem_shared>> -> memref<50000xf32, #tpu.memory_space<vmem_shared>>
    tpu.wait_indirect_dma semaphore(%arg41 : memref<!tpu.dma_semaphore, #tpu.memory_space<semaphore_mem>>) src(%dma_wait3A_140 : memref<50000xf32, #tpu.memory_space<vmem_shared>>) dst(%arg21 : memref<2000xf32, #tpu.memory_space<vmem>>)
    %dma_wait3A_141 = arith.constant 0 : i32
    %dma_wait3A_142 = tpu.memref_slice %arg14[%dma_wait3A_141] : memref<50000xf32, #tpu.memory_space<vmem_shared>> -> memref<50000xf32, #tpu.memory_space<vmem_shared>>
    tpu.wait_indirect_dma semaphore(%arg41 : memref<!tpu.dma_semaphore, #tpu.memory_space<semaphore_mem>>) src(%dma_wait3A_142 : memref<50000xf32, #tpu.memory_space<vmem_shared>>) dst(%arg22 : memref<2000xf32, #tpu.memory_space<vmem>>)
    %mul3A_143 = arith.constant 50000 : i32
    %mul3A_144 = arith.muli %add3A, %mul3A_143 : i32
    %add3A_145 = arith.constant 0 : i32
    %add3A_146 = arith.addi %mul3A_144, %add3A_145 : i32
    %dma_wait3A_147 = tpu.memref_slice %arg7[%add3A_146] : memref<1600000xf32, #tpu.memory_space<hbm>> -> memref<2000xf32, #tpu.memory_space<hbm>>
    %dma_wait3A_148 = tpu.memref_slice %arg7[%add3A_146] : memref<1600000xf32, #tpu.memory_space<hbm>> -> memref<2000xf32, #tpu.memory_space<hbm>>
    tpu.wait_dma2 semaphore(%arg43 : memref<!tpu.dma_semaphore, #tpu.memory_space<semaphore_mem>>) src(%arg31 : memref<2000xf32, #tpu.memory_space<vmem>>) dst(%dma_wait3A_148 : memref<2000xf32, #tpu.memory_space<hbm>>)
    %dma_wait3A_149 = tpu.memref_slice %arg8[%add3A_146] : memref<1600000xf32, #tpu.memory_space<hbm>> -> memref<2000xf32, #tpu.memory_space<hbm>>
    %dma_wait3A_150 = tpu.memref_slice %arg8[%add3A_146] : memref<1600000xf32, #tpu.memory_space<hbm>> -> memref<2000xf32, #tpu.memory_space<hbm>>
    tpu.wait_dma2 semaphore(%arg43 : memref<!tpu.dma_semaphore, #tpu.memory_space<semaphore_mem>>) src(%arg32 : memref<2000xf32, #tpu.memory_space<vmem>>) dst(%dma_wait3A_150 : memref<2000xf32, #tpu.memory_space<hbm>>)
    %dma_wait3A_151 = tpu.memref_slice %arg9[%add3A_146] : memref<1600000xf32, #tpu.memory_space<hbm>> -> memref<2000xf32, #tpu.memory_space<hbm>>
    %dma_wait3A_152 = tpu.memref_slice %arg9[%add3A_146] : memref<1600000xf32, #tpu.memory_space<hbm>> -> memref<2000xf32, #tpu.memory_space<hbm>>
    tpu.wait_dma2 semaphore(%arg43 : memref<!tpu.dma_semaphore, #tpu.memory_space<semaphore_mem>>) src(%arg33 : memref<2000xf32, #tpu.memory_space<vmem>>) dst(%dma_wait3A_152 : memref<2000xf32, #tpu.memory_space<hbm>>)
    %dma_wait3A_153 = tpu.memref_slice %arg10[%add3A_146] : memref<1600000xf32, #tpu.memory_space<hbm>> -> memref<2000xf32, #tpu.memory_space<hbm>>
    %dma_wait3A_154 = tpu.memref_slice %arg10[%add3A_146] : memref<1600000xf32, #tpu.memory_space<hbm>> -> memref<2000xf32, #tpu.memory_space<hbm>>
    tpu.wait_dma2 semaphore(%arg43 : memref<!tpu.dma_semaphore, #tpu.memory_space<semaphore_mem>>) src(%arg34 : memref<2000xf32, #tpu.memory_space<vmem>>) dst(%dma_wait3A_154 : memref<2000xf32, #tpu.memory_space<hbm>>)
    %dma_wait3A_155 = tpu.memref_slice %arg11[%add3A_146] : memref<1600000xf32, #tpu.memory_space<hbm>> -> memref<2000xf32, #tpu.memory_space<hbm>>
    %dma_wait3A_156 = tpu.memref_slice %arg11[%add3A_146] : memref<1600000xf32, #tpu.memory_space<hbm>> -> memref<2000xf32, #tpu.memory_space<hbm>>
    tpu.wait_dma2 semaphore(%arg43 : memref<!tpu.dma_semaphore, #tpu.memory_space<semaphore_mem>>) src(%arg35 : memref<2000xf32, #tpu.memory_space<vmem>>) dst(%dma_wait3A_156 : memref<2000xf32, #tpu.memory_space<hbm>>)
    %scan3A_157 = arith.constant 0 : i32
    %scan3A_158 = arith.constant 0 : i32
    %scan3A_159 = arith.constant 125 : i32
    %scan3A_160 = arith.addi %scan3A_158, %scan3A_159 : i32
    %scan3A_161 = arith.constant 1 : i32
    %scan3A_162 = scf.for %scan3A_206 = %scan3A_158 to %scan3A_160 step %scan3A_161 iter_args(%scan3A_207 = %scan3A_157) -> (i32)  : i32 {
      %mul3A_208 = arith.constant 16 : i32
      %mul3A_209 = arith.muli %scan3A_206, %mul3A_208 : i32
      %get3A = arith.index_cast %mul3A_209 : i32 to index
      %get3A_210 = tpu.vector_load %arg20[%get3A] {strides = array<i32>} : memref<2000xf32, #tpu.memory_space<vmem>>, vector<16xf32>,
      %get3A_211 = vector.shape_cast %get3A_210 : vector<16xf32> to vector<16xf32>
      %get3A_212 = arith.index_cast %mul3A_209 : i32 to index
      %get3A_213 = tpu.vector_load %arg17[%get3A_212] {strides = array<i32>} : memref<2000xf32, #tpu.memory_space<vmem>>, vector<16xf32>,
      %get3A_214 = vector.shape_cast %get3A_213 : vector<16xf32> to vector<16xf32>
      %sub3A = arith.subf %get3A_211, %get3A_214 : vector<16xf32>
      %get3A_215 = arith.index_cast %mul3A_209 : i32 to index
      %get3A_216 = tpu.vector_load %arg21[%get3A_215] {strides = array<i32>} : memref<2000xf32, #tpu.memory_space<vmem>>, vector<16xf32>,
      %get3A_217 = vector.shape_cast %get3A_216 : vector<16xf32> to vector<16xf32>
      %get3A_218 = arith.index_cast %mul3A_209 : i32 to index
      %get3A_219 = tpu.vector_load %arg18[%get3A_218] {strides = array<i32>} : memref<2000xf32, #tpu.memory_space<vmem>>, vector<16xf32>,
      %get3A_220 = vector.shape_cast %get3A_219 : vector<16xf32> to vector<16xf32>
      %sub3A_221 = arith.subf %get3A_217, %get3A_220 : vector<16xf32>
      %get3A_222 = arith.index_cast %mul3A_209 : i32 to index
      %get3A_223 = tpu.vector_load %arg22[%get3A_222] {strides = array<i32>} : memref<2000xf32, #tpu.memory_space<vmem>>, vector<16xf32>,
      %get3A_224 = vector.shape_cast %get3A_223 : vector<16xf32> to vector<16xf32>
      %get3A_225 = arith.index_cast %mul3A_209 : i32 to index
      %get3A_226 = tpu.vector_load %arg19[%get3A_225] {strides = array<i32>} : memref<2000xf32, #tpu.memory_space<vmem>>, vector<16xf32>,
      %get3A_227 = vector.shape_cast %get3A_226 : vector<16xf32> to vector<16xf32>
      %sub3A_228 = arith.subf %get3A_224, %get3A_227 : vector<16xf32>
      %mul3A_229 = arith.mulf %sub3A, %sub3A : vector<16xf32>
      %mul3A_230 = arith.mulf %sub3A_221, %sub3A_221 : vector<16xf32>
      %add3A_231 = arith.addf %mul3A_229, %mul3A_230 : vector<16xf32>
      %mul3A_232 = arith.mulf %sub3A_228, %sub3A_228 : vector<16xf32>
      %add3A_233 = arith.addf %add3A_231, %mul3A_232 : vector<16xf32>
      %bitcast_convert_type3A = tpu.bitcast %add3A_233 : vector<16xf32> -> vector<16xi32>
      %shift_right_arithmetic3A = arith.constant 1 : i32
      %shift_right_arithmetic3A_234 = vector.broadcast %shift_right_arithmetic3A : i32 to vector<16xi32>
      %shift_right_arithmetic3A_235 = arith.shrsi %bitcast_convert_type3A, %shift_right_arithmetic3A_234 : vector<16xi32>
      %sub3A_236 = arith.constant 1597463007 : i32
      %sub3A_237 = vector.broadcast %sub3A_236 : i32 to vector<16xi32>
      %sub3A_238 = arith.subi %sub3A_237, %shift_right_arithmetic3A_235 : vector<16xi32>
      %bitcast_convert_type3A_239 = tpu.bitcast %sub3A_238 : vector<16xi32> -> vector<16xf32>
      %mul3A_240 = arith.constant 5.000000e-01 : f32
      %mul3A_241 = vector.broadcast %mul3A_240 : f32 to vector<16xf32>
      %mul3A_242 = arith.mulf %mul3A_241, %add3A_233 : vector<16xf32>
      %mul3A_243 = arith.mulf %mul3A_242, %bitcast_convert_type3A_239 : vector<16xf32>
      %mul3A_244 = arith.mulf %mul3A_243, %bitcast_convert_type3A_239 : vector<16xf32>
      %sub3A_245 = arith.constant 1.500000e+00 : f32
      %sub3A_246 = vector.broadcast %sub3A_245 : f32 to vector<16xf32>
      %sub3A_247 = arith.subf %sub3A_246, %mul3A_244 : vector<16xf32>
      %mul3A_248 = arith.mulf %bitcast_convert_type3A_239, %sub3A_247 : vector<16xf32>
      %mul3A_249 = arith.constant 5.000000e-01 : f32
      %mul3A_250 = vector.broadcast %mul3A_249 : f32 to vector<16xf32>
      %mul3A_251 = arith.mulf %mul3A_250, %add3A_233 : vector<16xf32>
      %mul3A_252 = arith.mulf %mul3A_251, %mul3A_248 : vector<16xf32>
      %mul3A_253 = arith.mulf %mul3A_252, %mul3A_248 : vector<16xf32>
      %sub3A_254 = arith.constant 1.500000e+00 : f32
      %sub3A_255 = vector.broadcast %sub3A_254 : f32 to vector<16xf32>
      %sub3A_256 = arith.subf %sub3A_255, %mul3A_253 : vector<16xf32>
      %mul3A_257 = arith.mulf %mul3A_248, %sub3A_256 : vector<16xf32>
      %gt3A = arith.constant 0.000000e+00 : f32
      %gt3A_258 = vector.broadcast %gt3A : f32 to vector<16xf32>
      %gt3A_259 = arith.cmpf ogt, %add3A_233, %gt3A_258 : vector<16xf32>
      %mul3A_260 = arith.mulf %add3A_233, %mul3A_257 : vector<16xf32>
      %jit3A = arith.constant 0.000000e+00 : f32
      %broadcast_in_dim3A = vector.broadcast %jit3A : f32 to vector<16xf32>
      %select_n3A = arith.select %gt3A_259, %mul3A_260, %broadcast_in_dim3A : vector<16xi1>, vector<16xf32>
      %mul3A_261 = arith.constant 2.000000e-01 : f32
      %mul3A_262 = vector.broadcast %mul3A_261 : f32 to vector<16xf32>
      %mul3A_263 = arith.mulf %select_n3A, %mul3A_262 : vector<16xf32>
      %mul3A_264 = arith.constant 5.000000e-01 : f32
      %mul3A_265 = vector.broadcast %mul3A_264 : f32 to vector<16xf32>
      %mul3A_266 = arith.mulf %mul3A_263, %mul3A_265 : vector<16xf32>
      %add3A_267 = arith.constant 5.000000e-01 : f32
      %add3A_268 = vector.broadcast %add3A_267 : f32 to vector<16xf32>
      %add3A_269 = arith.addf %mul3A_266, %add3A_268 : vector<16xf32>
      %convert_element_type3A_270 = arith.fptosi %add3A_269 : vector<16xf32> to vector<16xi32>
      %convert_element_type3A_271 = arith.sitofp %convert_element_type3A_270 : vector<16xi32> to vector<16xf32>
      %mul3A_272 = arith.constant 2.000000e+00 : f32
      %mul3A_273 = vector.broadcast %mul3A_272 : f32 to vector<16xf32>
      %mul3A_274 = arith.mulf %mul3A_273, %convert_element_type3A_271 : vector<16xf32>
      %sub3A_275 = arith.subf %mul3A_263, %mul3A_274 : vector<16xf32>
      %abs3A = math.absf %sub3A_275 : vector<16xf32>
      %gt3A_276 = arith.constant 5.000000e-01 : f32
      %gt3A_277 = vector.broadcast %gt3A_276 : f32 to vector<16xf32>
      %gt3A_278 = arith.cmpf ogt, %abs3A, %gt3A_277 : vector<16xf32>
      %sub3A_279 = arith.constant 1.000000e+00 : f32
      %sub3A_280 = vector.broadcast %sub3A_279 : f32 to vector<16xf32>
      %sub3A_281 = arith.subf %sub3A_280, %abs3A : vector<16xf32>
      %select_n3A_282 = arith.select %gt3A_278, %sub3A_281, %abs3A : vector<16xi1>, vector<16xf32>
      %mul3A_283 = arith.constant 3.14159274 : f32
      %mul3A_284 = vector.broadcast %mul3A_283 : f32 to vector<16xf32>
      %mul3A_285 = arith.mulf %select_n3A_282, %mul3A_284 : vector<16xf32>
      %mul3A_286 = arith.mulf %mul3A_285, %mul3A_285 : vector<16xf32>
      %mul3A_287 = arith.constant 2.08767559E-9 : f32
      %mul3A_288 = vector.broadcast %mul3A_287 : f32 to vector<16xf32>
      %mul3A_289 = arith.mulf %mul3A_286, %mul3A_288 : vector<16xf32>
      %add3A_290 = arith.constant -2.755732E-7 : f32
      %add3A_291 = vector.broadcast %add3A_290 : f32 to vector<16xf32>
      %add3A_292 = arith.addf %add3A_291, %mul3A_289 : vector<16xf32>
      %mul3A_293 = arith.mulf %mul3A_286, %add3A_292 : vector<16xf32>
      %add3A_294 = arith.constant 2.48015876E-5 : f32
      %add3A_295 = vector.broadcast %add3A_294 : f32 to vector<16xf32>
      %add3A_296 = arith.addf %add3A_295, %mul3A_293 : vector<16xf32>
      %mul3A_297 = arith.mulf %mul3A_286, %add3A_296 : vector<16xf32>
      %add3A_298 = arith.constant -0.00138888892 : f32
      %add3A_299 = vector.broadcast %add3A_298 : f32 to vector<16xf32>
      %add3A_300 = arith.addf %add3A_299, %mul3A_297 : vector<16xf32>
      %mul3A_301 = arith.mulf %mul3A_286, %add3A_300 : vector<16xf32>
      %add3A_302 = arith.constant 0.0416666679 : f32
      %add3A_303 = vector.broadcast %add3A_302 : f32 to vector<16xf32>
      %add3A_304 = arith.addf %add3A_303, %mul3A_301 : vector<16xf32>
      %mul3A_305 = arith.mulf %mul3A_286, %add3A_304 : vector<16xf32>
      %add3A_306 = arith.constant -5.000000e-01 : f32
      %add3A_307 = vector.broadcast %add3A_306 : f32 to vector<16xf32>
      %add3A_308 = arith.addf %add3A_307, %mul3A_305 : vector<16xf32>
      %mul3A_309 = arith.mulf %mul3A_286, %add3A_308 : vector<16xf32>
      %add3A_310 = arith.constant 1.000000e+00 : f32
      %add3A_311 = vector.broadcast %add3A_310 : f32 to vector<16xf32>
      %add3A_312 = arith.addf %add3A_311, %mul3A_309 : vector<16xf32>
      %neg3A = arith.constant 0.000000e+00 : f32
      %neg3A_313 = vector.broadcast %neg3A : f32 to vector<16xf32>
      %neg3A_314 = arith.subf %neg3A_313, %add3A_312 : vector<16xf32>
      %select_n3A_315 = arith.select %gt3A_278, %neg3A_314, %add3A_312 : vector<16xi1>, vector<16xf32>
      %mul3A_316 = arith.constant 5.000000e-01 : f32
      %mul3A_317 = vector.broadcast %mul3A_316 : f32 to vector<16xf32>
      %mul3A_318 = arith.mulf %mul3A_317, %select_n3A_315 : vector<16xf32>
      %add3A_319 = arith.constant 5.000000e-01 : f32
      %add3A_320 = vector.broadcast %add3A_319 : f32 to vector<16xf32>
      %add3A_321 = arith.addf %mul3A_318, %add3A_320 : vector<16xf32>
      %swap3A = arith.index_cast %mul3A_209 : i32 to index
      %swap3A_322 = tpu.vector_load %arg31[%swap3A] {strides = array<i32>} : memref<2000xf32, #tpu.memory_space<vmem>>, vector<16xf32>,
      %swap3A_323 = vector.shape_cast %swap3A_322 : vector<16xf32> to vector<16xf32>
      %swap3A_324 = vector.shape_cast %sub3A : vector<16xf32> to vector<16xf32>
      tpu.vector_store %arg31[%swap3A], %swap3A_324 {strides = array<i32>} : memref<2000xf32, #tpu.memory_space<vmem>>, vector<16xf32>,
      %swap3A_325 = arith.index_cast %mul3A_209 : i32 to index
      %swap3A_326 = tpu.vector_load %arg32[%swap3A_325] {strides = array<i32>} : memref<2000xf32, #tpu.memory_space<vmem>>, vector<16xf32>,
      %swap3A_327 = vector.shape_cast %swap3A_326 : vector<16xf32> to vector<16xf32>
      %swap3A_328 = vector.shape_cast %sub3A_221 : vector<16xf32> to vector<16xf32>
      tpu.vector_store %arg32[%swap3A_325], %swap3A_328 {strides = array<i32>} : memref<2000xf32, #tpu.memory_space<vmem>>, vector<16xf32>,
      %swap3A_329 = arith.index_cast %mul3A_209 : i32 to index
      %swap3A_330 = tpu.vector_load %arg33[%swap3A_329] {strides = array<i32>} : memref<2000xf32, #tpu.memory_space<vmem>>, vector<16xf32>,
      %swap3A_331 = vector.shape_cast %swap3A_330 : vector<16xf32> to vector<16xf32>
      %swap3A_332 = vector.shape_cast %sub3A_228 : vector<16xf32> to vector<16xf32>
      tpu.vector_store %arg33[%swap3A_329], %swap3A_332 {strides = array<i32>} : memref<2000xf32, #tpu.memory_space<vmem>>, vector<16xf32>,
      %swap3A_333 = arith.index_cast %mul3A_209 : i32 to index
      %swap3A_334 = tpu.vector_load %arg34[%swap3A_333] {strides = array<i32>} : memref<2000xf32, #tpu.memory_space<vmem>>, vector<16xf32>,
      %swap3A_335 = vector.shape_cast %swap3A_334 : vector<16xf32> to vector<16xf32>
      %swap3A_336 = vector.shape_cast %select_n3A : vector<16xf32> to vector<16xf32>
      tpu.vector_store %arg34[%swap3A_333], %swap3A_336 {strides = array<i32>} : memref<2000xf32, #tpu.memory_space<vmem>>, vector<16xf32>,
      %swap3A_337 = arith.index_cast %mul3A_209 : i32 to index
      %swap3A_338 = tpu.vector_load %arg35[%swap3A_337] {strides = array<i32>} : memref<2000xf32, #tpu.memory_space<vmem>>, vector<16xf32>,
      %swap3A_339 = vector.shape_cast %swap3A_338 : vector<16xf32> to vector<16xf32>
      %swap3A_340 = vector.shape_cast %add3A_321 : vector<16xf32> to vector<16xf32>
      tpu.vector_store %arg35[%swap3A_337], %swap3A_340 {strides = array<i32>} : memref<2000xf32, #tpu.memory_space<vmem>>, vector<16xf32>,
      %scan3A_341 = arith.constant 0 : i32
      scf.yield %scan3A_341 : i32
    }
    %scan3A_163 = arith.constant 125 : i32
    %mul3A_164 = arith.constant 50000 : i32
    %mul3A_165 = arith.muli %add3A, %mul3A_164 : i32
    %add3A_166 = arith.constant 48000 : i32
    %add3A_167 = arith.addi %mul3A_165, %add3A_166 : i32
    %dma_start3A_168 = tpu.memref_slice %arg7[%add3A_167] : memref<1600000xf32, #tpu.memory_space<hbm>> -> memref<2000xf32, #tpu.memory_space<hbm>>
    %dma_start3A_169 = tpu.memref_slice %arg7[%add3A_167] : memref<1600000xf32, #tpu.memory_space<hbm>> -> memref<2000xf32, #tpu.memory_space<hbm>>
    tpu.enqueue_dma source(%arg31 : memref<2000xf32, #tpu.memory_space<vmem>>) target(%dma_start3A_169 : memref<2000xf32, #tpu.memory_space<hbm>>) target_semaphore(%arg43 : memref<!tpu.dma_semaphore, #tpu.memory_space<semaphore_mem>>)
    %dma_start3A_170 = tpu.memref_slice %arg8[%add3A_167] : memref<1600000xf32, #tpu.memory_space<hbm>> -> memref<2000xf32, #tpu.memory_space<hbm>>
    %dma_start3A_171 = tpu.memref_slice %arg8[%add3A_167] : memref<1600000xf32, #tpu.memory_space<hbm>> -> memref<2000xf32, #tpu.memory_space<hbm>>
    tpu.enqueue_dma source(%arg32 : memref<2000xf32, #tpu.memory_space<vmem>>) target(%dma_start3A_171 : memref<2000xf32, #tpu.memory_space<hbm>>) target_semaphore(%arg43 : memref<!tpu.dma_semaphore, #tpu.memory_space<semaphore_mem>>)
    %dma_start3A_172 = tpu.memref_slice %arg9[%add3A_167] : memref<1600000xf32, #tpu.memory_space<hbm>> -> memref<2000xf32, #tpu.memory_space<hbm>>
    %dma_start3A_173 = tpu.memref_slice %arg9[%add3A_167] : memref<1600000xf32, #tpu.memory_space<hbm>> -> memref<2000xf32, #tpu.memory_space<hbm>>
    tpu.enqueue_dma source(%arg33 : memref<2000xf32, #tpu.memory_space<vmem>>) target(%dma_start3A_173 : memref<2000xf32, #tpu.memory_space<hbm>>) target_semaphore(%arg43 : memref<!tpu.dma_semaphore, #tpu.memory_space<semaphore_mem>>)
    %dma_start3A_174 = tpu.memref_slice %arg10[%add3A_167] : memref<1600000xf32, #tpu.memory_space<hbm>> -> memref<2000xf32, #tpu.memory_space<hbm>>
    %dma_start3A_175 = tpu.memref_slice %arg10[%add3A_167] : memref<1600000xf32, #tpu.memory_space<hbm>> -> memref<2000xf32, #tpu.memory_space<hbm>>
    tpu.enqueue_dma source(%arg34 : memref<2000xf32, #tpu.memory_space<vmem>>) target(%dma_start3A_175 : memref<2000xf32, #tpu.memory_space<hbm>>) target_semaphore(%arg43 : memref<!tpu.dma_semaphore, #tpu.memory_space<semaphore_mem>>)
    %dma_start3A_176 = tpu.memref_slice %arg11[%add3A_167] : memref<1600000xf32, #tpu.memory_space<hbm>> -> memref<2000xf32, #tpu.memory_space<hbm>>
    %dma_start3A_177 = tpu.memref_slice %arg11[%add3A_167] : memref<1600000xf32, #tpu.memory_space<hbm>> -> memref<2000xf32, #tpu.memory_space<hbm>>
    tpu.enqueue_dma source(%arg35 : memref<2000xf32, #tpu.memory_space<vmem>>) target(%dma_start3A_177 : memref<2000xf32, #tpu.memory_space<hbm>>) target_semaphore(%arg43 : memref<!tpu.dma_semaphore, #tpu.memory_space<semaphore_mem>>)
    %mul3A_178 = arith.constant 50000 : i32
    %mul3A_179 = arith.muli %add3A, %mul3A_178 : i32
    %add3A_180 = arith.constant 0 : i32
    %add3A_181 = arith.addi %mul3A_179, %add3A_180 : i32
    %dma_wait3A_182 = tpu.memref_slice %arg7[%add3A_181] : memref<1600000xf32, #tpu.memory_space<hbm>> -> memref<2000xf32, #tpu.memory_space<hbm>>
    %dma_wait3A_183 = tpu.memref_slice %arg7[%add3A_181] : memref<1600000xf32, #tpu.memory_space<hbm>> -> memref<2000xf32, #tpu.memory_space<hbm>>
    tpu.wait_dma2 semaphore(%arg43 : memref<!tpu.dma_semaphore, #tpu.memory_space<semaphore_mem>>) src(%arg31 : memref<2000xf32, #tpu.memory_space<vmem>>) dst(%dma_wait3A_183 : memref<2000xf32, #tpu.memory_space<hbm>>)
    %dma_wait3A_184 = tpu.memref_slice %arg8[%add3A_181] : memref<1600000xf32, #tpu.memory_space<hbm>> -> memref<2000xf32, #tpu.memory_space<hbm>>
    %dma_wait3A_185 = tpu.memref_slice %arg8[%add3A_181] : memref<1600000xf32, #tpu.memory_space<hbm>> -> memref<2000xf32, #tpu.memory_space<hbm>>
    tpu.wait_dma2 semaphore(%arg43 : memref<!tpu.dma_semaphore, #tpu.memory_space<semaphore_mem>>) src(%arg32 : memref<2000xf32, #tpu.memory_space<vmem>>) dst(%dma_wait3A_185 : memref<2000xf32, #tpu.memory_space<hbm>>)
    %dma_wait3A_186 = tpu.memref_slice %arg9[%add3A_181] : memref<1600000xf32, #tpu.memory_space<hbm>> -> memref<2000xf32, #tpu.memory_space<hbm>>
    %dma_wait3A_187 = tpu.memref_slice %arg9[%add3A_181] : memref<1600000xf32, #tpu.memory_space<hbm>> -> memref<2000xf32, #tpu.memory_space<hbm>>
    tpu.wait_dma2 semaphore(%arg43 : memref<!tpu.dma_semaphore, #tpu.memory_space<semaphore_mem>>) src(%arg33 : memref<2000xf32, #tpu.memory_space<vmem>>) dst(%dma_wait3A_187 : memref<2000xf32, #tpu.memory_space<hbm>>)
    %dma_wait3A_188 = tpu.memref_slice %arg10[%add3A_181] : memref<1600000xf32, #tpu.memory_space<hbm>> -> memref<2000xf32, #tpu.memory_space<hbm>>
    %dma_wait3A_189 = tpu.memref_slice %arg10[%add3A_181] : memref<1600000xf32, #tpu.memory_space<hbm>> -> memref<2000xf32, #tpu.memory_space<hbm>>
    tpu.wait_dma2 semaphore(%arg43 : memref<!tpu.dma_semaphore, #tpu.memory_space<semaphore_mem>>) src(%arg34 : memref<2000xf32, #tpu.memory_space<vmem>>) dst(%dma_wait3A_189 : memref<2000xf32, #tpu.memory_space<hbm>>)
    %dma_wait3A_190 = tpu.memref_slice %arg11[%add3A_181] : memref<1600000xf32, #tpu.memory_space<hbm>> -> memref<2000xf32, #tpu.memory_space<hbm>>
    %dma_wait3A_191 = tpu.memref_slice %arg11[%add3A_181] : memref<1600000xf32, #tpu.memory_space<hbm>> -> memref<2000xf32, #tpu.memory_space<hbm>>
    tpu.wait_dma2 semaphore(%arg43 : memref<!tpu.dma_semaphore, #tpu.memory_space<semaphore_mem>>) src(%arg35 : memref<2000xf32, #tpu.memory_space<vmem>>) dst(%dma_wait3A_191 : memref<2000xf32, #tpu.memory_space<hbm>>)
    %mul3A_192 = arith.constant 50000 : i32
    %mul3A_193 = arith.muli %add3A, %mul3A_192 : i32
    %add3A_194 = arith.constant 0 : i32
    %add3A_195 = arith.addi %mul3A_193, %add3A_194 : i32
    %dma_wait3A_196 = tpu.memref_slice %arg7[%add3A_195] : memref<1600000xf32, #tpu.memory_space<hbm>> -> memref<2000xf32, #tpu.memory_space<hbm>>
    %dma_wait3A_197 = tpu.memref_slice %arg7[%add3A_195] : memref<1600000xf32, #tpu.memory_space<hbm>> -> memref<2000xf32, #tpu.memory_space<hbm>>
    tpu.wait_dma2 semaphore(%arg44 : memref<!tpu.dma_semaphore, #tpu.memory_space<semaphore_mem>>) src(%arg36 : memref<2000xf32, #tpu.memory_space<vmem>>) dst(%dma_wait3A_197 : memref<2000xf32, #tpu.memory_space<hbm>>)
    %dma_wait3A_198 = tpu.memref_slice %arg8[%add3A_195] : memref<1600000xf32, #tpu.memory_space<hbm>> -> memref<2000xf32, #tpu.memory_space<hbm>>
    %dma_wait3A_199 = tpu.memref_slice %arg8[%add3A_195] : memref<1600000xf32, #tpu.memory_space<hbm>> -> memref<2000xf32, #tpu.memory_space<hbm>>
    tpu.wait_dma2 semaphore(%arg44 : memref<!tpu.dma_semaphore, #tpu.memory_space<semaphore_mem>>) src(%arg37 : memref<2000xf32, #tpu.memory_space<vmem>>) dst(%dma_wait3A_199 : memref<2000xf32, #tpu.memory_space<hbm>>)
    %dma_wait3A_200 = tpu.memref_slice %arg9[%add3A_195] : memref<1600000xf32, #tpu.memory_space<hbm>> -> memref<2000xf32, #tpu.memory_space<hbm>>
    %dma_wait3A_201 = tpu.memref_slice %arg9[%add3A_195] : memref<1600000xf32, #tpu.memory_space<hbm>> -> memref<2000xf32, #tpu.memory_space<hbm>>
    tpu.wait_dma2 semaphore(%arg44 : memref<!tpu.dma_semaphore, #tpu.memory_space<semaphore_mem>>) src(%arg38 : memref<2000xf32, #tpu.memory_space<vmem>>) dst(%dma_wait3A_201 : memref<2000xf32, #tpu.memory_space<hbm>>)
    %dma_wait3A_202 = tpu.memref_slice %arg10[%add3A_195] : memref<1600000xf32, #tpu.memory_space<hbm>> -> memref<2000xf32, #tpu.memory_space<hbm>>
    %dma_wait3A_203 = tpu.memref_slice %arg10[%add3A_195] : memref<1600000xf32, #tpu.memory_space<hbm>> -> memref<2000xf32, #tpu.memory_space<hbm>>
    tpu.wait_dma2 semaphore(%arg44 : memref<!tpu.dma_semaphore, #tpu.memory_space<semaphore_mem>>) src(%arg39 : memref<2000xf32, #tpu.memory_space<vmem>>) dst(%dma_wait3A_203 : memref<2000xf32, #tpu.memory_space<hbm>>)
    %dma_wait3A_204 = tpu.memref_slice %arg11[%add3A_195] : memref<1600000xf32, #tpu.memory_space<hbm>> -> memref<2000xf32, #tpu.memory_space<hbm>>
    %dma_wait3A_205 = tpu.memref_slice %arg11[%add3A_195] : memref<1600000xf32, #tpu.memory_space<hbm>> -> memref<2000xf32, #tpu.memory_space<hbm>>
    tpu.wait_dma2 semaphore(%arg44 : memref<!tpu.dma_semaphore, #tpu.memory_space<semaphore_mem>>) src(%arg40 : memref<2000xf32, #tpu.memory_space<vmem>>) dst(%dma_wait3A_205 : memref<2000xf32, #tpu.memory_space<hbm>>)
    return
  }
}

</mosaic_0001>

<sc_bundles>
// kernel: kernel.3.cloned.1.call-start
scs
__scs_entry_jumppad:
0x0: {  	(pc) =	sbr.rel $0x88, $3  }
0x1: {  	(tag) =	ssettag $0x0;
	lr =	simm.s32 $0x1  }
0x2: {  	[smem:$0x3F9E] =	sst lr;
	_ =	strace $0xD0000000  }
0x3: {  	_ = 	snop  }
0x4: {  	_ = 	snop  }
0x5: {  	_ = 	snop  }
0x6: {  	_ = 	snop  }
0x7: {  	_ = 	snop  }
__scs_overlays_trampoline_lowered:
0x8: {  	[smem:$0x3FAD] =	sst s0  }
0x9: {  	[smem:$0x3FAE] =	sst s1  }
0xa: {  	[smem:$0x3FAF] =	sst s2  }
0xb: {  	[smem:$0x3FB0] =	sst s3  }
0xc: {  	[smem:$0x3FB1] =	sst s4  }
0xd: {  	[smem:$0x3FB2] =	sst s5  }
0xe: {  	[smem:$0x3FB3] =	sst s6  }
0xf: {  	[smem:$0x3FB4] =	sst s7  }
0x10: {  	[smem:$0x3FB5] =	sst s8  }
0x11: {  	[smem:$0x3FB6] =	sst s9;
	s0 =	simm.s32 @!p0 $0x0  }
0x12: {  	s1 =	sld [smem:$0x3F9C];
	s0 =	simm.s32 @p0 $0x1  }
0x13: {  	[smem:$0x3FB7] =	sst s0;
	s0 =	simm.s32 @!p1 $0x0  }
0x14: {  	s2 =	sld [smem:$0x3F9B];
	s0 =	simm.s32 @p1 $0x1  }
0x15: {  	[smem:$0x3FB8] =	sst s0;
	s0 =	simm.s32 @!p2 $0x0  }
0x16: {  	s3 =	sld [smem:$0x3FDB];
	s0 =	simm.s32 @p2 $0x1  }
0x17: {  	s4 =	simm.s32 $0x1BF5;
	[smem:$0x3FBA] =	sst s0  }
0x18: {  	s0 =	sld [smem:$0x3F9D];
	_ =	swait.ge [sflag:s4], $0x0  }
0x19: {  	s7 =	sld [smem:$0x3F9E]  }
0x1a: {  	s8 =	sadd.s32 $0xFFFFE003, lr  }
0x1b: {  	s9 =	sadd.s32 $0xFFFFFEF7, lr;
	s5 =	simm.s32 $0xFFFFFFFF;
	p2 =	slt.u32 s8, $0xFFFFF086  }
0x1c: {  	p1 =	slt.u32 s9, $0xF7A;
	s5 =	simm.s32 @!p2 $0x0  }
0x1d: {  	s5 =	simm.s32 @p1 $0x1;
	p0 =	seq.s32 s7, s2  }
0x1e: {  	s7 =	smul.u32 @!p0 $0xF7A, s2;
	p2 =	seq.s32 @!p0 s5, $0x0  }
0x1f: {  	s9 =	smul.u32 $0xF7A, s1;
	s8 =	simm.s32 @!p0 $0x1BF5;
	p2 =	por !p2, p0  }
0x20: {  	[sflag:s8] =	ssyncset.s32 @!p0 $0xFFFFF086;
	s6 =	sadd.s32 @!p0 s3, s7;
	s7 =	simm.s32 @!p0 $0x108  }
0x21: {  	s3 =	sadd.s32 s3, s9;
	s6 =	sadd.s32 @!p0 $0x88, s6;
	s7 =	simm.s32 @p2 $0x1082  }
0x22: {  	[simem:s7], [sflag:s8] =	dma.local @!p0 [hbm:s6], $0xF7A  }
0x23: {  	s9 =	sor.u32 $0xD0000000, s2;
	s6 =	simm.s32 $0x108;
	_ =	swait.ge @!p0 [sflag:s8], $0x0  }
0x24: {  	s3 =	sadd.s32 $0x88, s3;
	s6 =	simm.s32 @!p1 $0x1082;
	[sflag:s4] =	ssyncset.s32 $0xFFFFF086  }
0x25: {  	[simem:s6], [sflag:s4] =	dma.local [hbm:s3], $0xF7A  }
0x26: {  	[smem:$0x3F9E] =	sst s1;
	(tag) =	ssettag s2;
	_ =	strace s9  }
0x27: {  	s1 =	sld [smem:$0x3FAE]  }
0x28: {  	s2 =	sld [smem:$0x3FAF]  }
0x29: {  	s4 =	sld [smem:$0x3FB1]  }
0x2a: {  	p0 =	seq.s32 s5, $0x0;
	s5 =	sld [smem:$0x3FB2]  }
0x2b: {  	s6 =	sld [smem:$0x3FB3]  }
0x2c: {  	s7 =	sld [smem:$0x3FB4]  }
0x2d: {  	s3 =	simm.s32 $0x108;
	s8 =	sld [smem:$0x3FB5]  }
0x2e: {  	s3 =	simm.s32 @!p0 $0x1082;
	s9 =	sld [smem:$0x3FB6]  }
0x2f: {  	lr =	sadd.s32 s0, s3;
	s0 =	sld [smem:$0x3FAD]  }
0x30: {  	s3 =	sld [smem:$0x3FB0]  }
0x31: {  	[smem:$0x3FB9] =	sst s10  }
0x32: {  	s10 =	sld [smem:$0x3FB7];
	_ =	sdelay $0x3  }
0x33: {  	p0 =	seq.s32 s10, $0x1;
	s10 =	sld [smem:$0x3FB9];
	_ =	sdelay $0x3  }
0x34: {  	[smem:$0x3FB9] =	sst s10  }
0x35: {  	s10 =	sld [smem:$0x3FB8];
	_ =	sdelay $0x3  }
0x36: {  	p1 =	seq.s32 s10, $0x1;
	s10 =	sld [smem:$0x3FB9];
	_ =	sdelay $0x3  }
0x37: {  	[smem:$0x3FB9] =	sst s10  }
0x38: {  	s10 =	sld [smem:$0x3FBA]  }
0x39: {  	_ = 	snop;
	(pc) =	sbr.ind lr, $3  }
0x3a: {  	_ = 	snop  }
0x3b: {  	_ = 	snop  }
0x3c: {  	p2 =	seq.s32 s10, $0x1;
	s10 =	sld [smem:$0x3FB9]  }
0x3d: {  	_ =	shalt  }
0x3e: {  	_ =	shalt  }
0x3f: {  	_ =	shalt  }
0x40: {  	_ =	shalt  }
0x41: {  	_ =	shalt  }
0x42: {  	_ =	shalt  }
0x43: {  	_ =	shalt  }
0x44: {  	_ =	shalt  }
0x45: {  	_ =	shalt  }
0x46: {  	_ =	shalt  }
0x47: {  	_ =	shalt  }
0x48: {  	_ =	shalt  }
0x49: {  	_ =	shalt  }
0x4a: {  	_ =	shalt  }
0x4b: {  	_ =	shalt  }
0x4c: {  	_ =	shalt  }
0x4d: {  	_ =	shalt  }
0x4e: {  	_ =	shalt  }
0x4f: {  	_ =	shalt  }
0x50: {  	_ =	shalt  }
0x51: {  	_ =	shalt  }
0x52: {  	_ =	shalt  }
0x53: {  	_ =	shalt  }
0x54: {  	_ =	shalt  }
0x55: {  	_ =	shalt  }
0x56: {  	_ =	shalt  }
0x57: {  	_ =	shalt  }
0x58: {  	_ =	shalt  }
0x59: {  	_ =	shalt  }
0x5a: {  	_ =	shalt  }
0x5b: {  	_ =	shalt  }
0x5c: {  	_ =	shalt  }
0x5d: {  	_ =	shalt  }
0x5e: {  	_ =	shalt  }
0x5f: {  	_ =	shalt  }
0x60: {  	_ =	shalt  }
0x61: {  	_ =	shalt  }
0x62: {  	_ =	shalt  }
0x63: {  	_ =	shalt  }
0x64: {  	_ =	shalt  }
0x65: {  	_ =	shalt  }
0x66: {  	_ =	shalt  }
0x67: {  	_ =	shalt  }
0x68: {  	_ =	shalt  }
0x69: {  	_ =	shalt  }
0x6a: {  	_ =	shalt  }
0x6b: {  	_ =	shalt  }
0x6c: {  	_ =	shalt  }
0x6d: {  	_ =	shalt  }
0x6e: {  	_ =	shalt  }
0x6f: {  	_ =	shalt  }
0x70: {  	_ =	shalt  }
0x71: {  	_ =	shalt  }
0x72: {  	_ =	shalt  }
0x73: {  	_ =	shalt  }
0x74: {  	_ =	shalt  }
0x75: {  	_ =	shalt  }
0x76: {  	_ =	shalt  }
0x77: {  	_ =	shalt  }
0x78: {  	_ =	shalt  }
0x79: {  	_ =	shalt  }
0x7a: {  	_ =	shalt  }
0x7b: {  	_ =	shalt  }
0x7c: {  	_ =	shalt  }
0x7d: {  	_ =	shalt  }
0x7e: {  	_ =	shalt  }
0x7f: {  	_ =	shalt  }
0x80: {  	_ =	shalt  }
0x81: {  	_ =	shalt  }
0x82: {  	_ =	shalt  }
0x83: {  	_ =	shalt  }
0x84: {  	_ =	shalt  }
0x85: {  	_ =	shalt  }
0x86: {  	_ =	shalt  }
0x87: {  	_ =	shalt  }
.Lfunc_end0:
.L_simem_size_0:
called_computation_lowered:
.L_overlay_start_0:
0x88: {  	s2 =	sld [smem:$0x3FD9]  }
0x89: {  	s3 =	sld [smem:$0x3FFE];
	_ =	sdelay $0x1  }
0x8a: {  	s1 =	srdreg.scid  }
0x8b: {  	s0 =	sand.u32 $0x1, s1  }
0x8c: {  	s14 =	sshll.u32 s0, $0xA;
	s2 =	sadd.s32 s3, s2  }
0x8d: {  	s2 =	sadd.s32 s2, s14  }
0x8e: {  	[smem:$0x3FC5] =	sst s2  }
0x8f: {  	_ = 	snop  }
0x90: {  	s2 =	sld [smem:$0x3FD0];
	_ =	sdelay $0x1  }
0x91: {  	s15 =	sld [smem:$0x3FC8]  }
0x92: {  	s5 =	simm.s32 $0xA;
	s6 =	simm.s32 $0x10;
	s4 =	sld [smem:$0x3FC7]  }
0x93: {  	[smem:s6], [sflag:s5] =	dma.local [hbm:s2], $0x1  }
0x94: {  	_ =	swait.eq [sflag:s5], $0x1  }
0x95: {  	s16 =	sld [smem:$0x10];
	[sflag:s5] =	ssyncset.done $0x0  }
0x96: {  	s17 =	sld [smem:$0x11];
	[sflag:s5] =	ssyncadd.s32 $0xFFFFFFFF  }
0x97: {  	s18 =	sld [smem:$0x12];
	(tm) =	ssettm $0x1  }
0x98: {  	s7 =	sld [smem:$0x3FFB];
	_ =	sdelay $0x3  }
0x99: {  	_ =	strace s7  }
0x9a: {  	s7 =	sld [smem:$0x3FFC];
	_ =	sdelay $0x3  }
0x9b: {  	_ =	strace s7  }
0x9c: {  	s7 =	sld [smem:$0x3FFD];
	_ =	sdelay $0x3  }
0x9d: {  	_ =	strace s7  }
0x9e: {  	_ =	strace $0x8FFFFFFF  }
0x9f: {  	s19 =	sld [smem:$0x3FDB];
	_ =	sdelay $0x1  }
0xa0: {  	s8 =	simm.s32 $_scs_section_size  }
0xa1: {  	s9 =	simm.s32 $_size__tile_overlayer_lowered;
	s10 =	simm.s32 $_tile_overlayer_lowered  }
0xa2: {  	s22 =	simm.s32 $0x1BFF;
	s21 =	sshll.u32 s10, $0x1;
	s7 =	sadd.s32 s8, s19  }
0xa3: {  	s11 =	simm.s32 $0x0;
	s20 =	sshll.u32 s9, $0x1;
	s9 =	sadd.s32 s21, s7  }
0xa4: {  	[timem:s11], [sflag:s22] =	dma.local [hbm:s9], s20  }
0xa5: {  	_ =	swait.ge [sflag:s22], s20  }
0xa6: {  	s8 =	ssub.s32 $0x0, s20;
	[sflag:s22] =	ssyncset.done $0x0  }
0xa7: {  	[sflag:s22] =	ssyncadd.s32 s8;
	_ =	sdelay $0x1  }
0xa8: {  	s23 =	simm.s32 $0x1B8B  }
0xa9: {  	_ =	swait.ge [sflag:s23], $0x1  }
0xaa: {  	[sflag:s23] =	ssyncset.done $0x0  }
0xab: {  	s25 =	simm.s32 $0x1B8E;
	s24 =	sld [smem:$0x3FFE];
	[sflag:s23] =	ssyncadd.s32 $0xFFFFFFFF  }
0xac: {  	s26 =	simm.s32 $execute0_lowered;
	[smem:$0x3FD2] =	sst s25  }
0xad: {  	s9 =	sshll.u32 s26, $0x1;
	_ =	strace $0x80000046;
	[dreg:$0x1] =	wrdreg $0xFFFFFFFF  }
0xae: {  	s28 =	simm.s32 $_size_execute0_lowered;
	s7 =	sadd.s32 s7, s9;
	[dreg:$0x0] =	wrdreg $0x0  }
0xaf: {  	s9 =	sshll.u32 s28, $0x1;
	[dreg:$0x2] =	wrdreg s7  }
0xb0: {  	[dreg:$0x3] =	wrdreg s9  }
0xb1: {  	[dreg:$0x4] =	wrdreg $0xC0  }
0xb2: {  	_ =	task [dreg:s11], $0x5FFFF  }
0xb3: {  	[dreg:$0x1] =	wrdreg $0xFFFFFFFF  }
0xb4: {  	[dreg:$0x0] =	wrdreg $0x60  }
0xb5: {  	[dreg:$0x2] =	wrdreg s24  }
0xb6: {  	[dreg:$0x3] =	wrdreg s15  }
0xb7: {  	[dreg:$0x4] =	wrdreg s4  }
0xb8: {  	[dreg:$0x5] =	wrdreg s16  }
0xb9: {  	[dreg:$0x6] =	wrdreg s17  }
0xba: {  	[dreg:$0x7] =	wrdreg s18  }
0xbb: {  	[dreg:$0x8] =	wrdreg $0x0  }
0xbc: {  	[dreg:$0x9] =	wrdreg $0xC380  }
0xbd: {  	[dreg:$0xa] =	wrdreg $0x18700  }
0xbe: {  	[dreg:$0xb] =	wrdreg $0x9  }
0xbf: {  	_ =	task.clear_ibuf [dreg:s11], $0xCFFFF;
	_ =	strace $0x90000046  }
0xc0: {  	s29 =	simm.s32 $0x9;
	_ =	strace $0x80000048  }
0xc1: {  	_ =	swait.ge [sflag:s29], $0x1  }
0xc2: {  	[sflag:s29] =	ssyncadd.s32 $0xFFFFFFFF  }
0xc3: {  	_ =	strace $0x90000048  }
0xc4: {  	_ =	sfence  }
0xc5: {  	s30 =	sld [smem:$0x0];
	_ =	sdelay $0x2  }
0xc6: {  	s31 =	sshll.u32 s1, $0xD;
	s1 =	sshrl.u32 s1, $0x2  }
0xc7: {  	s3 =	sand.u32 $0x4000, s31;
	s1 =	sadd.s32 s1, s30  }
0xc8: {  	s0 =	sor.u32 s3, s0;
	s1 =	sshll.u32 s1, $0x11  }
0xc9: {  	s0 =	sor.u32 s1, s0  }
0xca: {  	s0 =	sadd.s32 $0x8F2B, s0  }
0xcb: {  	[sflag:s0] =	ssyncadd.remote.s32 $0x1  }
0xcc: {  	_ =	sfence.sel $0xFFFF  }
0xcd: {  	[dreg:$0x0] =	wrdreg $0xFFFFFFFF;
	(pc) =	sbr.abs _section_cstart, $3  }
0xce: {  	[dreg:$0x1] =	wrdreg $0xFFFFFFFF  }
0xcf: {  	_ =	task.clear_ibuf [dreg:s11], $0x2FFFF;
	_ =	strace $0x9FFFFFFF  }
0xd0: {  	(tm) =	ssettm $0x7FFFFFFF  }
0xd1: {  	_ =	shalt  }
tec
execute0_lowered:
.L_overlay_start_1:
0x0: {  	(tag) =	ssettag $0x1  }
0x1: {  	s0 =	rddreg [dreg:$0x0]  }
0x2: {  	s28 =	rddreg [dreg:$0x1]  }
0x3: {  	s10 =	rddreg [dreg:$0x2]  }
0x4: {  	s11 =	rddreg [dreg:$0x3]  }
0x5: {  	s12 =	rddreg [dreg:$0x4]  }
0x6: {  	s15 =	rddreg [dreg:$0x5]  }
0x7: {  	s6 =	rddreg [dreg:$0x6]  }
0x8: {  	s7 =	rddreg [dreg:$0x7]  }
0x9: {  	s8 =	rddreg [dreg:$0x8]  }
0xa: {  	s1 =	srdreg.scid;
	s2 =	stileid.u32;
	s9 =	simm.s32 $0x0  }
0xb: {  	s1 =	sand.u32 $0x1, s1;
	s3 =	sshll.u32 s2, $0x1;
	[smem:$0x7FF] =	sst s9  }
0xc: {  	s4 =	sadd.s32 $0x4000, s0;
	s25 =	sadd.s32 $0x2600, s0;
	s26 =	sadd.s32 $0xC00, s0  }
0xd: {  	s13 =	sadd.s32 $0x5A00, s0;
	s3 =	sor.u32 s1, s3;
	_ =	strace $0x80000047  }
0xe: {  	[dreg:$0xa] =	wrdreg s4;
	s4 =	ssub.s32 $0x2, s1;
	s3 =	smul.u32 $0xC350, s3  }
0xf: {  	s14 =	sadd.s32 $0x36800, s0;
	[dreg:$0xb] =	wrdreg s25;
	s17 =	sshrl.u32 s4, $0x1  }
0x10: {  	[dreg:$0xc] =	wrdreg s26;
	s0 =	ssub.s32 s4, s17;
	s16 =	sadd.s32 $0xFA0, s3  }
0x11: {  	s1 =	sshrl.u32 s3, $0x3;
	s0 =	smax.u32 s0, $0x1;
	[dreg:$0xd] =	wrdreg s16  }
0x12: {  	s19 =	sshrl.u32 s16, $0x3;
	s16 =	sadd.s32 s28, s1;
	[smem:$0x7FD] =	sst s0  }
0x13: {  	s5 =	sadd.s32 $0xFA, s1;
	s17 =	sadd.s32 s10, s1;
	[dreg:$0x19] =	wrdreg s16  }
0x14: {  	s18 =	sadd.s32 s28, s5;
	[dreg:$0x1a] =	wrdreg s17  }
0x15: {  	s20 =	sadd.s32 s10, s5;
	[dreg:$0xe] =	wrdreg s18  }
0x16: {  	s21 =	sadd.s32 s28, s19;
	[dreg:$0xf] =	wrdreg s20  }
0x17: {  	s4 =	sadd.s32 s10, s19;
	[dreg:$0x10] =	wrdreg s21  }
0x18: {  	s22 =	sadd.s32 s11, s5;
	[dreg:$0x11] =	wrdreg s4  }
0x19: {  	s23 =	sadd.s32 s13, s5;
	[dreg:$0x12] =	wrdreg s22  }
0x1a: {  	s24 =	sadd.s32 s14, s5;
	[dreg:$0x13] =	wrdreg s23  }
0x1b: {  	s25 =	sadd.s32 s12, s5;
	[dreg:$0x14] =	wrdreg s24  }
0x1c: {  	s26 =	sadd.s32 s15, s5;
	[dreg:$0x15] =	wrdreg s25  }
0x1d: {  	s5 =	sadd.s32 $0x1F40, s3;
	[dreg:$0x16] =	wrdreg s26  }
0x1e: {  	s29 =	simm.s32 $0x2;
	s19 =	sadd.s32 s13, s1;
	[dreg:$0x18] =	wrdreg s5  }
0x1f: {  	s30 =	simm.s32 $0x3;
	s4 =	sadd.s32 $0x1770, s3;
	[dreg:$0x1c] =	wrdreg s19  }
0x20: {  	s31 =	simm.s32 $0x4;
	s18 =	sadd.s32 s11, s1;
	[dreg:$0x17] =	wrdreg s4  }
0x21: {  	p1 =	seq.s32 s2, $0x2;
	s20 =	sadd.s32 s14, s1;
	[dreg:$0x1b] =	wrdreg s18  }
0x22: {  	p2 =	seq.s32 s2, $0x1;
	s21 =	sadd.s32 s12, s1;
	[dreg:$0x1d] =	wrdreg s20  }
0x23: {  	s22 =	sadd.s32 s15, s1;
	s1 =	sadd.s32 $0x1770, s1;
	[dreg:$0x1e] =	wrdreg s21  }
0x24: {  	p0 =	sne.s32 s2, $0x0;
	[dreg:$0x1f] =	wrdreg s22;
	s23 =	sadd.s32 s11, s1  }
0x25: {  	s17 =	simm.s32 $0x1;
	s24 =	sadd.s32 s13, s1;
	[smem:$0x7F8] =	sst s23  }
0x26: {  	s25 =	sadd.s32 s14, s1;
	s26 =	sadd.s32 s12, s1;
	[smem:$0x7F9] =	sst s24  }
0x27: {  	s1 =	sadd.s32 s15, s1;
	s21 =	simm.s32 $0x5;
	[smem:$0x7FA] =	sst s25  }
0x28: {  	s22 =	simm.s32 $0x24A8;
	s11 =	simm.s32 $0x64A8;
	[smem:$0x7FB] =	sst s26  }
0x29: {  	s12 =	simm.s32 $0x6CA8;
	s26 =	smov.u32 s15;
	[smem:$0x7FC] =	sst s1  }
0x2a: {  	s23 =	simm.s32 $0x2CA8;
	s24 =	simm.s32 $0x7D0;
	s1 =	simm.s32 $0x0  }
.LBB2_1:
.Ltmp0:
0x2b: {  	(pc) =	sbr.rel @p1 .LBB2_6-.Ltmp0, $2  }
0x2c: {  	_ =	sdelay $0x2  }
0x2d: {  	[smem:$0x7F7] =	sst s1  }
.Ltmp1:
0x2e: {  	(pc) =	sbr.rel @p2 .LBB2_5-.Ltmp1, $1  }
0x2f: {  	_ =	sdelay $0x3  }
.Ltmp2:
0x30: {  	(pc) =	sbr.rel @p0 .LBB2_8-.Ltmp2, $1  }
0x31: {  	_ =	sdelay $0x3  }
.Ltmp3:
0x32: {  	(pc) =	sbr.rel .LBB2_7-.Ltmp3, $3  }
0x33: {  	_ =	sdelay $0x1  }
0x34: {  	s0 =	sshrl.u32 s6, $0x3;
	s1 =	rddreg [dreg:$0xa];
	s2 =	simm.s32 $0x1C05  }
0x35: {  	[spmem:s0], [sflag:s2] =	dma.local [hbm:s1], $0x1870  }
.LBB2_5:
.Ltmp4:
0x36: {  	(pc) =	sbr.rel .LBB2_7-.Ltmp4, $3  }
0x37: {  	_ =	sdelay $0x1  }
0x38: {  	s0 =	sshrl.u32 s7, $0x3;
	s1 =	rddreg [dreg:$0xb];
	s2 =	simm.s32 $0x1C45  }
0x39: {  	[spmem:s0], [sflag:s2] =	dma.local [hbm:s1], $0x1870  }
.LBB2_6:
0x3a: {  	s0 =	sshrl.u32 s8, $0x3;
	s1 =	rddreg [dreg:$0xc];
	s2 =	simm.s32 $0x1C85  }
0x3b: {  	[spmem:s0], [sflag:s2] =	dma.local [hbm:s1], $0x1870  }
.LBB2_7:
0x3c: {  	_ =	swait.ge [sflag:s21], $0x1870  }
0x3d: {  	[sflag:s21] =	ssyncset.done $0x0  }
0x3e: {  	[sflag:s21] =	ssyncadd.s32 $0xFFFFE790  }
.LBB2_8:
0x3f: {  	[bflag:$0x0] =	sbarrier.arrive $0xFFFF  }
0x40: {  	s0 =	simm.s32 $0x0;
	s1 =	rddreg [dreg:$0x19]  }
0x41: {  	[tilespmem:s22], [sflag:$0x5] =	stream.linear.gather [hbm4b:s1+s0], $0x7D0, $0x38;
	[tilespmem:$0xF4A8] =	vst v63  }
0x42: {  	_ =	swait.ge [sflag:s21], $0x7D0  }
0x43: {  	[sflag:s21] =	ssyncset.done $0x0  }
0x44: {  	s18 =	rddreg [dreg:$0x1a];
	[sflag:s21] =	ssyncadd.s32 $0xFFFFF830  }
0x45: {  	[tilespmem:s23], [sflag:$0x5] =	stream.linear.gather [hbm4b:s18+s0], $0x7D0, $0x38;
	[tilespmem:$0xF4A8] =	vst v63  }
0x46: {  	_ =	swait.ge [sflag:s21], $0x7D0  }
0x47: {  	[sflag:s21] =	ssyncset.done $0x0  }
0x48: {  	s19 =	simm.s32 $0x34A8;
	[sflag:s21] =	ssyncadd.s32 $0xFFFFF830  }
0x49: {  	[tilespmem:s19], [sflag:$0x1] =	stream.indirect.gather [spmem:s6], $0x1, s22, s24, $0xb8;
	[tilespmem:$0xF4A8] =	vst v63  }
0x4a: {  	s20 =	simm.s32 $0x3CA8  }
0x4b: {  	[tilespmem:s20], [sflag:$0x1] =	stream.indirect.gather [spmem:s7], $0x1, s22, s24, $0xb8;
	[tilespmem:$0xF4A8] =	vst v63  }
0x4c: {  	s25 =	simm.s32 $0x44A8  }
0x4d: {  	[tilespmem:s25], [sflag:$0x1] =	stream.indirect.gather [spmem:s8], $0x1, s22, s24, $0xb8;
	[tilespmem:$0xF4A8] =	vst v63  }
0x4e: {  	s2 =	simm.s32 $0x4CA8  }
0x4f: {  	[tilespmem:s2], [sflag:$0x1] =	stream.indirect.gather [spmem:s6], $0x1, s23, s24, $0xb8;
	[tilespmem:$0xF4A8] =	vst v63  }
0x50: {  	s3 =	simm.s32 $0x54A8  }
0x51: {  	[tilespmem:s3], [sflag:$0x1] =	stream.indirect.gather [spmem:s7], $0x1, s23, s24, $0xb8;
	[tilespmem:$0xF4A8] =	vst v63  }
0x52: {  	s4 =	simm.s32 $0x5CA8  }
0x53: {  	[tilespmem:s4], [sflag:$0x1] =	stream.indirect.gather [spmem:s8], $0x1, s23, s24, $0xb8;
	[tilespmem:$0xF4A8] =	vst v63  }
0x54: {  	s5 =	rddreg [dreg:$0xe]  }
0x55: {  	[tilespmem:s11], [sflag:$0x5] =	stream.linear.gather [hbm4b:s5+s0], $0x7D0, $0x38;
	[tilespmem:$0xF4A8] =	vst v63  }
0x56: {  	_ =	swait.ge [sflag:s21], $0x7D0  }
0x57: {  	[sflag:s21] =	ssyncset.done $0x0  }
0x58: {  	s10 =	rddreg [dreg:$0xf];
	[sflag:s21] =	ssyncadd.s32 $0xFFFFF830  }
0x59: {  	[tilespmem:s12], [sflag:$0x5] =	stream.linear.gather [hbm4b:s10+s0], $0x7D0, $0x38;
	[tilespmem:$0xF4A8] =	vst v63  }
0x5a: {  	_ =	swait.ge [sflag:s21], $0x7D0  }
0x5b: {  	[sflag:s21] =	ssyncset.done $0x0  }
0x5c: {  	s15 =	simm.s32 $0x74A8;
	[sflag:s21] =	ssyncadd.s32 $0xFFFFF830  }
0x5d: {  	[tilespmem:s15], [sflag:$0x2] =	stream.indirect.gather [spmem:s6], $0x1, s11, s24, $0xb8;
	[tilespmem:$0xF4A8] =	vst v63  }
0x5e: {  	s16 =	simm.s32 $0x7CA8  }
0x5f: {  	[tilespmem:s16], [sflag:$0x2] =	stream.indirect.gather [spmem:s7], $0x1, s11, s24, $0xb8;
	[tilespmem:$0xF4A8] =	vst v63  }
0x60: {  	s18 =	simm.s32 $0x84A8  }
0x61: {  	[tilespmem:s18], [sflag:$0x2] =	stream.indirect.gather [spmem:s8], $0x1, s11, s24, $0xb8;
	[tilespmem:$0xF4A8] =	vst v63  }
0x62: {  	s19 =	simm.s32 $0x8CA8  }
0x63: {  	[tilespmem:s19], [sflag:$0x2] =	stream.indirect.gather [spmem:s6], $0x1, s12, s24, $0xb8;
	[tilespmem:$0xF4A8] =	vst v63  }
0x64: {  	s20 =	simm.s32 $0x94A8  }
0x65: {  	[tilespmem:s20], [sflag:$0x2] =	stream.indirect.gather [spmem:s7], $0x1, s12, s24, $0xb8;
	[tilespmem:$0xF4A8] =	vst v63  }
0x66: {  	s25 =	simm.s32 $0x9CA8  }
0x67: {  	[tilespmem:s25], [sflag:$0x2] =	stream.indirect.gather [spmem:s8], $0x1, s12, s24, $0xb8;
	[tilespmem:$0xF4A8] =	vst v63  }
0x68: {  	_ =	swait.ge [sflag:s17], $0x7D0  }
0x69: {  	[sflag:s17] =	ssyncset.done $0x0  }
0x6a: {  	[sflag:s17] =	ssyncadd.s32 $0xFFFFF830  }
0x6b: {  	_ =	swait.ge [sflag:s17], $0x7D0  }
0x6c: {  	[sflag:s17] =	ssyncset.done $0x0  }
0x6d: {  	[sflag:s17] =	ssyncadd.s32 $0xFFFFF830  }
0x6e: {  	_ =	swait.ge [sflag:s17], $0x7D0  }
0x6f: {  	[sflag:s17] =	ssyncset.done $0x0  }
0x70: {  	[sflag:s17] =	ssyncadd.s32 $0xFFFFF830  }
0x71: {  	_ =	swait.ge [sflag:s17], $0x7D0  }
0x72: {  	[sflag:s17] =	ssyncset.done $0x0  }
0x73: {  	[sflag:s17] =	ssyncadd.s32 $0xFFFFF830  }
0x74: {  	_ =	swait.ge [sflag:s17], $0x7D0  }
0x75: {  	[sflag:s17] =	ssyncset.done $0x0  }
0x76: {  	[sflag:s17] =	ssyncadd.s32 $0xFFFFF830  }
0x77: {  	_ =	swait.ge [sflag:s17], $0x7D0  }
0x78: {  	[sflag:s17] =	ssyncset.done $0x0  }
0x79: {  	s3 =	simm.s32 $0x0;
	[sflag:s17] =	ssyncadd.s32 $0xFFFFF830  }
0x7a: {  	v0 =	vld [tilespmem:s3+$0x44A8]  }
0x7b: {  	v1 =	vld [tilespmem:s3+$0x3CA8]  }
0x7c: {  	v2 =	vld [tilespmem:s3+$0x5CA8]  }
0x7d: {  	v3 =	vld [tilespmem:s3+$0x34A8]  }
0x7e: {  	v4 =	vld [tilespmem:s3+$0x54A8]  }
0x7f: {  	v5 =	vld [tilespmem:s3+$0x4CA8];
	_ =	sdelay $0x3  }
0x80: {  	v0 =	vsub.f32 v2, v0  }
0x81: {  	v1 =	vsub.f32 v4, v1;
	v2 =	vsub.f32 v5, v3  }
0x82: {  	[tilespmem:s3+$0xB4A8] =	vst v0  }
0x83: {  	v3 =	vmul.f32 v1, v1;
	v4 =	vmul.f32 v2, v2;
	[tilespmem:s3+$0xACA8] =	vst v1  }
0x84: {  	s10 =	simm.s32 $0x10;
	[tilespmem:s3+$0xA4A8] =	vst v2  }
0x85: {  	v0 =	vmul.f32 v0, v0;
	v2 =	vld [tilespmem:s10+$0x44A8];
	v1 =	vadd.f32 v3, v4  }
0x86: {  	v6 =	vld [tilespmem:s10+$0x34A8]  }
0x87: {  	v7 =	vld [tilespmem:s10+$0x54A8];
	v0 =	vadd.f32 v0, v1  }
0x88: {  	v9 =	vld [tilespmem:s10+$0x4CA8]  }
0x89: {  	v3 =	vld [tilespmem:s10+$0x5CA8];
	v4 =	vshra.s32 v0, $0x1;
	v5 =	vmul.f32 $5.000000000e-01, v0  }
0x8a: {  	v1 =	vld [tilespmem:s10+$0x3CA8];
	v4 =	vsub.s32 $0x5F3759DF, v4  }
0x8b: {  	v8 =	vmul.f32 v4, v5;
	_ =	sdelay $0x1  }
0x8c: {  	v8 =	vmul.f32 v4, v8  }
0x8d: {  	v2 =	vsub.f32 v3, v2;
	v3 =	vsub.f32 v9, v6  }
0x8e: {  	v1 =	vsub.f32 v7, v1;
	v8 =	vsub.f32 $1.500000000e+00, v8  }
0x8f: {  	v7 =	vmul.f32 v3, v3  }
0x90: {  	[tilespmem:s10+$0xB4A8] =	vst v2;
	v6 =	vmul.f32 v1, v1;
	v4 =	vmul.f32 v4, v8  }
0x91: {  	[tilespmem:s10+$0xA4A8] =	vst v3  }
0x92: {  	s16 =	simm.s32 $0x20;
	v2 =	vmul.f32 v2, v2;
	[tilespmem:s10+$0xACA8] =	vst v1;
	v3 =	vadd.f32 v6, v7;
	v1 =	vmul.f32 v4, v5  }
0x93: {  	v9 =	vld [tilespmem:s16+$0x34A8]  }
0x94: {  	v10 =	vld [tilespmem:s16+$0x54A8];
	v2 =	vadd.f32 v2, v3;
	v1 =	vmul.f32 v1, v4  }
0x95: {  	v6 =	vld [tilespmem:s16+$0x5CA8]  }
0x96: {  	v3 =	vld [tilespmem:s16+$0x3CA8];
	v7 =	vshra.s32 v2, $0x1;
	v8 =	vmul.f32 $5.000000000e-01, v2;
	v1 =	vsub.f32 $1.500000000e+00, v1  }
0x97: {  	v5 =	vld [tilespmem:s16+$0x44A8];
	v7 =	vsub.s32 $0x5F3759DF, v7  }
0x98: {  	v11 =	vld [tilespmem:s16+$0x4CA8];
	v1 =	vmul.f32 v1, v4;
	v4 =	vmul.f32 v7, v8;
	_ =	sdelay $0x1  }
0x99: {  	v1 =	vmul.f32 v1, v0;
	v4 =	vmul.f32 v7, v4  }
0x9a: {  	vm0 =	vgt.f32 v0, $0.0e+00;
	v3 =	vsub.f32 v10, v3  }
0x9b: {  	v0 =	vnsel vm0, $0x0, v1;
	v1 =	vsub.f32 $1.500000000e+00, v4;
	v4 =	vsub.f32 v6, v5  }
0x9c: {  	v5 =	vsub.f32 v11, v9;
	[tilespmem:s3+$0xBCA8] =	vst v0  }
0x9d: {  	v6 =	vmul.f32 v3, v3;
	[tilespmem:s16+$0xB4A8] =	vst v4  }
0x9e: {  	v1 =	vmul.f32 v7, v1;
	[tilespmem:s16+$0xACA8] =	vst v3;
	v3 =	vmul.f32 v5, v5  }
0x9f: {  	s18 =	simm.s32 $0x30;
	[tilespmem:s16+$0xA4A8] =	vst v5  }
0xa0: {  	v4 =	vmul.f32 v4, v4;
	v7 =	vld [tilespmem:s18+$0x3CA8];
	v5 =	vmul.f32 v1, v8;
	v3 =	vadd.f32 v6, v3  }
0xa1: {  	v11 =	vld [tilespmem:s18+$0x4CA8]  }
0xa2: {  	v12 =	vld [tilespmem:s18+$0x5CA8];
	v5 =	vmul.f32 v5, v1;
	v3 =	vadd.f32 v4, v3  }
0xa3: {  	v8 =	vld [tilespmem:s18+$0x54A8]  }
0xa4: {  	v4 =	vld [tilespmem:s18+$0x34A8];
	v5 =	vsub.f32 $1.500000000e+00, v5;
	v9 =	vshra.s32 v3, $0x1;
	v10 =	vmul.f32 $5.000000000e-01, v3  }
0xa5: {  	v6 =	vld [tilespmem:s18+$0x44A8];
	v9 =	vsub.s32 $0x5F3759DF, v9  }
0xa6: {  	v1 =	vmul.f32 v5, v1;
	v5 =	vmul.f32 v9, v10  }
0xa7: {  	v0 =	vmul.f32 $2.000000030e-01, v0  }
0xa8: {  	vm0 =	vgt.f32 v2, $0.0e+00;
	v1 =	vmul.f32 v1, v2;
	v5 =	vmul.f32 v9, v5  }
0xa9: {  	v13 =	vmul.f32 $5.000000000e-01, v0;
	v4 =	vsub.f32 v11, v4;
	v2 =	vsub.f32 v8, v7  }
0xaa: {  	v6 =	vsub.f32 v12, v6;
	v1 =	vnsel vm0, $0x0, v1;
	v5 =	vsub.f32 $1.500000000e+00, v5  }
0xab: {  	v8 =	vmul.f32 v4, v4;
	v7 =	vmul.f32 v2, v2;
	[tilespmem:s10+$0xBCA8] =	vst v1  }
0xac: {  	v11 =	vadd.f32 $5.000000000e-01, v13;
	v5 =	vmul.f32 v9, v5;
	[tilespmem:s18+$0xB4A8] =	vst v6  }
0xad: {  	[tilespmem:s18+$0xACA8] =	vst v2;
	v2 =	vadd.f32 v7, v8;
	v6 =	vmul.f32 v6, v6  }
0xae: {  	v7 =	vtrunc.f32 v11;
	v8 =	vmul.f32 v5, v10  }
0xaf: {  	s0 =	simm.s32 $0x40;
	[tilespmem:s18+$0xA4A8] =	vst v4;
	v4 =	vcvt.f32.s32 v7;
	v2 =	vadd.f32 v6, v2  }
0xb0: {  	v1 =	vmul.f32 $2.000000030e-01, v1;
	v11 =	vld [tilespmem:s0+$0x34A8];
	v7 =	vmul.f32 v8, v5  }
0xb1: {  	v40 =	vld [tilespmem:s0+$0x54A8];
	v4 =	vcvt.s32.f32 v4;
	v9 =	vshra.s32 v2, $0x1;
	v10 =	vmul.f32 $5.000000000e-01, v2  }
0xb2: {  	v39 =	vmul.f32 $5.000000000e-01, v1;
	v15 =	vld [tilespmem:s0+$0x4CA8];
	v9 =	vsub.s32 $0x5F3759DF, v9;
	v7 =	vsub.f32 $1.500000000e+00, v7  }
0xb3: {  	v8 =	vld [tilespmem:s0+$0x3CA8];
	v4 =	vadd.f32 v4, v4;
	v14 =	vmul.f32 v9, v10  }
0xb4: {  	v6 =	vld [tilespmem:s0+$0x44A8];
	v12 =	vadd.f32 $5.000000000e-01, v39;
	v5 =	vmul.f32 v7, v5  }
0xb5: {  	v0 =	vsub.f32 v0, v4;
	v7 =	vld [tilespmem:s0+$0x5CA8];
	v14 =	vmul.f32 v9, v14  }
0xb6: {  	vm0 =	vgt.f32 v3, $0.0e+00;
	v4 =	vtrunc.f32 v12;
	v5 =	vmul.f32 v5, v3  }
0xb7: {  	v4 =	vcvt.f32.s32 v4;
	v0 =	vand.u32 $0x7FFFFFFF, v0;
	v3 =	vsub.f32 $1.500000000e+00, v14  }
0xb8: {  	v8 =	vsub.f32 v40, v8;
	v41 =	vsub.f32 $1.000000000e+00, v0;
	v5 =	vnsel vm0, $0x0, v5  }
0xb9: {  	v11 =	vsub.f32 v15, v11;
	v3 =	vmul.f32 v9, v3;
	vm0 =	vgt.f32 v0, $5.000000000e-01;
	[tilespmem:s16+$0xBCA8] =	vst v5  }
0xba: {  	v4 =	vcvt.s32.f32 v4;
	v6 =	vsub.f32 v7, v6;
	v0 =	vsel vm0, v41, v0;
	[tilespmem:s0+$0xACA8] =	vst v8  }
0xbb: {  	v10 =	vmul.f32 v3, v10;
	[tilespmem:s0+$0xA4A8] =	vst v11;
	v0 =	vmul.f32 $3.141592740e+00, v0  }
0xbc: {  	s1 =	simm.s32 $0x50;
	v9 =	vmul.f32 v11, v11;
	v7 =	vmul.f32 v8, v8;
	[tilespmem:s0+$0xB4A8] =	vst v6  }
0xbd: {  	v4 =	vadd.f32 v4, v4;
	v8 =	vmul.f32 v10, v3;
	v10 =	vmul.f32 v0, v0;
	v0 =	vld [tilespmem:s1+$0x3CA8]  }
0xbe: {  	v5 =	vmul.f32 $2.000000030e-01, v5;
	v43 =	vld [tilespmem:s1+$0x5CA8]  }
0xbf: {  	v1 =	vsub.f32 v1, v4;
	v7 =	vadd.f32 v7, v9;
	v6 =	vmul.f32 v6, v6;
	v44 =	vld [tilespmem:s1+$0x34A8]  }
0xc0: {  	v9 =	vmul.f32 $5.000000000e-01, v5;
	v16 =	vld [tilespmem:s1+$0x54A8]  }
0xc1: {  	v17 =	vld [tilespmem:s1+$0x4CA8];
	v1 =	vand.u32 $0x7FFFFFFF, v1;
	v6 =	vadd.f32 v6, v7;
	v8 =	vsub.f32 $1.500000000e+00, v8  }
0xc2: {  	vm1 =	vgt.f32 v2, $0.0e+00;
	v7 =	vld [tilespmem:s1+$0x44A8];
	v9 =	vadd.f32 $5.000000000e-01, v9;
	v48 =	vsub.f32 $1.000000000e+00, v1  }
0xc3: {  	v11 =	vshra.s32 v6, $0x1;
	v42 =	vmul.f32 $5.000000000e-01, v6;
	v3 =	vmul.f32 v8, v3  }
0xc4: {  	v9 =	vtrunc.f32 v9;
	v11 =	vsub.s32 $0x5F3759DF, v11;
	v8 =	vmul.f32 $2.087675590e-09, v10  }
0xc5: {  	v45 =	vmul.f32 v11, v42;
	v0 =	vsub.f32 v16, v0;
	v3 =	vmul.f32 v3, v2  }
0xc6: {  	v9 =	vcvt.f32.s32 v9;
	v14 =	vsub.f32 v17, v44;
	v8 =	vadd.f32 $-2.755732000e-07, v8  }
0xc7: {  	v7 =	vsub.f32 v43, v7;
	v4 =	vmul.f32 v11, v45;
	v2 =	vnsel vm1, $0x0, v3  }
0xc8: {  	v3 =	vcvt.s32.f32 v9;
	v8 =	vmul.f32 v8, v10;
	vm1 =	vmmov vm0  }
0xc9: {  	vm0 =	vgt.f32 v1, $5.000000000e-01;
	v4 =	vsub.f32 $1.500000000e+00, v4;
	v9 =	vmul.f32 $2.000000030e-01, v2  }
0xca: {  	v47 =	vmul.f32 v14, v14;
	[tilespmem:s18+$0xBCA8] =	vst v2;
	v49 =	vsel vm0, v48, v1;
	v8 =	vadd.f32 $2.480158760e-05, v8  }
0xcb: {  	vm2 =	vmmov vm1;
	[tilespmem:s1+$0xB4A8] =	vst v7;
	v46 =	vmul.f32 $5.000000000e-01, v9;
	v4 =	vmul.f32 v11, v4  }
0xcc: {  	vm1 =	vgt.f32 v6, $0.0e+00;
	[tilespmem:s1+$0xACA8] =	vst v0;
	v11 =	vmul.f32 v0, v0;
	v8 =	vmul.f32 v8, v10  }
0xcd: {  	s2 =	simm.s32 $0x60;
	v3 =	vadd.f32 v3, v3;
	[tilespmem:s1+$0xA4A8] =	vst v14;
	v0 =	vmul.f32 $3.141592740e+00, v49;
	v12 =	vmul.f32 v4, v42  }
0xce: {  	v54 =	vld [tilespmem:s2+$0x34A8];
	v2 =	vadd.f32 v11, v47;
	v11 =	vmul.f32 v7, v7;
	v8 =	vadd.f32 $-1.388888920e-03, v8  }
0xcf: {  	v56 =	vld [tilespmem:s2+$0x4CA8];
	v3 =	vsub.f32 v5, v3;
	v0 =	vmul.f32 v0, v0;
	v7 =	vmul.f32 v12, v4  }
0xd0: {  	v13 =	vadd.f32 $5.000000000e-01, v46;
	v1 =	vadd.f32 v11, v2;
	v8 =	vmul.f32 v8, v10  }
0xd1: {  	v3 =	vand.u32 $0x7FFFFFFF, v3;
	v53 =	vmul.f32 $2.087675590e-09, v0;
	v5 =	vsub.f32 $1.500000000e+00, v7  }
0xd2: {  	v11 =	vshra.s32 v1, $0x1;
	v50 =	vmul.f32 $5.000000000e-01, v1;
	v2 =	vadd.f32 $4.166666790e-02, v8  }
0xd3: {  	v51 =	vld [tilespmem:s2+$0x3CA8];
	v62 =	vsub.f32 $1.000000000e+00, v3;
	v11 =	vsub.s32 $0x5F3759DF, v11;
	v4 =	vmul.f32 v5, v4  }
0xd4: {  	v58 =	vsub.f32 v56, v54;
	v8 =	vld [tilespmem:s2+$0x44A8];
	v52 =	vmul.f32 v11, v50;
	v2 =	vmul.f32 v2, v10  }
0xd5: {  	v7 =	vtrunc.f32 v13;
	v5 =	vld [tilespmem:s2+$0x5CA8];
	v4 =	vmul.f32 v4, v6;
	v6 =	vadd.f32 $-2.755732000e-07, v53  }
0xd6: {  	v55 =	vld [tilespmem:s2+$0x54A8];
	v7 =	vcvt.f32.s32 v7;
	v14 =	vmul.f32 v11, v52;
	v2 =	vadd.f32 $-5.000000000e-01, v2  }
0xd7: {  	v61 =	vmul.f32 v58, v58;
	v18 =	vnsel vm1, $0x0, v4;
	v6 =	vmul.f32 v6, v0  }
0xd8: {  	v4 =	vcvt.s32.f32 v7;
	v7 =	vmul.f32 v2, v10;
	v10 =	vsub.f32 $1.500000000e+00, v14  }
0xd9: {  	vm1 =	vmmov vm0;
	v2 =	vmul.f32 $2.000000030e-01, v18;
	v6 =	vadd.f32 $2.480158760e-05, v6  }
0xda: {  	v5 =	vsub.f32 v5, v8;
	v8 =	vadd.f32 v4, v4;
	v4 =	vmul.f32 v11, v10  }
0xdb: {  	v11 =	vsub.f32 v55, v51;
	v57 =	vadd.f32 $1.000000000e+00, v7;
	v6 =	vmul.f32 v6, v0  }
0xdc: {  	vm0 =	vgt.f32 v3, $5.000000000e-01;
	v10 =	vmul.f32 $5.000000000e-01, v2;
	v63 =	vmul.f32 v5, v5  }
0xdd: {  	[tilespmem:s0+$0xBCA8] =	vst v18;
	v59 =	vmul.f32 v11, v11;
	v60 =	vsub.f32 $0.0e+00, v57;
	v6 =	vadd.f32 $-1.388888920e-03, v6  }
0xde: {  	[tilespmem:s2+$0xB4A8] =	vst v5;
	v5 =	vsub.f32 v9, v8;
	v9 =	vsel vm0, v62, v3;
	v12 =	vmul.f32 v4, v50  }
0xdf: {  	v13 =	vsel vm2, v60, v57;
	v15 =	vadd.f32 v59, v61;
	v6 =	vmul.f32 v6, v0  }
0xe0: {  	[tilespmem:s2+$0xA4A8] =	vst v58;
	v7 =	vadd.f32 $5.000000000e-01, v10;
	v10 =	vmul.f32 v12, v4;
	v3 =	vmul.f32 $5.000000000e-01, v13  }
0xe1: {  	s4 =	simm.s32 $0x1C0;
	[tilespmem:s2+$0xACA8] =	vst v11;
	v9 =	vmul.f32 $3.141592740e+00, v9;
	v8 =	vadd.f32 v63, v15;
	v6 =	vadd.f32 $4.166666790e-02, v6  }
.LBB2_9:
0xe2: {  	s5 =	sshra.s32 s4, $0x2;
	p3 =	sne.s32 s4, $0x1F00;
	s4 =	sadd.s32 $0x40, s4;
	v10 =	vsub.f32 $1.500000000e+00, v10;
	v7 =	vtrunc.f32 v7;
	v3 =	vadd.f32 $5.000000000e-01, v3  }
0xe3: {  	v11 =	vld [tilespmem:s5+$0x44A8];
	v12 =	vshra.s32 v8, $0x1;
	v13 =	vmul.f32 $5.000000000e-01, v8;
	v9 =	vmul.f32 v9, v9  }
0xe4: {  	v6 =	vmul.f32 v6, v0;
	v14 =	vld [tilespmem:s5+$0x3CA8];
	v12 =	vsub.s32 $0x5F3759DF, v12;
	v4 =	vmul.f32 v10, v4;
	[tilespmem:s3+$0xC4A8] =	vst v3;
	s3 =	smov.u32 s10;
	s10 =	smov.u32 s16;
	s16 =	smov.u32 s18  }
0xe5: {  	vm2 =	vmmov vm1;
	s18 =	smov.u32 s0;
	s0 =	smov.u32 s1;
	s1 =	smov.u32 s2;
	v3 =	vld [tilespmem:s5+$0x5CA8];
	v10 =	vmul.f32 v12, v13;
	v15 =	vmul.f32 $2.087675590e-09, v9  }
0xe6: {  	v7 =	vcvt.f32.s32 v7;
	s2 =	smov.u32 s5;
	v6 =	vadd.f32 $-5.000000000e-01, v6;
	v16 =	vld [tilespmem:s5+$0x34A8];
	v4 =	vmul.f32 v4, v1  }
0xe7: {  	vm1 =	vgt.f32 v1, $0.0e+00;
	v1 =	vmovc v8;
	v17 =	vld [tilespmem:s2+$0x54A8];
	v10 =	vmul.f32 v12, v10;
	v15 =	vadd.f32 $-2.755732000e-07, v15  }
0xe8: {  	v7 =	vcvt.s32.f32 v7;
	v6 =	vmul.f32 v6, v0;
	v0 =	vmovc v9;
	v8 =	vld [tilespmem:s2+$0x4CA8];
	v4 =	vnsel vm1, $0x0, v4  }
0xe9: {  	v9 =	vsub.f32 $1.500000000e+00, v10;
	v18 =	vmul.f32 $2.000000030e-01, v4;
	[tilespmem:s0+$0xBCA8] =	vst v4;
	v10 =	vmul.f32 v15, v0  }
0xea: {  	vm1 =	vmmov vm0;
	v3 =	vsub.f32 v3, v11;
	v11 =	vadd.f32 v7, v7  }
0xeb: {  	v4 =	vmul.f32 v12, v9;
	v9 =	vand.u32 $0x7FFFFFFF, v5;
	v5 =	vadd.f32 $2.480158760e-05, v10  }
0xec: {  	v6 =	vadd.f32 $1.000000000e+00, v6;
	v10 =	vmul.f32 $5.000000000e-01, v18;
	v7 =	vsub.f32 v17, v14;
	[tilespmem:s2+$0xB4A8] =	vst v3  }
0xed: {  	v8 =	vsub.f32 v8, v16;
	v12 =	vmul.f32 v4, v13;
	v5 =	vmul.f32 v5, v0  }
0xee: {  	v14 =	vsub.f32 $0.0e+00, v6;
	v13 =	vmul.f32 v7, v7;
	[tilespmem:s2+$0xACA8] =	vst v7;
	v7 =	vadd.f32 $5.000000000e-01, v10  }
.Ltmp5:
0xef: {  	vm0 =	vgt.f32 v9, $5.000000000e-01;
	v15 =	vmul.f32 v8, v8;
	[tilespmem:s2+$0xA4A8] =	vst v8;
	v5 =	vadd.f32 $-1.388888920e-03, v5;
	(pc) =	sbr.rel @p3 .LBB2_9-.Ltmp5, $4  }
0xf0: {  	v6 =	vsel vm2, v14, v6;
	v10 =	vmul.f32 v12, v4;
	v8 =	vsub.f32 $1.000000000e+00, v9  }
0xf1: {  	v12 =	vadd.f32 v13, v15;
	v13 =	vmul.f32 v3, v3;
	v14 =	vmul.f32 v5, v0  }
0xf2: {  	v5 =	vsub.f32 v2, v11;
	v9 =	vsel vm0, v8, v9;
	v3 =	vmul.f32 $5.000000000e-01, v6;
	v2 =	vmovc v18  }
0xf3: {  	v9 =	vmul.f32 $3.141592740e+00, v9;
	v8 =	vadd.f32 v13, v12;
	v6 =	vadd.f32 $4.166666790e-02, v14  }
0xf4: {  	_ = 	snop  }
0xf5: {  	v11 =	vshra.s32 v8, $0x1;
	v12 =	vmul.f32 $5.000000000e-01, v8  }
0xf6: {  	v11 =	vsub.s32 $0x5F3759DF, v11  }
0xf7: {  	v13 =	vmul.f32 v11, v12;
	_ =	sdelay $0x1  }
0xf8: {  	v13 =	vmul.f32 v11, v13;
	_ =	sdelay $0x1  }
0xf9: {  	v13 =	vsub.f32 $1.500000000e+00, v13;
	_ =	sdelay $0x1  }
0xfa: {  	v11 =	vmul.f32 v11, v13;
	_ =	sdelay $0x1  }
0xfb: {  	v12 =	vmul.f32 v11, v12;
	_ =	sdelay $0x1  }
0xfc: {  	v12 =	vmul.f32 v12, v11  }
0xfd: {  	v10 =	vsub.f32 $1.500000000e+00, v10  }
0xfe: {  	v12 =	vsub.f32 $1.500000000e+00, v12  }
0xff: {  	v4 =	vmul.f32 v10, v4  }
0x100: {  	v10 =	vmul.f32 v12, v11  }
0x101: {  	v4 =	vmul.f32 v4, v1  }
0x102: {  	vm2 =	vgt.f32 v1, $0.0e+00;
	v1 =	vmul.f32 v10, v8  }
0x103: {  	v4 =	vnsel vm2, $0x0, v4;
	vm2 =	vgt.f32 v8, $0.0e+00  }
0x104: {  	v8 =	vmul.f32 $2.000000030e-01, v4;
	v1 =	vnsel vm2, $0x0, v1  }
0x105: {  	v10 =	vmul.f32 $2.000000030e-01, v1  }
0x106: {  	v11 =	vmul.f32 $5.000000000e-01, v8  }
0x107: {  	v7 =	vtrunc.f32 v7;
	v25 =	vmul.f32 $5.000000000e-01, v10  }
0x108: {  	v7 =	vcvt.f32.s32 v7;
	v11 =	vadd.f32 $5.000000000e-01, v11  }
0x109: {  	v5 =	vand.u32 $0x7FFFFFFF, v5;
	v12 =	vadd.f32 $5.000000000e-01, v25  }
0x10a: {  	v26 =	vsub.f32 $1.000000000e+00, v5;
	v7 =	vcvt.s32.f32 v7;
	v11 =	vtrunc.f32 v11  }
0x10b: {  	vm3 =	vgt.f32 v5, $5.000000000e-01;
	v11 =	vcvt.f32.s32 v11;
	v12 =	vtrunc.f32 v12  }
0x10c: {  	v9 =	vmul.f32 v9, v9;
	v5 =	vsel vm3, v26, v5;
	v12 =	vcvt.f32.s32 v12  }
0x10d: {  	v5 =	vmul.f32 $3.141592740e+00, v5;
	v7 =	vadd.f32 v7, v7;
	v11 =	vcvt.s32.f32 v11  }
0x10e: {  	v27 =	vmul.f32 $2.087675590e-09, v9;
	v12 =	vcvt.s32.f32 v12  }
0x10f: {  	v5 =	vmul.f32 v5, v5;
	v2 =	vsub.f32 v2, v7;
	v7 =	vadd.f32 v11, v11  }
0x110: {  	v11 =	vadd.f32 $-2.755732000e-07, v27;
	v12 =	vadd.f32 v12, v12  }
0x111: {  	v28 =	vmul.f32 $2.087675590e-09, v5;
	v2 =	vand.u32 $0x7FFFFFFF, v2;
	v7 =	vsub.f32 v8, v7  }
0x112: {  	v8 =	vmul.f32 v11, v9;
	v11 =	vsub.f32 $1.000000000e+00, v2;
	v10 =	vsub.f32 v10, v12  }
0x113: {  	v29 =	vadd.f32 $-2.755732000e-07, v28;
	vm5 =	vgt.f32 v2, $5.000000000e-01;
	v7 =	vand.u32 $0x7FFFFFFF, v7  }
0x114: {  	v2 =	vsel vm5, v11, v2;
	v11 =	vsub.f32 $1.000000000e+00, v7;
	v10 =	vand.u32 $0x7FFFFFFF, v10  }
0x115: {  	v2 =	vmul.f32 $3.141592740e+00, v2;
	vm4 =	vgt.f32 v7, $5.000000000e-01;
	v30 =	vsub.f32 $1.000000000e+00, v10  }
0x116: {  	v12 =	vmul.f32 v29, v5;
	v7 =	vsel vm4, v11, v7;
	vm2 =	vgt.f32 v10, $5.000000000e-01  }
0x117: {  	v2 =	vmul.f32 v2, v2;
	v7 =	vmul.f32 $3.141592740e+00, v7;
	v10 =	vsel vm2, v30, v10  }
0x118: {  	v6 =	vmul.f32 v6, v0;
	v8 =	vadd.f32 $2.480158760e-05, v8;
	v10 =	vmul.f32 $3.141592740e+00, v10  }
0x119: {  	v11 =	vadd.f32 $2.480158760e-05, v12;
	v31 =	vmul.f32 $2.087675590e-09, v2;
	v7 =	vmul.f32 v7, v7  }
0x11a: {  	vm1 =	vmmov vm1;
	v8 =	vmul.f32 v8, v9;
	v10 =	vmul.f32 v10, v10  }
0x11b: {  	v11 =	vmul.f32 v11, v5;
	v12 =	vadd.f32 $-2.755732000e-07, v31;
	v32 =	vmul.f32 $2.087675590e-09, v7  }
0x11c: {  	v6 =	vadd.f32 $-5.000000000e-01, v6;
	v8 =	vadd.f32 $-1.388888920e-03, v8;
	v14 =	vmul.f32 $2.087675590e-09, v10  }
0x11d: {  	v11 =	vadd.f32 $-1.388888920e-03, v11;
	v12 =	vmul.f32 v12, v2;
	v13 =	vadd.f32 $-2.755732000e-07, v32  }
0x11e: {  	v0 =	vmul.f32 v6, v0;
	v6 =	vmul.f32 v8, v9;
	v8 =	vadd.f32 $-2.755732000e-07, v14  }
0x11f: {  	v11 =	vmul.f32 v11, v5;
	v12 =	vadd.f32 $2.480158760e-05, v12;
	v13 =	vmul.f32 v13, v7  }
0x120: {  	vm0 =	vmmov vm0;
	v6 =	vadd.f32 $4.166666790e-02, v6;
	v8 =	vmul.f32 v8, v10  }
0x121: {  	v11 =	vadd.f32 $4.166666790e-02, v11;
	v12 =	vmul.f32 v12, v2;
	v13 =	vadd.f32 $2.480158760e-05, v13  }
0x122: {  	v3 =	vadd.f32 $5.000000000e-01, v3;
	v6 =	vmul.f32 v6, v9;
	v8 =	vadd.f32 $2.480158760e-05, v8  }
0x123: {  	v11 =	vmul.f32 v11, v5;
	v12 =	vadd.f32 $-1.388888920e-03, v12;
	v13 =	vmul.f32 v13, v7  }
0x124: {  	v0 =	vadd.f32 $1.000000000e+00, v0;
	v6 =	vadd.f32 $-5.000000000e-01, v6;
	v8 =	vmul.f32 v8, v10  }
0x125: {  	v11 =	vadd.f32 $-5.000000000e-01, v11;
	v12 =	vmul.f32 v12, v2;
	v13 =	vadd.f32 $-1.388888920e-03, v13  }
0x126: {  	v33 =	vsub.f32 $0.0e+00, v0;
	v6 =	vmul.f32 v6, v9;
	v8 =	vadd.f32 $-1.388888920e-03, v8  }
0x127: {  	v5 =	vmul.f32 v11, v5;
	v9 =	vadd.f32 $4.166666790e-02, v12;
	v11 =	vmul.f32 v13, v7  }
0x128: {  	vm0 =	vmmov vm0;
	v0 =	vsel vm1, v33, v0;
	v8 =	vmul.f32 v8, v10  }
0x129: {  	v6 =	vadd.f32 $1.000000000e+00, v6;
	v9 =	vmul.f32 v9, v2;
	v11 =	vadd.f32 $4.166666790e-02, v11  }
0x12a: {  	vm1 =	vmmov vm3;
	v0 =	vmul.f32 $5.000000000e-01, v0;
	v8 =	vadd.f32 $4.166666790e-02, v8  }
0x12b: {  	v34 =	vsub.f32 $0.0e+00, v6;
	v9 =	vadd.f32 $-5.000000000e-01, v9;
	v11 =	vmul.f32 v11, v7  }
0x12c: {  	v0 =	vadd.f32 $5.000000000e-01, v0;
	v5 =	vadd.f32 $1.000000000e+00, v5;
	v8 =	vmul.f32 v8, v10  }
0x12d: {  	v6 =	vsel vm0, v34, v6;
	v2 =	vmul.f32 v9, v2;
	v9 =	vadd.f32 $-5.000000000e-01, v11  }
0x12e: {  	vm0 =	vmmov vm1;
	v35 =	vsub.f32 $0.0e+00, v5;
	v8 =	vadd.f32 $-5.000000000e-01, v8  }
0x12f: {  	vm1 =	vmmov vm4;
	v2 =	vadd.f32 $1.000000000e+00, v2;
	v7 =	vmul.f32 v9, v7  }
0x130: {  	v6 =	vmul.f32 $5.000000000e-01, v6;
	v5 =	vsel vm0, v35, v5;
	v8 =	vmul.f32 v8, v10  }
0x131: {  	vm0 =	vmmov vm5;
	v9 =	vsub.f32 $0.0e+00, v2;
	v7 =	vadd.f32 $1.000000000e+00, v7  }
0x132: {  	v6 =	vadd.f32 $5.000000000e-01, v6;
	vm0 =	vmmov vm0;
	v8 =	vadd.f32 $1.000000000e+00, v8  }
0x133: {  	[tilespmem:s3+$0xC4A8] =	vst v3;
	v5 =	vmul.f32 $5.000000000e-01, v5;
	v2 =	vsel vm0, v9, v2;
	v3 =	vsub.f32 $0.0e+00, v7  }
0x134: {  	[tilespmem:s1+$0xBCA8] =	vst v4;
	vm0 =	vmmov vm1;
	vm1 =	vmmov vm2;
	v4 =	vsub.f32 $0.0e+00, v8  }
0x135: {  	[tilespmem:s10+$0xC4A8] =	vst v0;
	v0 =	vmul.f32 $5.000000000e-01, v2;
	v2 =	vsel vm0, v3, v7;
	vm0 =	vmmov vm1  }
0x136: {  	[tilespmem:s2+$0xBCA8] =	vst v1;
	v1 =	vadd.f32 $5.000000000e-01, v5;
	v2 =	vmul.f32 $5.000000000e-01, v2;
	v3 =	vsel vm0, v4, v8  }
0x137: {  	[tilespmem:s16+$0xC4A8] =	vst v6;
	v0 =	vadd.f32 $5.000000000e-01, v0;
	v3 =	vmul.f32 $5.000000000e-01, v3  }
0x138: {  	[tilespmem:s18+$0xC4A8] =	vst v1;
	v1 =	vadd.f32 $5.000000000e-01, v2  }
0x139: {  	[tilespmem:s0+$0xC4A8] =	vst v0;
	v0 =	vadd.f32 $5.000000000e-01, v3  }
0x13a: {  	[tilespmem:s1+$0xC4A8] =	vst v1  }
0x13b: {  	s5 =	rddreg [dreg:$0x1b];
	s10 =	simm.s32 $0xA4A8;
	s0 =	simm.s32 $0x0;
	[tilespmem:s2+$0xC4A8] =	vst v0  }
0x13c: {  	[hbm4b:s5+s0] =	stream.linear.scatter [tilespmem:s10], [sflag:$0x3], $0x7D0, $0x38;
	[tilespmem:$0xF4A8] =	vst v63  }
0x13d: {  	s15 =	rddreg [dreg:$0x1c];
	s16 =	simm.s32 $0xACA8  }
0x13e: {  	[hbm4b:s15+s0] =	stream.linear.scatter [tilespmem:s16], [sflag:$0x3], $0x7D0, $0x38;
	[tilespmem:$0xF4A8] =	vst v63  }
0x13f: {  	s19 =	simm.s32 $0xB4A8;
	s18 =	rddreg [dreg:$0x1d]  }
0x140: {  	[hbm4b:s18+s0] =	stream.linear.scatter [tilespmem:s19], [sflag:$0x3], $0x7D0, $0x38;
	[tilespmem:$0xF4A8] =	vst v63  }
0x141: {  	s20 =	rddreg [dreg:$0x1e];
	s25 =	simm.s32 $0xBCA8  }
0x142: {  	[hbm4b:s20+s0] =	stream.linear.scatter [tilespmem:s25], [sflag:$0x3], $0x7D0, $0x38;
	[tilespmem:$0xF4A8] =	vst v63  }
0x143: {  	s4 =	simm.s32 $0xC4A8;
	s3 =	rddreg [dreg:$0x1f]  }
0x144: {  	[hbm4b:s3+s0] =	stream.linear.scatter [tilespmem:s4], [sflag:$0x3], $0x7D0, $0x38;
	[tilespmem:$0xF4A8] =	vst v63  }
0x145: {  	s5 =	rddreg [dreg:$0x10]  }
0x146: {  	[tilespmem:s22], [sflag:$0x5] =	stream.linear.gather [hbm4b:s5+s0], $0x7D0, $0x38;
	[tilespmem:$0xF4A8] =	vst v63  }
0x147: {  	_ =	swait.ge [sflag:s21], $0x7D0  }
0x148: {  	[sflag:s21] =	ssyncset.done $0x0  }
0x149: {  	s10 =	rddreg [dreg:$0x11];
	[sflag:s21] =	ssyncadd.s32 $0xFFFFF830  }
0x14a: {  	[tilespmem:s23], [sflag:$0x5] =	stream.linear.gather [hbm4b:s10+s0], $0x7D0, $0x38;
	[tilespmem:$0xF4A8] =	vst v63  }
0x14b: {  	_ =	swait.ge [sflag:s21], $0x7D0  }
0x14c: {  	[sflag:s21] =	ssyncset.done $0x0  }
0x14d: {  	s15 =	simm.s32 $0x34A8;
	[sflag:s21] =	ssyncadd.s32 $0xFFFFF830  }
0x14e: {  	[tilespmem:s15], [sflag:$0x1] =	stream.indirect.gather [spmem:s6], $0x1, s22, s24, $0xb8;
	[tilespmem:$0xF4A8] =	vst v63  }
0x14f: {  	s16 =	simm.s32 $0x3CA8  }
0x150: {  	[tilespmem:s16], [sflag:$0x1] =	stream.indirect.gather [spmem:s7], $0x1, s22, s24, $0xb8;
	[tilespmem:$0xF4A8] =	vst v63  }
0x151: {  	s18 =	simm.s32 $0x44A8  }
0x152: {  	[tilespmem:s18], [sflag:$0x1] =	stream.indirect.gather [spmem:s8], $0x1, s22, s24, $0xb8;
	[tilespmem:$0xF4A8] =	vst v63  }
0x153: {  	s19 =	simm.s32 $0x4CA8  }
0x154: {  	[tilespmem:s19], [sflag:$0x1] =	stream.indirect.gather [spmem:s6], $0x1, s23, s24, $0xb8;
	[tilespmem:$0xF4A8] =	vst v63  }
0x155: {  	s20 =	simm.s32 $0x54A8  }
0x156: {  	[tilespmem:s20], [sflag:$0x1] =	stream.indirect.gather [spmem:s7], $0x1, s23, s24, $0xb8;
	[tilespmem:$0xF4A8] =	vst v63  }
0x157: {  	s25 =	simm.s32 $0x5CA8  }
0x158: {  	[tilespmem:s25], [sflag:$0x1] =	stream.indirect.gather [spmem:s8], $0x1, s23, s24, $0xb8;
	[tilespmem:$0xF4A8] =	vst v63  }
0x159: {  	_ =	swait.ge [sflag:s29], $0x7D0  }
0x15a: {  	[sflag:s29] =	ssyncset.done $0x0  }
0x15b: {  	[sflag:s29] =	ssyncadd.s32 $0xFFFFF830  }
0x15c: {  	_ =	swait.ge [sflag:s29], $0x7D0  }
0x15d: {  	[sflag:s29] =	ssyncset.done $0x0  }
0x15e: {  	[sflag:s29] =	ssyncadd.s32 $0xFFFFF830  }
0x15f: {  	_ =	swait.ge [sflag:s29], $0x7D0  }
0x160: {  	[sflag:s29] =	ssyncset.done $0x0  }
0x161: {  	[sflag:s29] =	ssyncadd.s32 $0xFFFFF830  }
0x162: {  	_ =	swait.ge [sflag:s29], $0x7D0  }
0x163: {  	[sflag:s29] =	ssyncset.done $0x0  }
0x164: {  	[sflag:s29] =	ssyncadd.s32 $0xFFFFF830  }
0x165: {  	_ =	swait.ge [sflag:s29], $0x7D0  }
0x166: {  	[sflag:s29] =	ssyncset.done $0x0  }
0x167: {  	[sflag:s29] =	ssyncadd.s32 $0xFFFFF830  }
0x168: {  	_ =	swait.ge [sflag:s29], $0x7D0  }
0x169: {  	[sflag:s29] =	ssyncset.done $0x0  }
0x16a: {  	s3 =	simm.s32 $0x0;
	[sflag:s29] =	ssyncadd.s32 $0xFFFFF830  }
0x16b: {  	v0 =	vld [tilespmem:s3+$0x84A8]  }
0x16c: {  	v1 =	vld [tilespmem:s3+$0x7CA8]  }
0x16d: {  	v2 =	vld [tilespmem:s3+$0x9CA8]  }
0x16e: {  	v3 =	vld [tilespmem:s3+$0x74A8]  }
0x16f: {  	v4 =	vld [tilespmem:s3+$0x94A8]  }
0x170: {  	v5 =	vld [tilespmem:s3+$0x8CA8];
	_ =	sdelay $0x3  }
0x171: {  	v0 =	vsub.f32 v2, v0  }
0x172: {  	v1 =	vsub.f32 v4, v1;
	v2 =	vsub.f32 v5, v3  }
0x173: {  	[tilespmem:s3+$0xDCA8] =	vst v0  }
0x174: {  	v3 =	vmul.f32 v1, v1;
	v4 =	vmul.f32 v2, v2;
	[tilespmem:s3+$0xD4A8] =	vst v1  }
0x175: {  	s10 =	simm.s32 $0x10;
	[tilespmem:s3+$0xCCA8] =	vst v2  }
0x176: {  	v0 =	vmul.f32 v0, v0;
	v2 =	vld [tilespmem:s10+$0x84A8];
	v1 =	vadd.f32 v3, v4  }
0x177: {  	v6 =	vld [tilespmem:s10+$0x74A8]  }
0x178: {  	v7 =	vld [tilespmem:s10+$0x94A8];
	v0 =	vadd.f32 v0, v1  }
0x179: {  	v9 =	vld [tilespmem:s10+$0x8CA8]  }
0x17a: {  	v3 =	vld [tilespmem:s10+$0x9CA8];
	v4 =	vshra.s32 v0, $0x1;
	v5 =	vmul.f32 $5.000000000e-01, v0  }
0x17b: {  	v1 =	vld [tilespmem:s10+$0x7CA8];
	v4 =	vsub.s32 $0x5F3759DF, v4  }
0x17c: {  	v8 =	vmul.f32 v4, v5;
	_ =	sdelay $0x1  }
0x17d: {  	v8 =	vmul.f32 v4, v8  }
0x17e: {  	v2 =	vsub.f32 v3, v2;
	v3 =	vsub.f32 v9, v6  }
0x17f: {  	v1 =	vsub.f32 v7, v1;
	v8 =	vsub.f32 $1.500000000e+00, v8  }
0x180: {  	v7 =	vmul.f32 v3, v3  }
0x181: {  	[tilespmem:s10+$0xDCA8] =	vst v2;
	v6 =	vmul.f32 v1, v1;
	v4 =	vmul.f32 v4, v8  }
0x182: {  	[tilespmem:s10+$0xCCA8] =	vst v3  }
0x183: {  	s16 =	simm.s32 $0x20;
	v2 =	vmul.f32 v2, v2;
	[tilespmem:s10+$0xD4A8] =	vst v1;
	v3 =	vadd.f32 v6, v7;
	v1 =	vmul.f32 v4, v5  }
0x184: {  	v9 =	vld [tilespmem:s16+$0x74A8]  }
0x185: {  	v10 =	vld [tilespmem:s16+$0x94A8];
	v2 =	vadd.f32 v2, v3;
	v1 =	vmul.f32 v1, v4  }
0x186: {  	v6 =	vld [tilespmem:s16+$0x9CA8]  }
0x187: {  	v3 =	vld [tilespmem:s16+$0x7CA8];
	v7 =	vshra.s32 v2, $0x1;
	v8 =	vmul.f32 $5.000000000e-01, v2;
	v1 =	vsub.f32 $1.500000000e+00, v1  }
0x188: {  	v5 =	vld [tilespmem:s16+$0x84A8];
	v7 =	vsub.s32 $0x5F3759DF, v7  }
0x189: {  	v11 =	vld [tilespmem:s16+$0x8CA8];
	v1 =	vmul.f32 v1, v4;
	v4 =	vmul.f32 v7, v8;
	_ =	sdelay $0x1  }
0x18a: {  	v1 =	vmul.f32 v1, v0;
	v4 =	vmul.f32 v7, v4  }
0x18b: {  	vm0 =	vgt.f32 v0, $0.0e+00;
	v3 =	vsub.f32 v10, v3  }
0x18c: {  	v0 =	vnsel vm0, $0x0, v1;
	v1 =	vsub.f32 $1.500000000e+00, v4;
	v4 =	vsub.f32 v6, v5  }
0x18d: {  	v5 =	vsub.f32 v11, v9;
	[tilespmem:s3+$0xE4A8] =	vst v0  }
0x18e: {  	v6 =	vmul.f32 v3, v3;
	[tilespmem:s16+$0xDCA8] =	vst v4  }
0x18f: {  	v1 =	vmul.f32 v7, v1;
	[tilespmem:s16+$0xD4A8] =	vst v3;
	v3 =	vmul.f32 v5, v5  }
0x190: {  	s18 =	simm.s32 $0x30;
	[tilespmem:s16+$0xCCA8] =	vst v5  }
0x191: {  	v4 =	vmul.f32 v4, v4;
	v7 =	vld [tilespmem:s18+$0x7CA8];
	v5 =	vmul.f32 v1, v8;
	v3 =	vadd.f32 v6, v3  }
0x192: {  	v11 =	vld [tilespmem:s18+$0x8CA8]  }
0x193: {  	v36 =	vld [tilespmem:s18+$0x9CA8];
	v5 =	vmul.f32 v5, v1;
	v3 =	vadd.f32 v4, v3  }
0x194: {  	v8 =	vld [tilespmem:s18+$0x94A8]  }
0x195: {  	v4 =	vld [tilespmem:s18+$0x74A8];
	v5 =	vsub.f32 $1.500000000e+00, v5;
	v9 =	vshra.s32 v3, $0x1;
	v10 =	vmul.f32 $5.000000000e-01, v3  }
0x196: {  	v6 =	vld [tilespmem:s18+$0x84A8];
	v9 =	vsub.s32 $0x5F3759DF, v9  }
0x197: {  	v1 =	vmul.f32 v5, v1;
	v5 =	vmul.f32 v9, v10  }
0x198: {  	v0 =	vmul.f32 $2.000000030e-01, v0  }
0x199: {  	vm0 =	vgt.f32 v2, $0.0e+00;
	v1 =	vmul.f32 v1, v2;
	v5 =	vmul.f32 v9, v5  }
0x19a: {  	v37 =	vmul.f32 $5.000000000e-01, v0;
	v4 =	vsub.f32 v11, v4;
	v2 =	vsub.f32 v8, v7  }
0x19b: {  	v6 =	vsub.f32 v36, v6;
	v1 =	vnsel vm0, $0x0, v1;
	v5 =	vsub.f32 $1.500000000e+00, v5  }
0x19c: {  	v8 =	vmul.f32 v4, v4;
	v7 =	vmul.f32 v2, v2;
	[tilespmem:s10+$0xE4A8] =	vst v1  }
0x19d: {  	v11 =	vadd.f32 $5.000000000e-01, v37;
	v5 =	vmul.f32 v9, v5;
	[tilespmem:s18+$0xDCA8] =	vst v6  }
0x19e: {  	[tilespmem:s18+$0xD4A8] =	vst v2;
	v2 =	vadd.f32 v7, v8;
	v6 =	vmul.f32 v6, v6  }
0x19f: {  	v7 =	vtrunc.f32 v11;
	v8 =	vmul.f32 v5, v10  }
0x1a0: {  	s0 =	simm.s32 $0x40;
	[tilespmem:s18+$0xCCA8] =	vst v4;
	v4 =	vcvt.f32.s32 v7;
	v2 =	vadd.f32 v6, v2  }
0x1a1: {  	v1 =	vmul.f32 $2.000000030e-01, v1;
	v11 =	vld [tilespmem:s0+$0x74A8];
	v7 =	vmul.f32 v8, v5  }
0x1a2: {  	v39 =	vld [tilespmem:s0+$0x94A8];
	v4 =	vcvt.s32.f32 v4;
	v9 =	vshra.s32 v2, $0x1;
	v10 =	vmul.f32 $5.000000000e-01, v2  }
0x1a3: {  	v38 =	vmul.f32 $5.000000000e-01, v1;
	v15 =	vld [tilespmem:s0+$0x8CA8];
	v9 =	vsub.s32 $0x5F3759DF, v9;
	v7 =	vsub.f32 $1.500000000e+00, v7  }
0x1a4: {  	v8 =	vld [tilespmem:s0+$0x7CA8];
	v4 =	vadd.f32 v4, v4;
	v40 =	vmul.f32 v9, v10  }
0x1a5: {  	v6 =	vld [tilespmem:s0+$0x84A8];
	v12 =	vadd.f32 $5.000000000e-01, v38;
	v5 =	vmul.f32 v7, v5  }
0x1a6: {  	v0 =	vsub.f32 v0, v4;
	v7 =	vld [tilespmem:s0+$0x9CA8];
	v14 =	vmul.f32 v9, v40  }
0x1a7: {  	vm0 =	vgt.f32 v3, $0.0e+00;
	v4 =	vtrunc.f32 v12;
	v5 =	vmul.f32 v5, v3  }
0x1a8: {  	v4 =	vcvt.f32.s32 v4;
	v0 =	vand.u32 $0x7FFFFFFF, v0;
	v3 =	vsub.f32 $1.500000000e+00, v14  }
0x1a9: {  	v8 =	vsub.f32 v39, v8;
	v41 =	vsub.f32 $1.000000000e+00, v0;
	v5 =	vnsel vm0, $0x0, v5  }
0x1aa: {  	v11 =	vsub.f32 v15, v11;
	v3 =	vmul.f32 v9, v3;
	vm0 =	vgt.f32 v0, $5.000000000e-01;
	[tilespmem:s16+$0xE4A8] =	vst v5  }
0x1ab: {  	v4 =	vcvt.s32.f32 v4;
	v6 =	vsub.f32 v7, v6;
	v0 =	vsel vm0, v41, v0;
	[tilespmem:s0+$0xD4A8] =	vst v8  }
0x1ac: {  	v10 =	vmul.f32 v3, v10;
	[tilespmem:s0+$0xCCA8] =	vst v11;
	v0 =	vmul.f32 $3.141592740e+00, v0  }
0x1ad: {  	s1 =	simm.s32 $0x50;
	v9 =	vmul.f32 v11, v11;
	v7 =	vmul.f32 v8, v8;
	[tilespmem:s0+$0xDCA8] =	vst v6  }
0x1ae: {  	v4 =	vadd.f32 v4, v4;
	v8 =	vmul.f32 v10, v3;
	v10 =	vmul.f32 v0, v0;
	v0 =	vld [tilespmem:s1+$0x7CA8]  }
0x1af: {  	v5 =	vmul.f32 $2.000000030e-01, v5;
	v43 =	vld [tilespmem:s1+$0x9CA8]  }
0x1b0: {  	v1 =	vsub.f32 v1, v4;
	v7 =	vadd.f32 v7, v9;
	v6 =	vmul.f32 v6, v6;
	v44 =	vld [tilespmem:s1+$0x74A8]  }
0x1b1: {  	v9 =	vmul.f32 $5.000000000e-01, v5;
	v16 =	vld [tilespmem:s1+$0x94A8]  }
0x1b2: {  	v17 =	vld [tilespmem:s1+$0x8CA8];
	v1 =	vand.u32 $0x7FFFFFFF, v1;
	v6 =	vadd.f32 v6, v7;
	v8 =	vsub.f32 $1.500000000e+00, v8  }
0x1b3: {  	vm1 =	vgt.f32 v2, $0.0e+00;
	v7 =	vld [tilespmem:s1+$0x84A8];
	v9 =	vadd.f32 $5.000000000e-01, v9;
	v48 =	vsub.f32 $1.000000000e+00, v1  }
0x1b4: {  	v11 =	vshra.s32 v6, $0x1;
	v42 =	vmul.f32 $5.000000000e-01, v6;
	v3 =	vmul.f32 v8, v3  }
0x1b5: {  	v9 =	vtrunc.f32 v9;
	v11 =	vsub.s32 $0x5F3759DF, v11;
	v8 =	vmul.f32 $2.087675590e-09, v10  }
0x1b6: {  	v45 =	vmul.f32 v11, v42;
	v0 =	vsub.f32 v16, v0;
	v3 =	vmul.f32 v3, v2  }
0x1b7: {  	v9 =	vcvt.f32.s32 v9;
	v14 =	vsub.f32 v17, v44;
	v8 =	vadd.f32 $-2.755732000e-07, v8  }
0x1b8: {  	v7 =	vsub.f32 v43, v7;
	v4 =	vmul.f32 v11, v45;
	v2 =	vnsel vm1, $0x0, v3  }
0x1b9: {  	v3 =	vcvt.s32.f32 v9;
	v8 =	vmul.f32 v8, v10;
	vm1 =	vmmov vm0  }
0x1ba: {  	vm0 =	vgt.f32 v1, $5.000000000e-01;
	v4 =	vsub.f32 $1.500000000e+00, v4;
	v9 =	vmul.f32 $2.000000030e-01, v2  }
0x1bb: {  	v47 =	vmul.f32 v14, v14;
	[tilespmem:s18+$0xE4A8] =	vst v2;
	v49 =	vsel vm0, v48, v1;
	v8 =	vadd.f32 $2.480158760e-05, v8  }
0x1bc: {  	vm2 =	vmmov vm1;
	[tilespmem:s1+$0xDCA8] =	vst v7;
	v46 =	vmul.f32 $5.000000000e-01, v9;
	v4 =	vmul.f32 v11, v4  }
0x1bd: {  	vm1 =	vgt.f32 v6, $0.0e+00;
	[tilespmem:s1+$0xD4A8] =	vst v0;
	v11 =	vmul.f32 v0, v0;
	v8 =	vmul.f32 v8, v10  }
0x1be: {  	s2 =	simm.s32 $0x60;
	v3 =	vadd.f32 v3, v3;
	[tilespmem:s1+$0xCCA8] =	vst v14;
	v0 =	vmul.f32 $3.141592740e+00, v49;
	v12 =	vmul.f32 v4, v42  }
0x1bf: {  	v54 =	vld [tilespmem:s2+$0x74A8];
	v2 =	vadd.f32 v11, v47;
	v11 =	vmul.f32 v7, v7;
	v8 =	vadd.f32 $-1.388888920e-03, v8  }
0x1c0: {  	v56 =	vld [tilespmem:s2+$0x8CA8];
	v3 =	vsub.f32 v5, v3;
	v0 =	vmul.f32 v0, v0;
	v7 =	vmul.f32 v12, v4  }
0x1c1: {  	v13 =	vadd.f32 $5.000000000e-01, v46;
	v1 =	vadd.f32 v11, v2;
	v8 =	vmul.f32 v8, v10  }
0x1c2: {  	v3 =	vand.u32 $0x7FFFFFFF, v3;
	v53 =	vmul.f32 $2.087675590e-09, v0;
	v5 =	vsub.f32 $1.500000000e+00, v7  }
0x1c3: {  	v11 =	vshra.s32 v1, $0x1;
	v50 =	vmul.f32 $5.000000000e-01, v1;
	v2 =	vadd.f32 $4.166666790e-02, v8  }
0x1c4: {  	v51 =	vld [tilespmem:s2+$0x7CA8];
	v62 =	vsub.f32 $1.000000000e+00, v3;
	v11 =	vsub.s32 $0x5F3759DF, v11;
	v4 =	vmul.f32 v5, v4  }
0x1c5: {  	v58 =	vsub.f32 v56, v54;
	v8 =	vld [tilespmem:s2+$0x84A8];
	v52 =	vmul.f32 v11, v50;
	v2 =	vmul.f32 v2, v10  }
0x1c6: {  	v7 =	vtrunc.f32 v13;
	v5 =	vld [tilespmem:s2+$0x9CA8];
	v4 =	vmul.f32 v4, v6;
	v6 =	vadd.f32 $-2.755732000e-07, v53  }
0x1c7: {  	v55 =	vld [tilespmem:s2+$0x94A8];
	v7 =	vcvt.f32.s32 v7;
	v14 =	vmul.f32 v11, v52;
	v2 =	vadd.f32 $-5.000000000e-01, v2  }
0x1c8: {  	v61 =	vmul.f32 v58, v58;
	v18 =	vnsel vm1, $0x0, v4;
	v6 =	vmul.f32 v6, v0  }
0x1c9: {  	v4 =	vcvt.s32.f32 v7;
	v7 =	vmul.f32 v2, v10;
	v10 =	vsub.f32 $1.500000000e+00, v14  }
0x1ca: {  	vm1 =	vmmov vm0;
	v2 =	vmul.f32 $2.000000030e-01, v18;
	v6 =	vadd.f32 $2.480158760e-05, v6  }
0x1cb: {  	v5 =	vsub.f32 v5, v8;
	v8 =	vadd.f32 v4, v4;
	v4 =	vmul.f32 v11, v10  }
0x1cc: {  	v11 =	vsub.f32 v55, v51;
	v57 =	vadd.f32 $1.000000000e+00, v7;
	v6 =	vmul.f32 v6, v0  }
0x1cd: {  	vm0 =	vgt.f32 v3, $5.000000000e-01;
	v10 =	vmul.f32 $5.000000000e-01, v2;
	v63 =	vmul.f32 v5, v5  }
0x1ce: {  	[tilespmem:s0+$0xE4A8] =	vst v18;
	v59 =	vmul.f32 v11, v11;
	v60 =	vsub.f32 $0.0e+00, v57;
	v6 =	vadd.f32 $-1.388888920e-03, v6  }
0x1cf: {  	[tilespmem:s2+$0xDCA8] =	vst v5;
	v5 =	vsub.f32 v9, v8;
	v9 =	vsel vm0, v62, v3;
	v12 =	vmul.f32 v4, v50  }
0x1d0: {  	v13 =	vsel vm2, v60, v57;
	v15 =	vadd.f32 v59, v61;
	v6 =	vmul.f32 v6, v0  }
0x1d1: {  	[tilespmem:s2+$0xCCA8] =	vst v58;
	v7 =	vadd.f32 $5.000000000e-01, v10;
	v10 =	vmul.f32 v12, v4;
	v3 =	vmul.f32 $5.000000000e-01, v13  }
0x1d2: {  	s4 =	simm.s32 $0x1C0;
	[tilespmem:s2+$0xD4A8] =	vst v11;
	v9 =	vmul.f32 $3.141592740e+00, v9;
	v8 =	vadd.f32 v63, v15;
	v6 =	vadd.f32 $4.166666790e-02, v6  }
.LBB2_11:
0x1d3: {  	s5 =	sshra.s32 s4, $0x2;
	p3 =	sne.s32 s4, $0x1F00;
	s4 =	sadd.s32 $0x40, s4;
	v10 =	vsub.f32 $1.500000000e+00, v10;
	v7 =	vtrunc.f32 v7;
	v3 =	vadd.f32 $5.000000000e-01, v3  }
0x1d4: {  	v11 =	vld [tilespmem:s5+$0x84A8];
	v12 =	vshra.s32 v8, $0x1;
	v13 =	vmul.f32 $5.000000000e-01, v8;
	v9 =	vmul.f32 v9, v9  }
0x1d5: {  	v6 =	vmul.f32 v6, v0;
	v14 =	vld [tilespmem:s5+$0x7CA8];
	v12 =	vsub.s32 $0x5F3759DF, v12;
	v4 =	vmul.f32 v10, v4;
	[tilespmem:s3+$0xECA8] =	vst v3;
	s3 =	smov.u32 s10;
	s10 =	smov.u32 s16;
	s16 =	smov.u32 s18  }
0x1d6: {  	vm2 =	vmmov vm1;
	s18 =	smov.u32 s0;
	s0 =	smov.u32 s1;
	s1 =	smov.u32 s2;
	v3 =	vld [tilespmem:s5+$0x9CA8];
	v10 =	vmul.f32 v12, v13;
	v15 =	vmul.f32 $2.087675590e-09, v9  }
0x1d7: {  	v7 =	vcvt.f32.s32 v7;
	s2 =	smov.u32 s5;
	v6 =	vadd.f32 $-5.000000000e-01, v6;
	v16 =	vld [tilespmem:s5+$0x74A8];
	v4 =	vmul.f32 v4, v1  }
0x1d8: {  	vm1 =	vgt.f32 v1, $0.0e+00;
	v1 =	vmovc v8;
	v17 =	vld [tilespmem:s2+$0x94A8];
	v10 =	vmul.f32 v12, v10;
	v15 =	vadd.f32 $-2.755732000e-07, v15  }
0x1d9: {  	v7 =	vcvt.s32.f32 v7;
	v6 =	vmul.f32 v6, v0;
	v0 =	vmovc v9;
	v8 =	vld [tilespmem:s2+$0x8CA8];
	v4 =	vnsel vm1, $0x0, v4  }
0x1da: {  	v9 =	vsub.f32 $1.500000000e+00, v10;
	v18 =	vmul.f32 $2.000000030e-01, v4;
	[tilespmem:s0+$0xE4A8] =	vst v4;
	v10 =	vmul.f32 v15, v0  }
0x1db: {  	vm1 =	vmmov vm0;
	v3 =	vsub.f32 v3, v11;
	v11 =	vadd.f32 v7, v7  }
0x1dc: {  	v4 =	vmul.f32 v12, v9;
	v9 =	vand.u32 $0x7FFFFFFF, v5;
	v5 =	vadd.f32 $2.480158760e-05, v10  }
0x1dd: {  	v6 =	vadd.f32 $1.000000000e+00, v6;
	v10 =	vmul.f32 $5.000000000e-01, v18;
	v7 =	vsub.f32 v17, v14;
	[tilespmem:s2+$0xDCA8] =	vst v3  }
0x1de: {  	v8 =	vsub.f32 v8, v16;
	v12 =	vmul.f32 v4, v13;
	v5 =	vmul.f32 v5, v0  }
0x1df: {  	v14 =	vsub.f32 $0.0e+00, v6;
	v13 =	vmul.f32 v7, v7;
	[tilespmem:s2+$0xD4A8] =	vst v7;
	v7 =	vadd.f32 $5.000000000e-01, v10  }
.Ltmp6:
0x1e0: {  	vm0 =	vgt.f32 v9, $5.000000000e-01;
	v15 =	vmul.f32 v8, v8;
	[tilespmem:s2+$0xCCA8] =	vst v8;
	v5 =	vadd.f32 $-1.388888920e-03, v5;
	(pc) =	sbr.rel @p3 .LBB2_11-.Ltmp6, $4  }
0x1e1: {  	v6 =	vsel vm2, v14, v6;
	v10 =	vmul.f32 v12, v4;
	v8 =	vsub.f32 $1.000000000e+00, v9  }
0x1e2: {  	v12 =	vadd.f32 v13, v15;
	v13 =	vmul.f32 v3, v3;
	v14 =	vmul.f32 v5, v0  }
0x1e3: {  	v5 =	vsub.f32 v2, v11;
	v9 =	vsel vm0, v8, v9;
	v3 =	vmul.f32 $5.000000000e-01, v6;
	v2 =	vmovc v18  }
0x1e4: {  	v9 =	vmul.f32 $3.141592740e+00, v9;
	v8 =	vadd.f32 v13, v12;
	v6 =	vadd.f32 $4.166666790e-02, v14  }
0x1e5: {  	_ = 	snop  }
0x1e6: {  	v11 =	vshra.s32 v8, $0x1;
	v12 =	vmul.f32 $5.000000000e-01, v8  }
0x1e7: {  	v11 =	vsub.s32 $0x5F3759DF, v11  }
0x1e8: {  	v13 =	vmul.f32 v11, v12;
	_ =	sdelay $0x1  }
0x1e9: {  	v13 =	vmul.f32 v11, v13;
	_ =	sdelay $0x1  }
0x1ea: {  	v13 =	vsub.f32 $1.500000000e+00, v13;
	_ =	sdelay $0x1  }
0x1eb: {  	v11 =	vmul.f32 v11, v13;
	_ =	sdelay $0x1  }
0x1ec: {  	v12 =	vmul.f32 v11, v12;
	_ =	sdelay $0x1  }
0x1ed: {  	v12 =	vmul.f32 v12, v11  }
0x1ee: {  	v10 =	vsub.f32 $1.500000000e+00, v10  }
0x1ef: {  	v12 =	vsub.f32 $1.500000000e+00, v12  }
0x1f0: {  	v4 =	vmul.f32 v10, v4  }
0x1f1: {  	v27 =	vmul.f32 v12, v11  }
0x1f2: {  	v4 =	vmul.f32 v4, v1  }
0x1f3: {  	vm2 =	vgt.f32 v1, $0.0e+00;
	v28 =	vmul.f32 v27, v8  }
0x1f4: {  	vm7 =	vgt.f32 v8, $0.0e+00;
	v4 =	vnsel vm2, $0x0, v4  }
0x1f5: {  	v29 =	vmul.f32 $2.000000030e-01, v4;
	v1 =	vnsel vm7, $0x0, v28  }
0x1f6: {  	v30 =	vmul.f32 $2.000000030e-01, v1  }
0x1f7: {  	v31 =	vmul.f32 $5.000000000e-01, v29  }
0x1f8: {  	v32 =	vmul.f32 $5.000000000e-01, v30  }
0x1f9: {  	v7 =	vtrunc.f32 v7;
	v11 =	vadd.f32 $5.000000000e-01, v31  }
0x1fa: {  	v7 =	vcvt.f32.s32 v7;
	v12 =	vadd.f32 $5.000000000e-01, v32  }
0x1fb: {  	v9 =	vmul.f32 v9, v9;
	v11 =	vtrunc.f32 v11  }
0x1fc: {  	v5 =	vand.u32 $0x7FFFFFFF, v5;
	v11 =	vcvt.f32.s32 v11;
	v12 =	vtrunc.f32 v12  }
0x1fd: {  	v33 =	vsub.f32 $1.000000000e+00, v5;
	v7 =	vcvt.s32.f32 v7;
	v12 =	vcvt.f32.s32 v12  }
0x1fe: {  	vm3 =	vgt.f32 v5, $5.000000000e-01;
	v34 =	vmul.f32 $2.087675590e-09, v9;
	v11 =	vcvt.s32.f32 v11  }
0x1ff: {  	v5 =	vsel vm3, v33, v5;
	v7 =	vadd.f32 v7, v7;
	v12 =	vcvt.s32.f32 v12  }
0x200: {  	v5 =	vmul.f32 $3.141592740e+00, v5;
	v36 =	vadd.f32 $-2.755732000e-07, v34;
	v35 =	vadd.f32 v11, v11  }
0x201: {  	vm1 =	vmmov vm1;
	v2 =	vsub.f32 v2, v7;
	v12 =	vadd.f32 v12, v12  }
0x202: {  	v6 =	vmul.f32 v6, v0;
	v5 =	vmul.f32 v5, v5;
	v7 =	vsub.f32 v29, v35  }
0x203: {  	v38 =	vmul.f32 v36, v9;
	v2 =	vand.u32 $0x7FFFFFFF, v2;
	v10 =	vsub.f32 v30, v12  }
0x204: {  	v37 =	vmul.f32 $2.087675590e-09, v5;
	v39 =	vsub.f32 $1.000000000e+00, v2;
	v7 =	vand.u32 $0x7FFFFFFF, v7  }
0x205: {  	vm5 =	vgt.f32 v2, $5.000000000e-01;
	v41 =	vsub.f32 $1.000000000e+00, v7;
	v10 =	vand.u32 $0x7FFFFFFF, v10  }
0x206: {  	v2 =	vsel vm5, v39, v2;
	vm4 =	vgt.f32 v7, $5.000000000e-01;
	v42 =	vsub.f32 $1.000000000e+00, v10  }
0x207: {  	v2 =	vmul.f32 $3.141592740e+00, v2;
	v7 =	vsel vm4, v41, v7;
	vm8 =	vgt.f32 v10, $5.000000000e-01  }
0x208: {  	v40 =	vadd.f32 $-2.755732000e-07, v37;
	v7 =	vmul.f32 $3.141592740e+00, v7;
	v10 =	vsel vm8, v42, v10  }
0x209: {  	vm0 =	vmmov vm0;
	v2 =	vmul.f32 v2, v2;
	v10 =	vmul.f32 $3.141592740e+00, v10  }
0x20a: {  	v3 =	vadd.f32 $5.000000000e-01, v3;
	v7 =	vmul.f32 v7, v7;
	v12 =	vmul.f32 v40, v5  }
0x20b: {  	v44 =	vmul.f32 $2.087675590e-09, v2;
	v8 =	vadd.f32 $2.480158760e-05, v38;
	v10 =	vmul.f32 v10, v10  }
0x20c: {  	vm0 =	vmmov vm0;
	v45 =	vmul.f32 $2.087675590e-09, v7;
	v43 =	vadd.f32 $2.480158760e-05, v12  }
0x20d: {  	v8 =	vmul.f32 v8, v9;
	v12 =	vadd.f32 $-2.755732000e-07, v44;
	v14 =	vmul.f32 $2.087675590e-09, v10  }
0x20e: {  	vm9 =	vmmov vm3;
	v13 =	vadd.f32 $-2.755732000e-07, v45;
	v11 =	vmul.f32 v43, v5  }
0x20f: {  	v8 =	vadd.f32 $-1.388888920e-03, v8;
	v12 =	vmul.f32 v12, v2;
	v48 =	vadd.f32 $-2.755732000e-07, v14  }
0x210: {  	v6 =	vadd.f32 $-5.000000000e-01, v6;
	v13 =	vmul.f32 v13, v7;
	v11 =	vadd.f32 $-1.388888920e-03, v11  }
0x211: {  	v47 =	vmul.f32 v8, v9;
	v12 =	vadd.f32 $2.480158760e-05, v12;
	v8 =	vmul.f32 v48, v10  }
0x212: {  	vm10 =	vmmov vm9;
	v13 =	vadd.f32 $2.480158760e-05, v13;
	v11 =	vmul.f32 v11, v5  }
0x213: {  	v46 =	vmul.f32 v6, v0;
	v12 =	vmul.f32 v12, v2;
	v8 =	vadd.f32 $2.480158760e-05, v8  }
0x214: {  	v6 =	vadd.f32 $4.166666790e-02, v47;
	v13 =	vmul.f32 v13, v7;
	v11 =	vadd.f32 $4.166666790e-02, v11  }
0x215: {  	v0 =	vadd.f32 $1.000000000e+00, v46;
	v12 =	vadd.f32 $-1.388888920e-03, v12;
	v8 =	vmul.f32 v8, v10  }
0x216: {  	v6 =	vmul.f32 v6, v9;
	v13 =	vadd.f32 $-1.388888920e-03, v13;
	v11 =	vmul.f32 v11, v5  }
0x217: {  	v49 =	vsub.f32 $0.0e+00, v0;
	v12 =	vmul.f32 v12, v2;
	v8 =	vadd.f32 $-1.388888920e-03, v8  }
0x218: {  	v6 =	vadd.f32 $-5.000000000e-01, v6;
	v51 =	vmul.f32 v13, v7;
	v11 =	vadd.f32 $-5.000000000e-01, v11  }
0x219: {  	v0 =	vsel vm1, v49, v0;
	v50 =	vadd.f32 $4.166666790e-02, v12;
	v8 =	vmul.f32 v8, v10  }
0x21a: {  	v6 =	vmul.f32 v6, v9;
	v5 =	vmul.f32 v11, v5;
	v11 =	vadd.f32 $4.166666790e-02, v51  }
0x21b: {  	v0 =	vmul.f32 $5.000000000e-01, v0;
	v9 =	vmul.f32 v50, v2;
	v8 =	vadd.f32 $4.166666790e-02, v8  }
0x21c: {  	vm11 =	vmmov vm5;
	v6 =	vadd.f32 $1.000000000e+00, v6;
	v11 =	vmul.f32 v11, v7  }
0x21d: {  	v0 =	vadd.f32 $5.000000000e-01, v0;
	v9 =	vadd.f32 $-5.000000000e-01, v9;
	v8 =	vmul.f32 v8, v10  }
0x21e: {  	vm12 =	vmmov vm4;
	v52 =	vsub.f32 $0.0e+00, v6;
	v54 =	vadd.f32 $-5.000000000e-01, v11  }
0x21f: {  	vm13 =	vmmov vm12;
	v2 =	vmul.f32 v9, v2;
	v8 =	vadd.f32 $-5.000000000e-01, v8  }
0x220: {  	v6 =	vsel vm0, v52, v6;
	v5 =	vadd.f32 $1.000000000e+00, v5;
	v7 =	vmul.f32 v54, v7  }
0x221: {  	vm0 =	vmmov vm11;
	v2 =	vadd.f32 $1.000000000e+00, v2;
	v8 =	vmul.f32 v8, v10  }
0x222: {  	vm14 =	vmmov vm8;
	v53 =	vsub.f32 $0.0e+00, v5;
	v7 =	vadd.f32 $1.000000000e+00, v7  }
0x223: {  	v6 =	vmul.f32 $5.000000000e-01, v6;
	v55 =	vsub.f32 $0.0e+00, v2;
	v8 =	vadd.f32 $1.000000000e+00, v8  }
0x224: {  	[tilespmem:s3+$0xECA8] =	vst v3;
	vm15 =	vmmov vm14;
	v5 =	vsel vm10, v53, v5;
	v56 =	vsub.f32 $0.0e+00, v7  }
0x225: {  	[tilespmem:s1+$0xE4A8] =	vst v4;
	v5 =	vmul.f32 $5.000000000e-01, v5;
	v2 =	vsel vm0, v55, v2;
	v57 =	vsub.f32 $0.0e+00, v8  }
0x226: {  	[tilespmem:s10+$0xECA8] =	vst v0;
	v6 =	vadd.f32 $5.000000000e-01, v6;
	v58 =	vmul.f32 $5.000000000e-01, v2;
	v59 =	vsel vm13, v56, v7  }
0x227: {  	[tilespmem:s2+$0xE4A8] =	vst v1;
	v60 =	vadd.f32 $5.000000000e-01, v5;
	v2 =	vmul.f32 $5.000000000e-01, v59;
	v61 =	vsel vm15, v57, v8  }
0x228: {  	[tilespmem:s16+$0xECA8] =	vst v6;
	v0 =	vadd.f32 $5.000000000e-01, v58;
	v3 =	vmul.f32 $5.000000000e-01, v61  }
0x229: {  	[tilespmem:s18+$0xECA8] =	vst v60;
	v62 =	vadd.f32 $5.000000000e-01, v2  }
0x22a: {  	[tilespmem:s0+$0xECA8] =	vst v0;
	v63 =	vadd.f32 $5.000000000e-01, v3  }
0x22b: {  	[tilespmem:s1+$0xECA8] =	vst v62  }
0x22c: {  	s4 =	simm.s32 $0xCCA8;
	s3 =	simm.s32 $0x0;
	[tilespmem:s2+$0xECA8] =	vst v63;
	s2 =	rddreg [dreg:$0x12]  }
0x22d: {  	[hbm4b:s2+s3] =	stream.linear.scatter [tilespmem:s4], [sflag:$0x4], $0x7D0, $0x38;
	[tilespmem:$0xF4A8] =	vst v63  }
0x22e: {  	s5 =	rddreg [dreg:$0x13];
	s10 =	simm.s32 $0xD4A8  }
0x22f: {  	[hbm4b:s5+s3] =	stream.linear.scatter [tilespmem:s10], [sflag:$0x4], $0x7D0, $0x38;
	[tilespmem:$0xF4A8] =	vst v63  }
0x230: {  	s15 =	rddreg [dreg:$0x14];
	s16 =	simm.s32 $0xDCA8  }
0x231: {  	[hbm4b:s15+s3] =	stream.linear.scatter [tilespmem:s16], [sflag:$0x4], $0x7D0, $0x38;
	[tilespmem:$0xF4A8] =	vst v63  }
0x232: {  	s19 =	simm.s32 $0xE4A8;
	s18 =	rddreg [dreg:$0x15]  }
0x233: {  	[hbm4b:s18+s3] =	stream.linear.scatter [tilespmem:s19], [sflag:$0x4], $0x7D0, $0x38;
	[tilespmem:$0xF4A8] =	vst v63  }
0x234: {  	s20 =	rddreg [dreg:$0x16];
	s25 =	simm.s32 $0xECA8;
	s10 =	simm.s32 $0x0  }
0x235: {  	[hbm4b:s20+s3] =	stream.linear.scatter [tilespmem:s25], [sflag:$0x4], $0x7D0, $0x38;
	[tilespmem:$0xF4A8] =	vst v63  }
.LBB2_13:
0x236: {  	s19 =	smul.u32 $0xFA0, s10  }
0x237: {  	s0 =	rddreg [dreg:$0x17]  }
0x238: {  	s0 =	sadd.s32 s19, s0  }
0x239: {  	s18 =	sshrl.u32 s0, $0x3  }
0x23a: {  	s0 =	sadd.s32 s28, s18  }
0x23b: {  	[tilespmem:s11], [sflag:$0x5] =	stream.linear.gather [hbm4b:s0+s3], $0x7D0, $0x38;
	[tilespmem:$0xF4A8] =	vst v63  }
0x23c: {  	_ =	swait.ge [sflag:s21], $0x7D0  }
0x23d: {  	[sflag:s21] =	ssyncset.done $0x0  }
0x23e: {  	[sflag:s21] =	ssyncadd.s32 $0xFFFFF830  }
0x23f: {  	s1 =	rddreg [dreg:$0x2]  }
0x240: {  	s0 =	sadd.s32 s1, s18  }
0x241: {  	[tilespmem:s12], [sflag:$0x5] =	stream.linear.gather [hbm4b:s0+s3], $0x7D0, $0x38;
	[tilespmem:$0xF4A8] =	vst v63  }
0x242: {  	_ =	swait.ge [sflag:s21], $0x7D0  }
0x243: {  	[sflag:s21] =	ssyncset.done $0x0  }
0x244: {  	s2 =	simm.s32 $0x74A8;
	[sflag:s21] =	ssyncadd.s32 $0xFFFFF830  }
0x245: {  	[tilespmem:s2], [sflag:$0x2] =	stream.indirect.gather [spmem:s6], $0x1, s11, s24, $0xb8;
	[tilespmem:$0xF4A8] =	vst v63  }
0x246: {  	s4 =	simm.s32 $0x7CA8  }
0x247: {  	[tilespmem:s4], [sflag:$0x2] =	stream.indirect.gather [spmem:s7], $0x1, s11, s24, $0xb8;
	[tilespmem:$0xF4A8] =	vst v63  }
0x248: {  	s5 =	simm.s32 $0x84A8  }
0x249: {  	[tilespmem:s5], [sflag:$0x2] =	stream.indirect.gather [spmem:s8], $0x1, s11, s24, $0xb8;
	[tilespmem:$0xF4A8] =	vst v63  }
0x24a: {  	s15 =	simm.s32 $0x8CA8  }
0x24b: {  	[tilespmem:s15], [sflag:$0x2] =	stream.indirect.gather [spmem:s6], $0x1, s12, s24, $0xb8;
	[tilespmem:$0xF4A8] =	vst v63  }
0x24c: {  	s16 =	simm.s32 $0x94A8  }
0x24d: {  	[tilespmem:s16], [sflag:$0x2] =	stream.indirect.gather [spmem:s7], $0x1, s12, s24, $0xb8;
	[tilespmem:$0xF4A8] =	vst v63  }
0x24e: {  	s20 =	simm.s32 $0x9CA8  }
0x24f: {  	[tilespmem:s20], [sflag:$0x2] =	stream.indirect.gather [spmem:s8], $0x1, s12, s24, $0xb8;
	[tilespmem:$0xF4A8] =	vst v63  }
0x250: {  	_ =	swait.ge [sflag:s17], $0x7D0  }
0x251: {  	[sflag:s17] =	ssyncset.done $0x0  }
0x252: {  	[sflag:s17] =	ssyncadd.s32 $0xFFFFF830  }
0x253: {  	_ =	swait.ge [sflag:s17], $0x7D0  }
0x254: {  	[sflag:s17] =	ssyncset.done $0x0  }
0x255: {  	[sflag:s17] =	ssyncadd.s32 $0xFFFFF830  }
0x256: {  	_ =	swait.ge [sflag:s17], $0x7D0  }
0x257: {  	[sflag:s17] =	ssyncset.done $0x0  }
0x258: {  	[sflag:s17] =	ssyncadd.s32 $0xFFFFF830  }
0x259: {  	_ =	swait.ge [sflag:s17], $0x7D0  }
0x25a: {  	[sflag:s17] =	ssyncset.done $0x0  }
0x25b: {  	[sflag:s17] =	ssyncadd.s32 $0xFFFFF830  }
0x25c: {  	_ =	swait.ge [sflag:s17], $0x7D0  }
0x25d: {  	[sflag:s17] =	ssyncset.done $0x0  }
0x25e: {  	[sflag:s17] =	ssyncadd.s32 $0xFFFFF830  }
0x25f: {  	_ =	swait.ge [sflag:s17], $0x7D0  }
0x260: {  	[sflag:s17] =	ssyncset.done $0x0  }
0x261: {  	[sflag:s17] =	ssyncadd.s32 $0xFFFFF830  }
0x262: {  	_ =	swait.ge [sflag:s30], $0x7D0  }
0x263: {  	[sflag:s30] =	ssyncset.done $0x0  }
0x264: {  	[sflag:s30] =	ssyncadd.s32 $0xFFFFF830  }
0x265: {  	_ =	swait.ge [sflag:s30], $0x7D0  }
0x266: {  	[sflag:s30] =	ssyncset.done $0x0  }
0x267: {  	[sflag:s30] =	ssyncadd.s32 $0xFFFFF830  }
0x268: {  	_ =	swait.ge [sflag:s30], $0x7D0  }
0x269: {  	[sflag:s30] =	ssyncset.done $0x0  }
0x26a: {  	[sflag:s30] =	ssyncadd.s32 $0xFFFFF830  }
0x26b: {  	_ =	swait.ge [sflag:s30], $0x7D0  }
0x26c: {  	[sflag:s30] =	ssyncset.done $0x0  }
0x26d: {  	[sflag:s30] =	ssyncadd.s32 $0xFFFFF830  }
0x26e: {  	_ =	swait.ge [sflag:s30], $0x7D0  }
0x26f: {  	[sflag:s30] =	ssyncset.done $0x0  }
0x270: {  	s20 =	simm.s32 $0x0;
	[sflag:s30] =	ssyncadd.s32 $0xFFFFF830  }
0x271: {  	v0 =	vld [tilespmem:s20+$0x44A8]  }
0x272: {  	v1 =	vld [tilespmem:s20+$0x3CA8]  }
0x273: {  	v2 =	vld [tilespmem:s20+$0x5CA8]  }
0x274: {  	v3 =	vld [tilespmem:s20+$0x34A8]  }
0x275: {  	v4 =	vld [tilespmem:s20+$0x54A8]  }
0x276: {  	v5 =	vld [tilespmem:s20+$0x4CA8];
	_ =	sdelay $0x3  }
0x277: {  	v0 =	vsub.f32 v2, v0  }
0x278: {  	v1 =	vsub.f32 v4, v1;
	v2 =	vsub.f32 v5, v3  }
0x279: {  	[tilespmem:s20+$0xB4A8] =	vst v0  }
0x27a: {  	v3 =	vmul.f32 v1, v1;
	v4 =	vmul.f32 v2, v2;
	[tilespmem:s20+$0xACA8] =	vst v1  }
0x27b: {  	s16 =	simm.s32 $0x10;
	[tilespmem:s20+$0xA4A8] =	vst v2  }
0x27c: {  	v0 =	vmul.f32 v0, v0;
	v2 =	vld [tilespmem:s16+$0x44A8];
	v1 =	vadd.f32 v3, v4  }
0x27d: {  	v6 =	vld [tilespmem:s16+$0x34A8]  }
0x27e: {  	v7 =	vld [tilespmem:s16+$0x54A8];
	v0 =	vadd.f32 v0, v1  }
0x27f: {  	v9 =	vld [tilespmem:s16+$0x4CA8]  }
0x280: {  	v3 =	vld [tilespmem:s16+$0x5CA8];
	v4 =	vshra.s32 v0, $0x1;
	v5 =	vmul.f32 $5.000000000e-01, v0  }
0x281: {  	v1 =	vld [tilespmem:s16+$0x3CA8];
	v4 =	vsub.s32 $0x5F3759DF, v4  }
0x282: {  	v8 =	vmul.f32 v4, v5;
	_ =	sdelay $0x1  }
0x283: {  	v8 =	vmul.f32 v4, v8  }
0x284: {  	v2 =	vsub.f32 v3, v2;
	v3 =	vsub.f32 v9, v6  }
0x285: {  	v1 =	vsub.f32 v7, v1;
	v8 =	vsub.f32 $1.500000000e+00, v8  }
0x286: {  	v7 =	vmul.f32 v3, v3  }
0x287: {  	[tilespmem:s16+$0xB4A8] =	vst v2;
	v6 =	vmul.f32 v1, v1;
	v4 =	vmul.f32 v4, v8  }
0x288: {  	[tilespmem:s16+$0xA4A8] =	vst v3  }
0x289: {  	s25 =	smov.u32 s28;
	s28 =	simm.s32 $0x20;
	v2 =	vmul.f32 v2, v2;
	[tilespmem:s16+$0xACA8] =	vst v1;
	v3 =	vadd.f32 v6, v7;
	v1 =	vmul.f32 v4, v5  }
0x28a: {  	v9 =	vld [tilespmem:s28+$0x34A8]  }
0x28b: {  	v10 =	vld [tilespmem:s28+$0x54A8];
	v2 =	vadd.f32 v2, v3;
	v1 =	vmul.f32 v1, v4  }
0x28c: {  	v6 =	vld [tilespmem:s28+$0x5CA8]  }
0x28d: {  	v3 =	vld [tilespmem:s28+$0x3CA8];
	v7 =	vshra.s32 v2, $0x1;
	v8 =	vmul.f32 $5.000000000e-01, v2;
	v1 =	vsub.f32 $1.500000000e+00, v1  }
0x28e: {  	v5 =	vld [tilespmem:s28+$0x44A8];
	v7 =	vsub.s32 $0x5F3759DF, v7  }
0x28f: {  	v11 =	vld [tilespmem:s28+$0x4CA8];
	v1 =	vmul.f32 v1, v4;
	v4 =	vmul.f32 v7, v8;
	_ =	sdelay $0x1  }
0x290: {  	v1 =	vmul.f32 v1, v0;
	v4 =	vmul.f32 v7, v4  }
0x291: {  	vm0 =	vgt.f32 v0, $0.0e+00;
	v3 =	vsub.f32 v10, v3  }
0x292: {  	v0 =	vnsel vm0, $0x0, v1;
	v1 =	vsub.f32 $1.500000000e+00, v4;
	v4 =	vsub.f32 v6, v5  }
0x293: {  	v5 =	vsub.f32 v11, v9;
	[tilespmem:s20+$0xBCA8] =	vst v0  }
0x294: {  	v6 =	vmul.f32 v3, v3;
	[tilespmem:s28+$0xB4A8] =	vst v4  }
0x295: {  	v1 =	vmul.f32 v7, v1;
	[tilespmem:s28+$0xACA8] =	vst v3;
	v3 =	vmul.f32 v5, v5  }
0x296: {  	s0 =	simm.s32 $0x30;
	[tilespmem:s28+$0xA4A8] =	vst v5  }
0x297: {  	v4 =	vmul.f32 v4, v4;
	v7 =	vld [tilespmem:s0+$0x3CA8];
	v5 =	vmul.f32 v1, v8;
	v3 =	vadd.f32 v6, v3  }
0x298: {  	v11 =	vld [tilespmem:s0+$0x4CA8]  }
0x299: {  	v12 =	vld [tilespmem:s0+$0x5CA8];
	v5 =	vmul.f32 v5, v1;
	v3 =	vadd.f32 v4, v3  }
0x29a: {  	v8 =	vld [tilespmem:s0+$0x54A8]  }
0x29b: {  	v4 =	vld [tilespmem:s0+$0x34A8];
	v5 =	vsub.f32 $1.500000000e+00, v5;
	v9 =	vshra.s32 v3, $0x1;
	v10 =	vmul.f32 $5.000000000e-01, v3  }
0x29c: {  	v6 =	vld [tilespmem:s0+$0x44A8];
	v9 =	vsub.s32 $0x5F3759DF, v9  }
0x29d: {  	v1 =	vmul.f32 v5, v1;
	v5 =	vmul.f32 v9, v10  }
0x29e: {  	v0 =	vmul.f32 $2.000000030e-01, v0  }
0x29f: {  	vm0 =	vgt.f32 v2, $0.0e+00;
	v1 =	vmul.f32 v1, v2;
	v5 =	vmul.f32 v9, v5  }
0x2a0: {  	v13 =	vmul.f32 $5.000000000e-01, v0;
	v4 =	vsub.f32 v11, v4;
	v2 =	vsub.f32 v8, v7  }
0x2a1: {  	v6 =	vsub.f32 v12, v6;
	v1 =	vnsel vm0, $0x0, v1;
	v5 =	vsub.f32 $1.500000000e+00, v5  }
0x2a2: {  	v8 =	vmul.f32 v4, v4;
	v7 =	vmul.f32 v2, v2;
	[tilespmem:s16+$0xBCA8] =	vst v1  }
0x2a3: {  	v11 =	vadd.f32 $5.000000000e-01, v13;
	v5 =	vmul.f32 v9, v5;
	[tilespmem:s0+$0xB4A8] =	vst v6  }
0x2a4: {  	[tilespmem:s0+$0xACA8] =	vst v2;
	v2 =	vadd.f32 v7, v8;
	v6 =	vmul.f32 v6, v6  }
0x2a5: {  	v7 =	vtrunc.f32 v11;
	v8 =	vmul.f32 v5, v10  }
0x2a6: {  	s1 =	simm.s32 $0x40;
	[tilespmem:s0+$0xA4A8] =	vst v4;
	v4 =	vcvt.f32.s32 v7;
	v2 =	vadd.f32 v6, v2  }
0x2a7: {  	v1 =	vmul.f32 $2.000000030e-01, v1;
	v11 =	vld [tilespmem:s1+$0x34A8];
	v7 =	vmul.f32 v8, v5  }
0x2a8: {  	v40 =	vld [tilespmem:s1+$0x54A8];
	v4 =	vcvt.s32.f32 v4;
	v9 =	vshra.s32 v2, $0x1;
	v10 =	vmul.f32 $5.000000000e-01, v2  }
0x2a9: {  	v39 =	vmul.f32 $5.000000000e-01, v1;
	v15 =	vld [tilespmem:s1+$0x4CA8];
	v9 =	vsub.s32 $0x5F3759DF, v9;
	v7 =	vsub.f32 $1.500000000e+00, v7  }
0x2aa: {  	v8 =	vld [tilespmem:s1+$0x3CA8];
	v4 =	vadd.f32 v4, v4;
	v14 =	vmul.f32 v9, v10  }
0x2ab: {  	v6 =	vld [tilespmem:s1+$0x44A8];
	v12 =	vadd.f32 $5.000000000e-01, v39;
	v5 =	vmul.f32 v7, v5  }
0x2ac: {  	v0 =	vsub.f32 v0, v4;
	v7 =	vld [tilespmem:s1+$0x5CA8];
	v14 =	vmul.f32 v9, v14  }
0x2ad: {  	vm0 =	vgt.f32 v3, $0.0e+00;
	v4 =	vtrunc.f32 v12;
	v5 =	vmul.f32 v5, v3  }
0x2ae: {  	v4 =	vcvt.f32.s32 v4;
	v0 =	vand.u32 $0x7FFFFFFF, v0;
	v3 =	vsub.f32 $1.500000000e+00, v14  }
0x2af: {  	v8 =	vsub.f32 v40, v8;
	v41 =	vsub.f32 $1.000000000e+00, v0;
	v5 =	vnsel vm0, $0x0, v5  }
0x2b0: {  	v11 =	vsub.f32 v15, v11;
	v3 =	vmul.f32 v9, v3;
	vm0 =	vgt.f32 v0, $5.000000000e-01;
	[tilespmem:s28+$0xBCA8] =	vst v5  }
0x2b1: {  	v4 =	vcvt.s32.f32 v4;
	v6 =	vsub.f32 v7, v6;
	v0 =	vsel vm0, v41, v0;
	[tilespmem:s1+$0xACA8] =	vst v8  }
0x2b2: {  	v10 =	vmul.f32 v3, v10;
	[tilespmem:s1+$0xA4A8] =	vst v11;
	v0 =	vmul.f32 $3.141592740e+00, v0  }
0x2b3: {  	s2 =	simm.s32 $0x50;
	v9 =	vmul.f32 v11, v11;
	v7 =	vmul.f32 v8, v8;
	[tilespmem:s1+$0xB4A8] =	vst v6  }
0x2b4: {  	v4 =	vadd.f32 v4, v4;
	v8 =	vmul.f32 v10, v3;
	v10 =	vmul.f32 v0, v0;
	v0 =	vld [tilespmem:s2+$0x3CA8]  }
0x2b5: {  	v5 =	vmul.f32 $2.000000030e-01, v5;
	v43 =	vld [tilespmem:s2+$0x5CA8]  }
0x2b6: {  	v1 =	vsub.f32 v1, v4;
	v7 =	vadd.f32 v7, v9;
	v6 =	vmul.f32 v6, v6;
	v44 =	vld [tilespmem:s2+$0x34A8]  }
0x2b7: {  	v9 =	vmul.f32 $5.000000000e-01, v5;
	v16 =	vld [tilespmem:s2+$0x54A8]  }
0x2b8: {  	v17 =	vld [tilespmem:s2+$0x4CA8];
	v1 =	vand.u32 $0x7FFFFFFF, v1;
	v6 =	vadd.f32 v6, v7;
	v8 =	vsub.f32 $1.500000000e+00, v8  }
0x2b9: {  	vm1 =	vgt.f32 v2, $0.0e+00;
	v7 =	vld [tilespmem:s2+$0x44A8];
	v9 =	vadd.f32 $5.000000000e-01, v9;
	v48 =	vsub.f32 $1.000000000e+00, v1  }
0x2ba: {  	v11 =	vshra.s32 v6, $0x1;
	v42 =	vmul.f32 $5.000000000e-01, v6;
	v3 =	vmul.f32 v8, v3  }
0x2bb: {  	v9 =	vtrunc.f32 v9;
	v11 =	vsub.s32 $0x5F3759DF, v11;
	v8 =	vmul.f32 $2.087675590e-09, v10  }
0x2bc: {  	v45 =	vmul.f32 v11, v42;
	v0 =	vsub.f32 v16, v0;
	v3 =	vmul.f32 v3, v2  }
0x2bd: {  	v9 =	vcvt.f32.s32 v9;
	v14 =	vsub.f32 v17, v44;
	v8 =	vadd.f32 $-2.755732000e-07, v8  }
0x2be: {  	v7 =	vsub.f32 v43, v7;
	v4 =	vmul.f32 v11, v45;
	v2 =	vnsel vm1, $0x0, v3  }
0x2bf: {  	v3 =	vcvt.s32.f32 v9;
	v8 =	vmul.f32 v8, v10;
	vm1 =	vmmov vm0  }
0x2c0: {  	vm0 =	vgt.f32 v1, $5.000000000e-01;
	v4 =	vsub.f32 $1.500000000e+00, v4;
	v9 =	vmul.f32 $2.000000030e-01, v2  }
0x2c1: {  	v47 =	vmul.f32 v14, v14;
	[tilespmem:s0+$0xBCA8] =	vst v2;
	v49 =	vsel vm0, v48, v1;
	v8 =	vadd.f32 $2.480158760e-05, v8  }
0x2c2: {  	vm2 =	vmmov vm1;
	[tilespmem:s2+$0xB4A8] =	vst v7;
	v46 =	vmul.f32 $5.000000000e-01, v9;
	v4 =	vmul.f32 v11, v4  }
0x2c3: {  	vm1 =	vgt.f32 v6, $0.0e+00;
	[tilespmem:s2+$0xACA8] =	vst v0;
	v11 =	vmul.f32 v0, v0;
	v8 =	vmul.f32 v8, v10  }
0x2c4: {  	s4 =	simm.s32 $0x60;
	v3 =	vadd.f32 v3, v3;
	[tilespmem:s2+$0xA4A8] =	vst v14;
	v0 =	vmul.f32 $3.141592740e+00, v49;
	v12 =	vmul.f32 v4, v42  }
0x2c5: {  	v54 =	vld [tilespmem:s4+$0x34A8];
	v2 =	vadd.f32 v11, v47;
	v11 =	vmul.f32 v7, v7;
	v8 =	vadd.f32 $-1.388888920e-03, v8  }
0x2c6: {  	v56 =	vld [tilespmem:s4+$0x4CA8];
	v3 =	vsub.f32 v5, v3;
	v0 =	vmul.f32 v0, v0;
	v7 =	vmul.f32 v12, v4  }
0x2c7: {  	v13 =	vadd.f32 $5.000000000e-01, v46;
	v1 =	vadd.f32 v11, v2;
	v8 =	vmul.f32 v8, v10  }
0x2c8: {  	v3 =	vand.u32 $0x7FFFFFFF, v3;
	v53 =	vmul.f32 $2.087675590e-09, v0;
	v5 =	vsub.f32 $1.500000000e+00, v7  }
0x2c9: {  	v11 =	vshra.s32 v1, $0x1;
	v50 =	vmul.f32 $5.000000000e-01, v1;
	v2 =	vadd.f32 $4.166666790e-02, v8  }
0x2ca: {  	v51 =	vld [tilespmem:s4+$0x3CA8];
	v62 =	vsub.f32 $1.000000000e+00, v3;
	v11 =	vsub.s32 $0x5F3759DF, v11;
	v4 =	vmul.f32 v5, v4  }
0x2cb: {  	v58 =	vsub.f32 v56, v54;
	v8 =	vld [tilespmem:s4+$0x44A8];
	v52 =	vmul.f32 v11, v50;
	v2 =	vmul.f32 v2, v10  }
0x2cc: {  	v7 =	vtrunc.f32 v13;
	v5 =	vld [tilespmem:s4+$0x5CA8];
	v4 =	vmul.f32 v4, v6;
	v6 =	vadd.f32 $-2.755732000e-07, v53  }
0x2cd: {  	v55 =	vld [tilespmem:s4+$0x54A8];
	v7 =	vcvt.f32.s32 v7;
	v14 =	vmul.f32 v11, v52;
	v2 =	vadd.f32 $-5.000000000e-01, v2  }
0x2ce: {  	v61 =	vmul.f32 v58, v58;
	v18 =	vnsel vm1, $0x0, v4;
	v6 =	vmul.f32 v6, v0  }
0x2cf: {  	v4 =	vcvt.s32.f32 v7;
	v7 =	vmul.f32 v2, v10;
	v10 =	vsub.f32 $1.500000000e+00, v14  }
0x2d0: {  	vm1 =	vmmov vm0;
	v2 =	vmul.f32 $2.000000030e-01, v18;
	v6 =	vadd.f32 $2.480158760e-05, v6  }
0x2d1: {  	v5 =	vsub.f32 v5, v8;
	v8 =	vadd.f32 v4, v4;
	v4 =	vmul.f32 v11, v10  }
0x2d2: {  	v11 =	vsub.f32 v55, v51;
	v57 =	vadd.f32 $1.000000000e+00, v7;
	v6 =	vmul.f32 v6, v0  }
0x2d3: {  	vm0 =	vgt.f32 v3, $5.000000000e-01;
	v10 =	vmul.f32 $5.000000000e-01, v2;
	v63 =	vmul.f32 v5, v5  }
0x2d4: {  	[tilespmem:s1+$0xBCA8] =	vst v18;
	v59 =	vmul.f32 v11, v11;
	v60 =	vsub.f32 $0.0e+00, v57;
	v6 =	vadd.f32 $-1.388888920e-03, v6  }
0x2d5: {  	[tilespmem:s4+$0xB4A8] =	vst v5;
	v5 =	vsub.f32 v9, v8;
	v9 =	vsel vm0, v62, v3;
	v12 =	vmul.f32 v4, v50  }
0x2d6: {  	v13 =	vsel vm2, v60, v57;
	v15 =	vadd.f32 v59, v61;
	v6 =	vmul.f32 v6, v0  }
0x2d7: {  	[tilespmem:s4+$0xA4A8] =	vst v58;
	v7 =	vadd.f32 $5.000000000e-01, v10;
	v10 =	vmul.f32 v12, v4;
	v3 =	vmul.f32 $5.000000000e-01, v13  }
0x2d8: {  	s5 =	simm.s32 $0x1C0;
	[tilespmem:s4+$0xACA8] =	vst v11;
	v9 =	vmul.f32 $3.141592740e+00, v9;
	v8 =	vadd.f32 v63, v15;
	v6 =	vadd.f32 $4.166666790e-02, v6  }
.LBB2_14:
0x2d9: {  	s15 =	sshra.s32 s5, $0x2;
	p3 =	sne.s32 s5, $0x1F00;
	s5 =	sadd.s32 $0x40, s5;
	v10 =	vsub.f32 $1.500000000e+00, v10;
	v7 =	vtrunc.f32 v7;
	v3 =	vadd.f32 $5.000000000e-01, v3  }
0x2da: {  	v11 =	vld [tilespmem:s15+$0x44A8];
	v12 =	vshra.s32 v8, $0x1;
	v13 =	vmul.f32 $5.000000000e-01, v8;
	v9 =	vmul.f32 v9, v9  }
0x2db: {  	v6 =	vmul.f32 v6, v0;
	v14 =	vld [tilespmem:s15+$0x3CA8];
	v12 =	vsub.s32 $0x5F3759DF, v12;
	v4 =	vmul.f32 v10, v4;
	[tilespmem:s20+$0xC4A8] =	vst v3;
	s20 =	smov.u32 s16;
	s16 =	smov.u32 s28;
	s28 =	smov.u32 s0  }
0x2dc: {  	vm2 =	vmmov vm1;
	s0 =	smov.u32 s1;
	s1 =	smov.u32 s2;
	s2 =	smov.u32 s4;
	v3 =	vld [tilespmem:s15+$0x5CA8];
	v10 =	vmul.f32 v12, v13;
	v15 =	vmul.f32 $2.087675590e-09, v9  }
0x2dd: {  	v7 =	vcvt.f32.s32 v7;
	s4 =	smov.u32 s15;
	v6 =	vadd.f32 $-5.000000000e-01, v6;
	v16 =	vld [tilespmem:s15+$0x34A8];
	v4 =	vmul.f32 v4, v1  }
0x2de: {  	vm1 =	vgt.f32 v1, $0.0e+00;
	v1 =	vmovc v8;
	v17 =	vld [tilespmem:s4+$0x54A8];
	v10 =	vmul.f32 v12, v10;
	v15 =	vadd.f32 $-2.755732000e-07, v15  }
0x2df: {  	v7 =	vcvt.s32.f32 v7;
	v6 =	vmul.f32 v6, v0;
	v0 =	vmovc v9;
	v8 =	vld [tilespmem:s4+$0x4CA8];
	v4 =	vnsel vm1, $0x0, v4  }
0x2e0: {  	v9 =	vsub.f32 $1.500000000e+00, v10;
	v18 =	vmul.f32 $2.000000030e-01, v4;
	[tilespmem:s1+$0xBCA8] =	vst v4;
	v10 =	vmul.f32 v15, v0  }
0x2e1: {  	vm1 =	vmmov vm0;
	v3 =	vsub.f32 v3, v11;
	v11 =	vadd.f32 v7, v7  }
0x2e2: {  	v4 =	vmul.f32 v12, v9;
	v9 =	vand.u32 $0x7FFFFFFF, v5;
	v5 =	vadd.f32 $2.480158760e-05, v10  }
0x2e3: {  	v6 =	vadd.f32 $1.000000000e+00, v6;
	v10 =	vmul.f32 $5.000000000e-01, v18;
	v7 =	vsub.f32 v17, v14;
	[tilespmem:s4+$0xB4A8] =	vst v3  }
0x2e4: {  	v8 =	vsub.f32 v8, v16;
	v12 =	vmul.f32 v4, v13;
	v5 =	vmul.f32 v5, v0  }
0x2e5: {  	v14 =	vsub.f32 $0.0e+00, v6;
	v13 =	vmul.f32 v7, v7;
	[tilespmem:s4+$0xACA8] =	vst v7;
	v7 =	vadd.f32 $5.000000000e-01, v10  }
.Ltmp7:
0x2e6: {  	vm0 =	vgt.f32 v9, $5.000000000e-01;
	v15 =	vmul.f32 v8, v8;
	[tilespmem:s4+$0xA4A8] =	vst v8;
	v5 =	vadd.f32 $-1.388888920e-03, v5;
	(pc) =	sbr.rel @p3 .LBB2_14-.Ltmp7, $4  }
0x2e7: {  	v6 =	vsel vm2, v14, v6;
	v10 =	vmul.f32 v12, v4;
	v8 =	vsub.f32 $1.000000000e+00, v9  }
0x2e8: {  	v12 =	vadd.f32 v13, v15;
	v13 =	vmul.f32 v3, v3;
	v14 =	vmul.f32 v5, v0  }
0x2e9: {  	v5 =	vsub.f32 v2, v11;
	v9 =	vsel vm0, v8, v9;
	v3 =	vmul.f32 $5.000000000e-01, v6;
	v2 =	vmovc v18  }
0x2ea: {  	v9 =	vmul.f32 $3.141592740e+00, v9;
	v8 =	vadd.f32 v13, v12;
	v6 =	vadd.f32 $4.166666790e-02, v14  }
0x2eb: {  	_ = 	snop  }
0x2ec: {  	v11 =	vshra.s32 v8, $0x1;
	v12 =	vmul.f32 $5.000000000e-01, v8  }
0x2ed: {  	v11 =	vsub.s32 $0x5F3759DF, v11  }
0x2ee: {  	v13 =	vmul.f32 v11, v12;
	_ =	sdelay $0x1  }
0x2ef: {  	v13 =	vmul.f32 v11, v13;
	_ =	sdelay $0x1  }
0x2f0: {  	v13 =	vsub.f32 $1.500000000e+00, v13;
	_ =	sdelay $0x1  }
0x2f1: {  	v11 =	vmul.f32 v11, v13;
	_ =	sdelay $0x1  }
0x2f2: {  	v12 =	vmul.f32 v11, v12;
	_ =	sdelay $0x1  }
0x2f3: {  	v12 =	vmul.f32 v12, v11  }
0x2f4: {  	v10 =	vsub.f32 $1.500000000e+00, v10  }
0x2f5: {  	v12 =	vsub.f32 $1.500000000e+00, v12  }
0x2f6: {  	v4 =	vmul.f32 v10, v4  }
0x2f7: {  	v10 =	vmul.f32 v12, v11  }
0x2f8: {  	v4 =	vmul.f32 v4, v1  }
0x2f9: {  	vm2 =	vgt.f32 v1, $0.0e+00;
	v1 =	vmul.f32 v10, v8  }
0x2fa: {  	v4 =	vnsel vm2, $0x0, v4;
	vm2 =	vgt.f32 v8, $0.0e+00  }
0x2fb: {  	v8 =	vmul.f32 $2.000000030e-01, v4;
	v1 =	vnsel vm2, $0x0, v1  }
0x2fc: {  	v10 =	vmul.f32 $2.000000030e-01, v1  }
0x2fd: {  	v11 =	vmul.f32 $5.000000000e-01, v8  }
0x2fe: {  	v7 =	vtrunc.f32 v7;
	v25 =	vmul.f32 $5.000000000e-01, v10  }
0x2ff: {  	v7 =	vcvt.f32.s32 v7;
	v11 =	vadd.f32 $5.000000000e-01, v11  }
0x300: {  	v5 =	vand.u32 $0x7FFFFFFF, v5;
	v12 =	vadd.f32 $5.000000000e-01, v25  }
0x301: {  	v26 =	vsub.f32 $1.000000000e+00, v5;
	v7 =	vcvt.s32.f32 v7;
	v11 =	vtrunc.f32 v11  }
0x302: {  	vm3 =	vgt.f32 v5, $5.000000000e-01;
	v11 =	vcvt.f32.s32 v11;
	v12 =	vtrunc.f32 v12  }
0x303: {  	v9 =	vmul.f32 v9, v9;
	v5 =	vsel vm3, v26, v5;
	v12 =	vcvt.f32.s32 v12  }
0x304: {  	v5 =	vmul.f32 $3.141592740e+00, v5;
	v7 =	vadd.f32 v7, v7;
	v11 =	vcvt.s32.f32 v11  }
0x305: {  	v27 =	vmul.f32 $2.087675590e-09, v9;
	v12 =	vcvt.s32.f32 v12  }
0x306: {  	v5 =	vmul.f32 v5, v5;
	v2 =	vsub.f32 v2, v7;
	v7 =	vadd.f32 v11, v11  }
0x307: {  	v11 =	vadd.f32 $-2.755732000e-07, v27;
	v12 =	vadd.f32 v12, v12  }
0x308: {  	v28 =	vmul.f32 $2.087675590e-09, v5;
	v2 =	vand.u32 $0x7FFFFFFF, v2;
	v7 =	vsub.f32 v8, v7  }
0x309: {  	v8 =	vmul.f32 v11, v9;
	v11 =	vsub.f32 $1.000000000e+00, v2;
	v10 =	vsub.f32 v10, v12  }
0x30a: {  	v29 =	vadd.f32 $-2.755732000e-07, v28;
	vm5 =	vgt.f32 v2, $5.000000000e-01;
	v7 =	vand.u32 $0x7FFFFFFF, v7  }
0x30b: {  	v2 =	vsel vm5, v11, v2;
	v11 =	vsub.f32 $1.000000000e+00, v7;
	v10 =	vand.u32 $0x7FFFFFFF, v10  }
0x30c: {  	v2 =	vmul.f32 $3.141592740e+00, v2;
	vm4 =	vgt.f32 v7, $5.000000000e-01;
	v30 =	vsub.f32 $1.000000000e+00, v10  }
0x30d: {  	v12 =	vmul.f32 v29, v5;
	v7 =	vsel vm4, v11, v7;
	vm2 =	vgt.f32 v10, $5.000000000e-01  }
0x30e: {  	v2 =	vmul.f32 v2, v2;
	v7 =	vmul.f32 $3.141592740e+00, v7;
	v10 =	vsel vm2, v30, v10  }
0x30f: {  	v6 =	vmul.f32 v6, v0;
	v8 =	vadd.f32 $2.480158760e-05, v8;
	v10 =	vmul.f32 $3.141592740e+00, v10  }
0x310: {  	v11 =	vadd.f32 $2.480158760e-05, v12;
	v31 =	vmul.f32 $2.087675590e-09, v2;
	v7 =	vmul.f32 v7, v7  }
0x311: {  	vm1 =	vmmov vm1;
	v8 =	vmul.f32 v8, v9;
	v10 =	vmul.f32 v10, v10  }
0x312: {  	v11 =	vmul.f32 v11, v5;
	v12 =	vadd.f32 $-2.755732000e-07, v31;
	v32 =	vmul.f32 $2.087675590e-09, v7  }
0x313: {  	v6 =	vadd.f32 $-5.000000000e-01, v6;
	v8 =	vadd.f32 $-1.388888920e-03, v8;
	v14 =	vmul.f32 $2.087675590e-09, v10  }
0x314: {  	v11 =	vadd.f32 $-1.388888920e-03, v11;
	v12 =	vmul.f32 v12, v2;
	v13 =	vadd.f32 $-2.755732000e-07, v32  }
0x315: {  	v0 =	vmul.f32 v6, v0;
	v6 =	vmul.f32 v8, v9;
	v8 =	vadd.f32 $-2.755732000e-07, v14  }
0x316: {  	v11 =	vmul.f32 v11, v5;
	v12 =	vadd.f32 $2.480158760e-05, v12;
	v13 =	vmul.f32 v13, v7  }
0x317: {  	vm0 =	vmmov vm0;
	v6 =	vadd.f32 $4.166666790e-02, v6;
	v8 =	vmul.f32 v8, v10  }
0x318: {  	v11 =	vadd.f32 $4.166666790e-02, v11;
	v12 =	vmul.f32 v12, v2;
	v13 =	vadd.f32 $2.480158760e-05, v13  }
0x319: {  	v3 =	vadd.f32 $5.000000000e-01, v3;
	v6 =	vmul.f32 v6, v9;
	v8 =	vadd.f32 $2.480158760e-05, v8  }
0x31a: {  	v11 =	vmul.f32 v11, v5;
	v12 =	vadd.f32 $-1.388888920e-03, v12;
	v13 =	vmul.f32 v13, v7  }
0x31b: {  	v0 =	vadd.f32 $1.000000000e+00, v0;
	v6 =	vadd.f32 $-5.000000000e-01, v6;
	v8 =	vmul.f32 v8, v10  }
0x31c: {  	v11 =	vadd.f32 $-5.000000000e-01, v11;
	v12 =	vmul.f32 v12, v2;
	v13 =	vadd.f32 $-1.388888920e-03, v13  }
0x31d: {  	v33 =	vsub.f32 $0.0e+00, v0;
	v6 =	vmul.f32 v6, v9;
	v8 =	vadd.f32 $-1.388888920e-03, v8  }
0x31e: {  	v5 =	vmul.f32 v11, v5;
	v9 =	vadd.f32 $4.166666790e-02, v12;
	v11 =	vmul.f32 v13, v7  }
0x31f: {  	vm0 =	vmmov vm0;
	v0 =	vsel vm1, v33, v0;
	v8 =	vmul.f32 v8, v10  }
0x320: {  	v6 =	vadd.f32 $1.000000000e+00, v6;
	v9 =	vmul.f32 v9, v2;
	v11 =	vadd.f32 $4.166666790e-02, v11  }
0x321: {  	vm1 =	vmmov vm3;
	v0 =	vmul.f32 $5.000000000e-01, v0;
	v8 =	vadd.f32 $4.166666790e-02, v8  }
0x322: {  	v34 =	vsub.f32 $0.0e+00, v6;
	v9 =	vadd.f32 $-5.000000000e-01, v9;
	v11 =	vmul.f32 v11, v7  }
0x323: {  	v0 =	vadd.f32 $5.000000000e-01, v0;
	v5 =	vadd.f32 $1.000000000e+00, v5;
	v8 =	vmul.f32 v8, v10  }
0x324: {  	v6 =	vsel vm0, v34, v6;
	v2 =	vmul.f32 v9, v2;
	v9 =	vadd.f32 $-5.000000000e-01, v11  }
0x325: {  	vm0 =	vmmov vm1;
	v35 =	vsub.f32 $0.0e+00, v5;
	v8 =	vadd.f32 $-5.000000000e-01, v8  }
0x326: {  	vm1 =	vmmov vm4;
	v2 =	vadd.f32 $1.000000000e+00, v2;
	v7 =	vmul.f32 v9, v7  }
0x327: {  	v6 =	vmul.f32 $5.000000000e-01, v6;
	v5 =	vsel vm0, v35, v5;
	v8 =	vmul.f32 v8, v10  }
0x328: {  	vm0 =	vmmov vm5;
	v9 =	vsub.f32 $0.0e+00, v2;
	v7 =	vadd.f32 $1.000000000e+00, v7  }
0x329: {  	v6 =	vadd.f32 $5.000000000e-01, v6;
	vm0 =	vmmov vm0;
	v8 =	vadd.f32 $1.000000000e+00, v8  }
0x32a: {  	[tilespmem:s20+$0xC4A8] =	vst v3;
	v5 =	vmul.f32 $5.000000000e-01, v5;
	v2 =	vsel vm0, v9, v2;
	v3 =	vsub.f32 $0.0e+00, v7  }
0x32b: {  	[tilespmem:s2+$0xBCA8] =	vst v4;
	vm0 =	vmmov vm1;
	vm1 =	vmmov vm2;
	v4 =	vsub.f32 $0.0e+00, v8  }
0x32c: {  	[tilespmem:s16+$0xC4A8] =	vst v0;
	v0 =	vmul.f32 $5.000000000e-01, v2;
	v2 =	vsel vm0, v3, v7;
	vm0 =	vmmov vm1  }
0x32d: {  	[tilespmem:s4+$0xBCA8] =	vst v1;
	v1 =	vadd.f32 $5.000000000e-01, v5;
	v2 =	vmul.f32 $5.000000000e-01, v2;
	v3 =	vsel vm0, v4, v8  }
0x32e: {  	[tilespmem:s28+$0xC4A8] =	vst v6;
	v0 =	vadd.f32 $5.000000000e-01, v0;
	v3 =	vmul.f32 $5.000000000e-01, v3  }
0x32f: {  	s15 =	rddreg [dreg:$0xd];
	[tilespmem:s0+$0xC4A8] =	vst v1;
	v1 =	vadd.f32 $5.000000000e-01, v2  }
0x330: {  	s0 =	sadd.s32 s19, s15;
	[tilespmem:s1+$0xC4A8] =	vst v0;
	v0 =	vadd.f32 $5.000000000e-01, v3  }
0x331: {  	s16 =	rddreg [dreg:$0x3];
	s0 =	sshrl.u32 s0, $0x3;
	[tilespmem:s2+$0xC4A8] =	vst v1  }
0x332: {  	s20 =	simm.s32 $0xA4A8;
	s1 =	sadd.s32 s16, s0;
	s2 =	simm.s32 $0x0;
	[tilespmem:s4+$0xC4A8] =	vst v0  }
0x333: {  	[hbm4b:s1+s2] =	stream.linear.scatter [tilespmem:s20], [sflag:$0x3], $0x7D0, $0x38;
	[tilespmem:$0xF4A8] =	vst v63  }
0x334: {  	s15 =	simm.s32 $0xACA8;
	s5 =	sadd.s32 s13, s0  }
0x335: {  	[hbm4b:s5+s2] =	stream.linear.scatter [tilespmem:s15], [sflag:$0x3], $0x7D0, $0x38;
	[tilespmem:$0xF4A8] =	vst v63  }
0x336: {  	s16 =	sadd.s32 s14, s0;
	s20 =	simm.s32 $0xB4A8;
	s5 =	rddreg [dreg:$0x4]  }
0x337: {  	[hbm4b:s16+s2] =	stream.linear.scatter [tilespmem:s20], [sflag:$0x3], $0x7D0, $0x38;
	[tilespmem:$0xF4A8] =	vst v63  }
0x338: {  	s15 =	simm.s32 $0xBCA8;
	s1 =	sadd.s32 s5, s0  }
0x339: {  	[hbm4b:s1+s2] =	stream.linear.scatter [tilespmem:s15], [sflag:$0x3], $0x7D0, $0x38;
	[tilespmem:$0xF4A8] =	vst v63  }
0x33a: {  	s0 =	sadd.s32 s26, s0;
	s16 =	simm.s32 $0xC4A8;
	s20 =	rddreg [dreg:$0x18]  }
0x33b: {  	[hbm4b:s0+s2] =	stream.linear.scatter [tilespmem:s16], [sflag:$0x3], $0x7D0, $0x38;
	[tilespmem:$0xF4A8] =	vst v63  }
0x33c: {  	s0 =	sadd.s32 s19, s20  }
0x33d: {  	s0 =	sshrl.u32 s0, $0x3  }
0x33e: {  	s28 =	smov.u32 s25;
	s25 =	sadd.s32 s25, s0  }
0x33f: {  	[tilespmem:s22], [sflag:$0x5] =	stream.linear.gather [hbm4b:s25+s2], $0x7D0, $0x38;
	[tilespmem:$0xF4A8] =	vst v63  }
0x340: {  	_ =	swait.ge [sflag:s21], $0x7D0  }
0x341: {  	[sflag:s21] =	ssyncset.done $0x0  }
0x342: {  	[sflag:s21] =	ssyncadd.s32 $0xFFFFF830  }
0x343: {  	s4 =	rddreg [dreg:$0x2]  }
0x344: {  	s0 =	sadd.s32 s4, s0  }
0x345: {  	[tilespmem:s23], [sflag:$0x5] =	stream.linear.gather [hbm4b:s0+s2], $0x7D0, $0x38;
	[tilespmem:$0xF4A8] =	vst v63  }
0x346: {  	_ =	swait.ge [sflag:s21], $0x7D0  }
0x347: {  	[sflag:s21] =	ssyncset.done $0x0  }
0x348: {  	s5 =	simm.s32 $0x34A8;
	[sflag:s21] =	ssyncadd.s32 $0xFFFFF830  }
0x349: {  	[tilespmem:s5], [sflag:$0x1] =	stream.indirect.gather [spmem:s6], $0x1, s22, s24, $0xb8;
	[tilespmem:$0xF4A8] =	vst v63  }
0x34a: {  	s15 =	simm.s32 $0x3CA8  }
0x34b: {  	[tilespmem:s15], [sflag:$0x1] =	stream.indirect.gather [spmem:s7], $0x1, s22, s24, $0xb8;
	[tilespmem:$0xF4A8] =	vst v63  }
0x34c: {  	s16 =	simm.s32 $0x44A8  }
0x34d: {  	[tilespmem:s16], [sflag:$0x1] =	stream.indirect.gather [spmem:s8], $0x1, s22, s24, $0xb8;
	[tilespmem:$0xF4A8] =	vst v63  }
0x34e: {  	s19 =	simm.s32 $0x4CA8  }
0x34f: {  	[tilespmem:s19], [sflag:$0x1] =	stream.indirect.gather [spmem:s6], $0x1, s23, s24, $0xb8;
	[tilespmem:$0xF4A8] =	vst v63  }
0x350: {  	s20 =	simm.s32 $0x54A8  }
0x351: {  	[tilespmem:s20], [sflag:$0x1] =	stream.indirect.gather [spmem:s7], $0x1, s23, s24, $0xb8;
	[tilespmem:$0xF4A8] =	vst v63  }
0x352: {  	s25 =	simm.s32 $0x5CA8  }
0x353: {  	[tilespmem:s25], [sflag:$0x1] =	stream.indirect.gather [spmem:s8], $0x1, s23, s24, $0xb8;
	[tilespmem:$0xF4A8] =	vst v63  }
0x354: {  	_ =	swait.ge [sflag:s29], $0x7D0  }
0x355: {  	[sflag:s29] =	ssyncset.done $0x0  }
0x356: {  	[sflag:s29] =	ssyncadd.s32 $0xFFFFF830  }
0x357: {  	_ =	swait.ge [sflag:s29], $0x7D0  }
0x358: {  	[sflag:s29] =	ssyncset.done $0x0  }
0x359: {  	[sflag:s29] =	ssyncadd.s32 $0xFFFFF830  }
0x35a: {  	_ =	swait.ge [sflag:s29], $0x7D0  }
0x35b: {  	[sflag:s29] =	ssyncset.done $0x0  }
0x35c: {  	[sflag:s29] =	ssyncadd.s32 $0xFFFFF830  }
0x35d: {  	_ =	swait.ge [sflag:s29], $0x7D0  }
0x35e: {  	[sflag:s29] =	ssyncset.done $0x0  }
0x35f: {  	[sflag:s29] =	ssyncadd.s32 $0xFFFFF830  }
0x360: {  	_ =	swait.ge [sflag:s29], $0x7D0  }
0x361: {  	[sflag:s29] =	ssyncset.done $0x0  }
0x362: {  	[sflag:s29] =	ssyncadd.s32 $0xFFFFF830  }
0x363: {  	_ =	swait.ge [sflag:s29], $0x7D0  }
0x364: {  	[sflag:s29] =	ssyncset.done $0x0  }
0x365: {  	[sflag:s29] =	ssyncadd.s32 $0xFFFFF830  }
0x366: {  	_ =	swait.ge [sflag:s31], $0x7D0  }
0x367: {  	[sflag:s31] =	ssyncset.done $0x0  }
0x368: {  	[sflag:s31] =	ssyncadd.s32 $0xFFFFF830  }
0x369: {  	_ =	swait.ge [sflag:s31], $0x7D0  }
0x36a: {  	[sflag:s31] =	ssyncset.done $0x0  }
0x36b: {  	[sflag:s31] =	ssyncadd.s32 $0xFFFFF830  }
0x36c: {  	_ =	swait.ge [sflag:s31], $0x7D0  }
0x36d: {  	[sflag:s31] =	ssyncset.done $0x0  }
0x36e: {  	[sflag:s31] =	ssyncadd.s32 $0xFFFFF830  }
0x36f: {  	_ =	swait.ge [sflag:s31], $0x7D0  }
0x370: {  	[sflag:s31] =	ssyncset.done $0x0  }
0x371: {  	[sflag:s31] =	ssyncadd.s32 $0xFFFFF830  }
0x372: {  	_ =	swait.ge [sflag:s31], $0x7D0  }
0x373: {  	[sflag:s31] =	ssyncset.done $0x0  }
0x374: {  	s19 =	simm.s32 $0x0;
	[sflag:s31] =	ssyncadd.s32 $0xFFFFF830  }
0x375: {  	v0 =	vld [tilespmem:s19+$0x84A8]  }
0x376: {  	v1 =	vld [tilespmem:s19+$0x7CA8]  }
0x377: {  	v2 =	vld [tilespmem:s19+$0x9CA8]  }
0x378: {  	v3 =	vld [tilespmem:s19+$0x74A8]  }
0x379: {  	v4 =	vld [tilespmem:s19+$0x94A8]  }
0x37a: {  	v5 =	vld [tilespmem:s19+$0x8CA8];
	_ =	sdelay $0x3  }
0x37b: {  	v0 =	vsub.f32 v2, v0  }
0x37c: {  	v1 =	vsub.f32 v4, v1;
	v2 =	vsub.f32 v5, v3  }
0x37d: {  	[tilespmem:s19+$0xDCA8] =	vst v0  }
0x37e: {  	v3 =	vmul.f32 v1, v1;
	v4 =	vmul.f32 v2, v2;
	[tilespmem:s19+$0xD4A8] =	vst v1  }
0x37f: {  	s16 =	simm.s32 $0x10;
	[tilespmem:s19+$0xCCA8] =	vst v2  }
0x380: {  	v0 =	vmul.f32 v0, v0;
	v2 =	vld [tilespmem:s16+$0x84A8];
	v1 =	vadd.f32 v3, v4  }
0x381: {  	v6 =	vld [tilespmem:s16+$0x74A8]  }
0x382: {  	v7 =	vld [tilespmem:s16+$0x94A8];
	v0 =	vadd.f32 v0, v1  }
0x383: {  	v9 =	vld [tilespmem:s16+$0x8CA8]  }
0x384: {  	v3 =	vld [tilespmem:s16+$0x9CA8];
	v4 =	vshra.s32 v0, $0x1;
	v5 =	vmul.f32 $5.000000000e-01, v0  }
0x385: {  	v1 =	vld [tilespmem:s16+$0x7CA8];
	v4 =	vsub.s32 $0x5F3759DF, v4  }
0x386: {  	v8 =	vmul.f32 v4, v5;
	_ =	sdelay $0x1  }
0x387: {  	v8 =	vmul.f32 v4, v8  }
0x388: {  	v2 =	vsub.f32 v3, v2;
	v3 =	vsub.f32 v9, v6  }
0x389: {  	v1 =	vsub.f32 v7, v1;
	v8 =	vsub.f32 $1.500000000e+00, v8  }
0x38a: {  	v7 =	vmul.f32 v3, v3  }
0x38b: {  	[tilespmem:s16+$0xDCA8] =	vst v2;
	v6 =	vmul.f32 v1, v1;
	v4 =	vmul.f32 v4, v8  }
0x38c: {  	[tilespmem:s16+$0xCCA8] =	vst v3  }
0x38d: {  	s20 =	simm.s32 $0x20;
	v2 =	vmul.f32 v2, v2;
	[tilespmem:s16+$0xD4A8] =	vst v1;
	v3 =	vadd.f32 v6, v7;
	v1 =	vmul.f32 v4, v5  }
0x38e: {  	v9 =	vld [tilespmem:s20+$0x74A8]  }
0x38f: {  	v10 =	vld [tilespmem:s20+$0x94A8];
	v2 =	vadd.f32 v2, v3;
	v1 =	vmul.f32 v1, v4  }
0x390: {  	v6 =	vld [tilespmem:s20+$0x9CA8]  }
0x391: {  	v3 =	vld [tilespmem:s20+$0x7CA8];
	v7 =	vshra.s32 v2, $0x1;
	v8 =	vmul.f32 $5.000000000e-01, v2;
	v1 =	vsub.f32 $1.500000000e+00, v1  }
0x392: {  	v5 =	vld [tilespmem:s20+$0x84A8];
	v7 =	vsub.s32 $0x5F3759DF, v7  }
0x393: {  	v11 =	vld [tilespmem:s20+$0x8CA8];
	v1 =	vmul.f32 v1, v4;
	v4 =	vmul.f32 v7, v8;
	_ =	sdelay $0x1  }
0x394: {  	v1 =	vmul.f32 v1, v0;
	v4 =	vmul.f32 v7, v4  }
0x395: {  	vm0 =	vgt.f32 v0, $0.0e+00;
	v3 =	vsub.f32 v10, v3  }
0x396: {  	v0 =	vnsel vm0, $0x0, v1;
	v1 =	vsub.f32 $1.500000000e+00, v4;
	v4 =	vsub.f32 v6, v5  }
0x397: {  	v5 =	vsub.f32 v11, v9;
	[tilespmem:s19+$0xE4A8] =	vst v0  }
0x398: {  	v6 =	vmul.f32 v3, v3;
	[tilespmem:s20+$0xDCA8] =	vst v4  }
0x399: {  	v1 =	vmul.f32 v7, v1;
	[tilespmem:s20+$0xD4A8] =	vst v3;
	v3 =	vmul.f32 v5, v5  }
0x39a: {  	s0 =	simm.s32 $0x30;
	[tilespmem:s20+$0xCCA8] =	vst v5  }
0x39b: {  	v4 =	vmul.f32 v4, v4;
	v7 =	vld [tilespmem:s0+$0x7CA8];
	v5 =	vmul.f32 v1, v8;
	v3 =	vadd.f32 v6, v3  }
0x39c: {  	v11 =	vld [tilespmem:s0+$0x8CA8]  }
0x39d: {  	v36 =	vld [tilespmem:s0+$0x9CA8];
	v5 =	vmul.f32 v5, v1;
	v3 =	vadd.f32 v4, v3  }
0x39e: {  	v8 =	vld [tilespmem:s0+$0x94A8]  }
0x39f: {  	v4 =	vld [tilespmem:s0+$0x74A8];
	v5 =	vsub.f32 $1.500000000e+00, v5;
	v9 =	vshra.s32 v3, $0x1;
	v10 =	vmul.f32 $5.000000000e-01, v3  }
0x3a0: {  	v6 =	vld [tilespmem:s0+$0x84A8];
	v9 =	vsub.s32 $0x5F3759DF, v9  }
0x3a1: {  	v1 =	vmul.f32 v5, v1;
	v5 =	vmul.f32 v9, v10  }
0x3a2: {  	v0 =	vmul.f32 $2.000000030e-01, v0  }
0x3a3: {  	vm0 =	vgt.f32 v2, $0.0e+00;
	v1 =	vmul.f32 v1, v2;
	v5 =	vmul.f32 v9, v5  }
0x3a4: {  	v37 =	vmul.f32 $5.000000000e-01, v0;
	v4 =	vsub.f32 v11, v4;
	v2 =	vsub.f32 v8, v7  }
0x3a5: {  	v6 =	vsub.f32 v36, v6;
	v1 =	vnsel vm0, $0x0, v1;
	v5 =	vsub.f32 $1.500000000e+00, v5  }
0x3a6: {  	v8 =	vmul.f32 v4, v4;
	v7 =	vmul.f32 v2, v2;
	[tilespmem:s16+$0xE4A8] =	vst v1  }
0x3a7: {  	v11 =	vadd.f32 $5.000000000e-01, v37;
	v5 =	vmul.f32 v9, v5;
	[tilespmem:s0+$0xDCA8] =	vst v6  }
0x3a8: {  	[tilespmem:s0+$0xD4A8] =	vst v2;
	v2 =	vadd.f32 v7, v8;
	v6 =	vmul.f32 v6, v6  }
0x3a9: {  	v7 =	vtrunc.f32 v11;
	v8 =	vmul.f32 v5, v10  }
0x3aa: {  	s1 =	simm.s32 $0x40;
	[tilespmem:s0+$0xCCA8] =	vst v4;
	v4 =	vcvt.f32.s32 v7;
	v2 =	vadd.f32 v6, v2  }
0x3ab: {  	v1 =	vmul.f32 $2.000000030e-01, v1;
	v11 =	vld [tilespmem:s1+$0x74A8];
	v7 =	vmul.f32 v8, v5  }
0x3ac: {  	v39 =	vld [tilespmem:s1+$0x94A8];
	v4 =	vcvt.s32.f32 v4;
	v9 =	vshra.s32 v2, $0x1;
	v10 =	vmul.f32 $5.000000000e-01, v2  }
0x3ad: {  	v38 =	vmul.f32 $5.000000000e-01, v1;
	v15 =	vld [tilespmem:s1+$0x8CA8];
	v9 =	vsub.s32 $0x5F3759DF, v9;
	v7 =	vsub.f32 $1.500000000e+00, v7  }
0x3ae: {  	v8 =	vld [tilespmem:s1+$0x7CA8];
	v4 =	vadd.f32 v4, v4;
	v40 =	vmul.f32 v9, v10  }
0x3af: {  	v6 =	vld [tilespmem:s1+$0x84A8];
	v12 =	vadd.f32 $5.000000000e-01, v38;
	v5 =	vmul.f32 v7, v5  }
0x3b0: {  	v0 =	vsub.f32 v0, v4;
	v7 =	vld [tilespmem:s1+$0x9CA8];
	v14 =	vmul.f32 v9, v40  }
0x3b1: {  	vm0 =	vgt.f32 v3, $0.0e+00;
	v4 =	vtrunc.f32 v12;
	v5 =	vmul.f32 v5, v3  }
0x3b2: {  	v4 =	vcvt.f32.s32 v4;
	v0 =	vand.u32 $0x7FFFFFFF, v0;
	v3 =	vsub.f32 $1.500000000e+00, v14  }
0x3b3: {  	v8 =	vsub.f32 v39, v8;
	v41 =	vsub.f32 $1.000000000e+00, v0;
	v5 =	vnsel vm0, $0x0, v5  }
0x3b4: {  	v11 =	vsub.f32 v15, v11;
	v3 =	vmul.f32 v9, v3;
	vm0 =	vgt.f32 v0, $5.000000000e-01;
	[tilespmem:s20+$0xE4A8] =	vst v5  }
0x3b5: {  	v4 =	vcvt.s32.f32 v4;
	v6 =	vsub.f32 v7, v6;
	v0 =	vsel vm0, v41, v0;
	[tilespmem:s1+$0xD4A8] =	vst v8  }
0x3b6: {  	v10 =	vmul.f32 v3, v10;
	[tilespmem:s1+$0xCCA8] =	vst v11;
	v0 =	vmul.f32 $3.141592740e+00, v0  }
0x3b7: {  	s2 =	simm.s32 $0x50;
	v9 =	vmul.f32 v11, v11;
	v7 =	vmul.f32 v8, v8;
	[tilespmem:s1+$0xDCA8] =	vst v6  }
0x3b8: {  	v4 =	vadd.f32 v4, v4;
	v8 =	vmul.f32 v10, v3;
	v10 =	vmul.f32 v0, v0;
	v0 =	vld [tilespmem:s2+$0x7CA8]  }
0x3b9: {  	v5 =	vmul.f32 $2.000000030e-01, v5;
	v43 =	vld [tilespmem:s2+$0x9CA8]  }
0x3ba: {  	v1 =	vsub.f32 v1, v4;
	v7 =	vadd.f32 v7, v9;
	v6 =	vmul.f32 v6, v6;
	v44 =	vld [tilespmem:s2+$0x74A8]  }
0x3bb: {  	v9 =	vmul.f32 $5.000000000e-01, v5;
	v16 =	vld [tilespmem:s2+$0x94A8]  }
0x3bc: {  	v17 =	vld [tilespmem:s2+$0x8CA8];
	v1 =	vand.u32 $0x7FFFFFFF, v1;
	v6 =	vadd.f32 v6, v7;
	v8 =	vsub.f32 $1.500000000e+00, v8  }
0x3bd: {  	vm1 =	vgt.f32 v2, $0.0e+00;
	v7 =	vld [tilespmem:s2+$0x84A8];
	v9 =	vadd.f32 $5.000000000e-01, v9;
	v48 =	vsub.f32 $1.000000000e+00, v1  }
0x3be: {  	v11 =	vshra.s32 v6, $0x1;
	v42 =	vmul.f32 $5.000000000e-01, v6;
	v3 =	vmul.f32 v8, v3  }
0x3bf: {  	v9 =	vtrunc.f32 v9;
	v11 =	vsub.s32 $0x5F3759DF, v11;
	v8 =	vmul.f32 $2.087675590e-09, v10  }
0x3c0: {  	v45 =	vmul.f32 v11, v42;
	v0 =	vsub.f32 v16, v0;
	v3 =	vmul.f32 v3, v2  }
0x3c1: {  	v9 =	vcvt.f32.s32 v9;
	v14 =	vsub.f32 v17, v44;
	v8 =	vadd.f32 $-2.755732000e-07, v8  }
0x3c2: {  	v7 =	vsub.f32 v43, v7;
	v4 =	vmul.f32 v11, v45;
	v2 =	vnsel vm1, $0x0, v3  }
0x3c3: {  	v3 =	vcvt.s32.f32 v9;
	v8 =	vmul.f32 v8, v10;
	vm1 =	vmmov vm0  }
0x3c4: {  	vm0 =	vgt.f32 v1, $5.000000000e-01;
	v4 =	vsub.f32 $1.500000000e+00, v4;
	v9 =	vmul.f32 $2.000000030e-01, v2  }
0x3c5: {  	v47 =	vmul.f32 v14, v14;
	[tilespmem:s0+$0xE4A8] =	vst v2;
	v49 =	vsel vm0, v48, v1;
	v8 =	vadd.f32 $2.480158760e-05, v8  }
0x3c6: {  	vm2 =	vmmov vm1;
	[tilespmem:s2+$0xDCA8] =	vst v7;
	v46 =	vmul.f32 $5.000000000e-01, v9;
	v4 =	vmul.f32 v11, v4  }
0x3c7: {  	vm1 =	vgt.f32 v6, $0.0e+00;
	[tilespmem:s2+$0xD4A8] =	vst v0;
	v11 =	vmul.f32 v0, v0;
	v8 =	vmul.f32 v8, v10  }
0x3c8: {  	s4 =	simm.s32 $0x60;
	v3 =	vadd.f32 v3, v3;
	[tilespmem:s2+$0xCCA8] =	vst v14;
	v0 =	vmul.f32 $3.141592740e+00, v49;
	v12 =	vmul.f32 v4, v42  }
0x3c9: {  	v54 =	vld [tilespmem:s4+$0x74A8];
	v2 =	vadd.f32 v11, v47;
	v11 =	vmul.f32 v7, v7;
	v8 =	vadd.f32 $-1.388888920e-03, v8  }
0x3ca: {  	v56 =	vld [tilespmem:s4+$0x8CA8];
	v3 =	vsub.f32 v5, v3;
	v0 =	vmul.f32 v0, v0;
	v7 =	vmul.f32 v12, v4  }
0x3cb: {  	v13 =	vadd.f32 $5.000000000e-01, v46;
	v1 =	vadd.f32 v11, v2;
	v8 =	vmul.f32 v8, v10  }
0x3cc: {  	v3 =	vand.u32 $0x7FFFFFFF, v3;
	v53 =	vmul.f32 $2.087675590e-09, v0;
	v5 =	vsub.f32 $1.500000000e+00, v7  }
0x3cd: {  	v11 =	vshra.s32 v1, $0x1;
	v50 =	vmul.f32 $5.000000000e-01, v1;
	v2 =	vadd.f32 $4.166666790e-02, v8  }
0x3ce: {  	v51 =	vld [tilespmem:s4+$0x7CA8];
	v62 =	vsub.f32 $1.000000000e+00, v3;
	v11 =	vsub.s32 $0x5F3759DF, v11;
	v4 =	vmul.f32 v5, v4  }
0x3cf: {  	v58 =	vsub.f32 v56, v54;
	v8 =	vld [tilespmem:s4+$0x84A8];
	v52 =	vmul.f32 v11, v50;
	v2 =	vmul.f32 v2, v10  }
0x3d0: {  	v7 =	vtrunc.f32 v13;
	v5 =	vld [tilespmem:s4+$0x9CA8];
	v4 =	vmul.f32 v4, v6;
	v6 =	vadd.f32 $-2.755732000e-07, v53  }
0x3d1: {  	v55 =	vld [tilespmem:s4+$0x94A8];
	v7 =	vcvt.f32.s32 v7;
	v14 =	vmul.f32 v11, v52;
	v2 =	vadd.f32 $-5.000000000e-01, v2  }
0x3d2: {  	v61 =	vmul.f32 v58, v58;
	v18 =	vnsel vm1, $0x0, v4;
	v6 =	vmul.f32 v6, v0  }
0x3d3: {  	v4 =	vcvt.s32.f32 v7;
	v7 =	vmul.f32 v2, v10;
	v10 =	vsub.f32 $1.500000000e+00, v14  }
0x3d4: {  	vm1 =	vmmov vm0;
	v2 =	vmul.f32 $2.000000030e-01, v18;
	v6 =	vadd.f32 $2.480158760e-05, v6  }
0x3d5: {  	v5 =	vsub.f32 v5, v8;
	v8 =	vadd.f32 v4, v4;
	v4 =	vmul.f32 v11, v10  }
0x3d6: {  	v11 =	vsub.f32 v55, v51;
	v57 =	vadd.f32 $1.000000000e+00, v7;
	v6 =	vmul.f32 v6, v0  }
0x3d7: {  	vm0 =	vgt.f32 v3, $5.000000000e-01;
	v10 =	vmul.f32 $5.000000000e-01, v2;
	v63 =	vmul.f32 v5, v5  }
0x3d8: {  	[tilespmem:s1+$0xE4A8] =	vst v18;
	v59 =	vmul.f32 v11, v11;
	v60 =	vsub.f32 $0.0e+00, v57;
	v6 =	vadd.f32 $-1.388888920e-03, v6  }
0x3d9: {  	[tilespmem:s4+$0xDCA8] =	vst v5;
	v5 =	vsub.f32 v9, v8;
	v9 =	vsel vm0, v62, v3;
	v12 =	vmul.f32 v4, v50  }
0x3da: {  	v13 =	vsel vm2, v60, v57;
	v15 =	vadd.f32 v59, v61;
	v6 =	vmul.f32 v6, v0  }
0x3db: {  	[tilespmem:s4+$0xCCA8] =	vst v58;
	v7 =	vadd.f32 $5.000000000e-01, v10;
	v10 =	vmul.f32 v12, v4;
	v3 =	vmul.f32 $5.000000000e-01, v13  }
0x3dc: {  	s5 =	simm.s32 $0x1C0;
	[tilespmem:s4+$0xD4A8] =	vst v11;
	v9 =	vmul.f32 $3.141592740e+00, v9;
	v8 =	vadd.f32 v63, v15;
	v6 =	vadd.f32 $4.166666790e-02, v6  }
.LBB2_16:
0x3dd: {  	s15 =	sshra.s32 s5, $0x2;
	p3 =	sne.s32 s5, $0x1F00;
	s5 =	sadd.s32 $0x40, s5;
	v10 =	vsub.f32 $1.500000000e+00, v10;
	v7 =	vtrunc.f32 v7;
	v3 =	vadd.f32 $5.000000000e-01, v3  }
0x3de: {  	v11 =	vld [tilespmem:s15+$0x84A8];
	v12 =	vshra.s32 v8, $0x1;
	v13 =	vmul.f32 $5.000000000e-01, v8;
	v9 =	vmul.f32 v9, v9  }
0x3df: {  	v6 =	vmul.f32 v6, v0;
	v14 =	vld [tilespmem:s15+$0x7CA8];
	v12 =	vsub.s32 $0x5F3759DF, v12;
	v4 =	vmul.f32 v10, v4;
	[tilespmem:s19+$0xECA8] =	vst v3;
	s19 =	smov.u32 s16;
	s16 =	smov.u32 s20;
	s20 =	smov.u32 s0  }
0x3e0: {  	vm2 =	vmmov vm1;
	s0 =	smov.u32 s1;
	s1 =	smov.u32 s2;
	s2 =	smov.u32 s4;
	v3 =	vld [tilespmem:s15+$0x9CA8];
	v10 =	vmul.f32 v12, v13;
	v15 =	vmul.f32 $2.087675590e-09, v9  }
0x3e1: {  	v7 =	vcvt.f32.s32 v7;
	s4 =	smov.u32 s15;
	v6 =	vadd.f32 $-5.000000000e-01, v6;
	v16 =	vld [tilespmem:s15+$0x74A8];
	v4 =	vmul.f32 v4, v1  }
0x3e2: {  	vm1 =	vgt.f32 v1, $0.0e+00;
	v1 =	vmovc v8;
	v17 =	vld [tilespmem:s4+$0x94A8];
	v10 =	vmul.f32 v12, v10;
	v15 =	vadd.f32 $-2.755732000e-07, v15  }
0x3e3: {  	v7 =	vcvt.s32.f32 v7;
	v6 =	vmul.f32 v6, v0;
	v0 =	vmovc v9;
	v8 =	vld [tilespmem:s4+$0x8CA8];
	v4 =	vnsel vm1, $0x0, v4  }
0x3e4: {  	v9 =	vsub.f32 $1.500000000e+00, v10;
	v18 =	vmul.f32 $2.000000030e-01, v4;
	[tilespmem:s1+$0xE4A8] =	vst v4;
	v10 =	vmul.f32 v15, v0  }
0x3e5: {  	vm1 =	vmmov vm0;
	v3 =	vsub.f32 v3, v11;
	v11 =	vadd.f32 v7, v7  }
0x3e6: {  	v4 =	vmul.f32 v12, v9;
	v9 =	vand.u32 $0x7FFFFFFF, v5;
	v5 =	vadd.f32 $2.480158760e-05, v10  }
0x3e7: {  	v6 =	vadd.f32 $1.000000000e+00, v6;
	v10 =	vmul.f32 $5.000000000e-01, v18;
	v7 =	vsub.f32 v17, v14;
	[tilespmem:s4+$0xDCA8] =	vst v3  }
0x3e8: {  	v8 =	vsub.f32 v8, v16;
	v12 =	vmul.f32 v4, v13;
	v5 =	vmul.f32 v5, v0  }
0x3e9: {  	v14 =	vsub.f32 $0.0e+00, v6;
	v13 =	vmul.f32 v7, v7;
	[tilespmem:s4+$0xD4A8] =	vst v7;
	v7 =	vadd.f32 $5.000000000e-01, v10  }
.Ltmp8:
0x3ea: {  	vm0 =	vgt.f32 v9, $5.000000000e-01;
	v15 =	vmul.f32 v8, v8;
	[tilespmem:s4+$0xCCA8] =	vst v8;
	v5 =	vadd.f32 $-1.388888920e-03, v5;
	(pc) =	sbr.rel @p3 .LBB2_16-.Ltmp8, $4  }
0x3eb: {  	v6 =	vsel vm2, v14, v6;
	v10 =	vmul.f32 v12, v4;
	v8 =	vsub.f32 $1.000000000e+00, v9  }
0x3ec: {  	v12 =	vadd.f32 v13, v15;
	v13 =	vmul.f32 v3, v3;
	v14 =	vmul.f32 v5, v0  }
0x3ed: {  	v5 =	vsub.f32 v2, v11;
	v9 =	vsel vm0, v8, v9;
	v3 =	vmul.f32 $5.000000000e-01, v6;
	v2 =	vmovc v18  }
0x3ee: {  	v9 =	vmul.f32 $3.141592740e+00, v9;
	v8 =	vadd.f32 v13, v12;
	v6 =	vadd.f32 $4.166666790e-02, v14  }
0x3ef: {  	_ = 	snop  }
0x3f0: {  	v11 =	vshra.s32 v8, $0x1;
	v12 =	vmul.f32 $5.000000000e-01, v8  }
0x3f1: {  	v11 =	vsub.s32 $0x5F3759DF, v11  }
0x3f2: {  	v13 =	vmul.f32 v11, v12;
	_ =	sdelay $0x1  }
0x3f3: {  	v13 =	vmul.f32 v11, v13;
	_ =	sdelay $0x1  }
0x3f4: {  	v13 =	vsub.f32 $1.500000000e+00, v13;
	_ =	sdelay $0x1  }
0x3f5: {  	v11 =	vmul.f32 v11, v13;
	_ =	sdelay $0x1  }
0x3f6: {  	v12 =	vmul.f32 v11, v12;
	_ =	sdelay $0x1  }
0x3f7: {  	v12 =	vmul.f32 v12, v11  }
0x3f8: {  	v10 =	vsub.f32 $1.500000000e+00, v10  }
0x3f9: {  	v12 =	vsub.f32 $1.500000000e+00, v12  }
0x3fa: {  	v4 =	vmul.f32 v10, v4  }
0x3fb: {  	v27 =	vmul.f32 v12, v11  }
0x3fc: {  	v4 =	vmul.f32 v4, v1  }
0x3fd: {  	vm2 =	vgt.f32 v1, $0.0e+00;
	v28 =	vmul.f32 v27, v8  }
0x3fe: {  	vm7 =	vgt.f32 v8, $0.0e+00;
	v4 =	vnsel vm2, $0x0, v4  }
0x3ff: {  	v29 =	vmul.f32 $2.000000030e-01, v4;
	v1 =	vnsel vm7, $0x0, v28  }
0x400: {  	v30 =	vmul.f32 $2.000000030e-01, v1  }
0x401: {  	v31 =	vmul.f32 $5.000000000e-01, v29  }
0x402: {  	v32 =	vmul.f32 $5.000000000e-01, v30  }
0x403: {  	v7 =	vtrunc.f32 v7;
	v11 =	vadd.f32 $5.000000000e-01, v31  }
0x404: {  	v7 =	vcvt.f32.s32 v7;
	v12 =	vadd.f32 $5.000000000e-01, v32  }
0x405: {  	v9 =	vmul.f32 v9, v9;
	v11 =	vtrunc.f32 v11  }
0x406: {  	v5 =	vand.u32 $0x7FFFFFFF, v5;
	v11 =	vcvt.f32.s32 v11;
	v12 =	vtrunc.f32 v12  }
0x407: {  	v33 =	vsub.f32 $1.000000000e+00, v5;
	v7 =	vcvt.s32.f32 v7;
	v12 =	vcvt.f32.s32 v12  }
0x408: {  	vm3 =	vgt.f32 v5, $5.000000000e-01;
	v34 =	vmul.f32 $2.087675590e-09, v9;
	v11 =	vcvt.s32.f32 v11  }
0x409: {  	v5 =	vsel vm3, v33, v5;
	v7 =	vadd.f32 v7, v7;
	v12 =	vcvt.s32.f32 v12  }
0x40a: {  	v5 =	vmul.f32 $3.141592740e+00, v5;
	v36 =	vadd.f32 $-2.755732000e-07, v34;
	v35 =	vadd.f32 v11, v11  }
0x40b: {  	vm1 =	vmmov vm1;
	v2 =	vsub.f32 v2, v7;
	v12 =	vadd.f32 v12, v12  }
0x40c: {  	v6 =	vmul.f32 v6, v0;
	v5 =	vmul.f32 v5, v5;
	v7 =	vsub.f32 v29, v35  }
0x40d: {  	v38 =	vmul.f32 v36, v9;
	v2 =	vand.u32 $0x7FFFFFFF, v2;
	v10 =	vsub.f32 v30, v12  }
0x40e: {  	v37 =	vmul.f32 $2.087675590e-09, v5;
	v39 =	vsub.f32 $1.000000000e+00, v2;
	v7 =	vand.u32 $0x7FFFFFFF, v7  }
0x40f: {  	vm5 =	vgt.f32 v2, $5.000000000e-01;
	v41 =	vsub.f32 $1.000000000e+00, v7;
	v10 =	vand.u32 $0x7FFFFFFF, v10  }
0x410: {  	v2 =	vsel vm5, v39, v2;
	vm4 =	vgt.f32 v7, $5.000000000e-01;
	v42 =	vsub.f32 $1.000000000e+00, v10  }
0x411: {  	v2 =	vmul.f32 $3.141592740e+00, v2;
	v7 =	vsel vm4, v41, v7;
	vm8 =	vgt.f32 v10, $5.000000000e-01  }
0x412: {  	v40 =	vadd.f32 $-2.755732000e-07, v37;
	v7 =	vmul.f32 $3.141592740e+00, v7;
	v10 =	vsel vm8, v42, v10  }
0x413: {  	vm0 =	vmmov vm0;
	v2 =	vmul.f32 v2, v2;
	v10 =	vmul.f32 $3.141592740e+00, v10  }
0x414: {  	v3 =	vadd.f32 $5.000000000e-01, v3;
	v7 =	vmul.f32 v7, v7;
	v12 =	vmul.f32 v40, v5  }
0x415: {  	v44 =	vmul.f32 $2.087675590e-09, v2;
	v8 =	vadd.f32 $2.480158760e-05, v38;
	v10 =	vmul.f32 v10, v10  }
0x416: {  	vm0 =	vmmov vm0;
	v45 =	vmul.f32 $2.087675590e-09, v7;
	v43 =	vadd.f32 $2.480158760e-05, v12  }
0x417: {  	v8 =	vmul.f32 v8, v9;
	v12 =	vadd.f32 $-2.755732000e-07, v44;
	v14 =	vmul.f32 $2.087675590e-09, v10  }
0x418: {  	vm9 =	vmmov vm3;
	v13 =	vadd.f32 $-2.755732000e-07, v45;
	v11 =	vmul.f32 v43, v5  }
0x419: {  	v8 =	vadd.f32 $-1.388888920e-03, v8;
	v12 =	vmul.f32 v12, v2;
	v48 =	vadd.f32 $-2.755732000e-07, v14  }
0x41a: {  	v6 =	vadd.f32 $-5.000000000e-01, v6;
	v13 =	vmul.f32 v13, v7;
	v11 =	vadd.f32 $-1.388888920e-03, v11  }
0x41b: {  	v47 =	vmul.f32 v8, v9;
	v12 =	vadd.f32 $2.480158760e-05, v12;
	v8 =	vmul.f32 v48, v10  }
0x41c: {  	vm10 =	vmmov vm9;
	v13 =	vadd.f32 $2.480158760e-05, v13;
	v11 =	vmul.f32 v11, v5  }
0x41d: {  	v46 =	vmul.f32 v6, v0;
	v12 =	vmul.f32 v12, v2;
	v8 =	vadd.f32 $2.480158760e-05, v8  }
0x41e: {  	v6 =	vadd.f32 $4.166666790e-02, v47;
	v13 =	vmul.f32 v13, v7;
	v11 =	vadd.f32 $4.166666790e-02, v11  }
0x41f: {  	v0 =	vadd.f32 $1.000000000e+00, v46;
	v12 =	vadd.f32 $-1.388888920e-03, v12;
	v8 =	vmul.f32 v8, v10  }
0x420: {  	v6 =	vmul.f32 v6, v9;
	v13 =	vadd.f32 $-1.388888920e-03, v13;
	v11 =	vmul.f32 v11, v5  }
0x421: {  	v49 =	vsub.f32 $0.0e+00, v0;
	v12 =	vmul.f32 v12, v2;
	v8 =	vadd.f32 $-1.388888920e-03, v8  }
0x422: {  	v6 =	vadd.f32 $-5.000000000e-01, v6;
	v51 =	vmul.f32 v13, v7;
	v11 =	vadd.f32 $-5.000000000e-01, v11  }
0x423: {  	v0 =	vsel vm1, v49, v0;
	v50 =	vadd.f32 $4.166666790e-02, v12;
	v8 =	vmul.f32 v8, v10  }
0x424: {  	v6 =	vmul.f32 v6, v9;
	v5 =	vmul.f32 v11, v5;
	v11 =	vadd.f32 $4.166666790e-02, v51  }
0x425: {  	v0 =	vmul.f32 $5.000000000e-01, v0;
	v9 =	vmul.f32 v50, v2;
	v8 =	vadd.f32 $4.166666790e-02, v8  }
0x426: {  	vm11 =	vmmov vm5;
	v6 =	vadd.f32 $1.000000000e+00, v6;
	v11 =	vmul.f32 v11, v7  }
0x427: {  	v0 =	vadd.f32 $5.000000000e-01, v0;
	v9 =	vadd.f32 $-5.000000000e-01, v9;
	v8 =	vmul.f32 v8, v10  }
0x428: {  	vm12 =	vmmov vm4;
	v52 =	vsub.f32 $0.0e+00, v6;
	v54 =	vadd.f32 $-5.000000000e-01, v11  }
0x429: {  	vm13 =	vmmov vm12;
	v2 =	vmul.f32 v9, v2;
	v8 =	vadd.f32 $-5.000000000e-01, v8  }
0x42a: {  	v6 =	vsel vm0, v52, v6;
	v5 =	vadd.f32 $1.000000000e+00, v5;
	v7 =	vmul.f32 v54, v7  }
0x42b: {  	vm0 =	vmmov vm11;
	v2 =	vadd.f32 $1.000000000e+00, v2;
	v8 =	vmul.f32 v8, v10  }
0x42c: {  	vm14 =	vmmov vm8;
	v53 =	vsub.f32 $0.0e+00, v5;
	v7 =	vadd.f32 $1.000000000e+00, v7  }
0x42d: {  	v6 =	vmul.f32 $5.000000000e-01, v6;
	v55 =	vsub.f32 $0.0e+00, v2;
	v8 =	vadd.f32 $1.000000000e+00, v8  }
0x42e: {  	[tilespmem:s19+$0xECA8] =	vst v3;
	vm15 =	vmmov vm14;
	v5 =	vsel vm10, v53, v5;
	v56 =	vsub.f32 $0.0e+00, v7  }
0x42f: {  	[tilespmem:s2+$0xE4A8] =	vst v4;
	v5 =	vmul.f32 $5.000000000e-01, v5;
	v2 =	vsel vm0, v55, v2;
	v57 =	vsub.f32 $0.0e+00, v8  }
0x430: {  	[tilespmem:s16+$0xECA8] =	vst v0;
	v6 =	vadd.f32 $5.000000000e-01, v6;
	v58 =	vmul.f32 $5.000000000e-01, v2;
	v59 =	vsel vm13, v56, v7  }
0x431: {  	[tilespmem:s4+$0xE4A8] =	vst v1;
	v60 =	vadd.f32 $5.000000000e-01, v5;
	v2 =	vmul.f32 $5.000000000e-01, v59;
	v61 =	vsel vm15, v57, v8  }
0x432: {  	[tilespmem:s20+$0xECA8] =	vst v6;
	v0 =	vadd.f32 $5.000000000e-01, v58;
	v3 =	vmul.f32 $5.000000000e-01, v61  }
0x433: {  	[tilespmem:s0+$0xECA8] =	vst v60;
	v62 =	vadd.f32 $5.000000000e-01, v2  }
0x434: {  	[tilespmem:s1+$0xECA8] =	vst v0;
	v63 =	vadd.f32 $5.000000000e-01, v3  }
0x435: {  	s20 =	rddreg [dreg:$0x3];
	[tilespmem:s2+$0xECA8] =	vst v62  }
0x436: {  	s25 =	simm.s32 $0xCCA8;
	s0 =	sadd.s32 s20, s18;
	[tilespmem:s4+$0xECA8] =	vst v63  }
0x437: {  	[hbm4b:s0+s9] =	stream.linear.scatter [tilespmem:s25], [sflag:$0x4], $0x7D0, $0x38;
	[tilespmem:$0xF4A8] =	vst v63  }
0x438: {  	s10 =	sadd.s32 $0x1, s10;
	s2 =	sadd.s32 s13, s18;
	s4 =	simm.s32 $0xD4A8  }
0x439: {  	[hbm4b:s2+s9] =	stream.linear.scatter [tilespmem:s4], [sflag:$0x4], $0x7D0, $0x38;
	[tilespmem:$0xF4A8] =	vst v63  }
0x43a: {  	s5 =	sadd.s32 s14, s18;
	s15 =	simm.s32 $0xDCA8;
	p3 =	sne.s32 s10, $0xB  }
0x43b: {  	[hbm4b:s5+s9] =	stream.linear.scatter [tilespmem:s15], [sflag:$0x4], $0x7D0, $0x38;
	[tilespmem:$0xF4A8] =	vst v63  }
.Ltmp9:
0x43c: {  	s16 =	rddreg [dreg:$0x4];
	(pc) =	sbr.rel @p3 .LBB2_13-.Ltmp9, $4  }
0x43d: {  	s19 =	simm.s32 $0xE4A8;
	s0 =	sadd.s32 s16, s18  }
0x43e: {  	[hbm4b:s0+s9] =	stream.linear.scatter [tilespmem:s19], [sflag:$0x4], $0x7D0, $0x38;
	[tilespmem:$0xF4A8] =	vst v63  }
0x43f: {  	s20 =	sadd.s32 s26, s18;
	s25 =	simm.s32 $0xECA8  }
0x440: {  	[hbm4b:s20+s9] =	stream.linear.scatter [tilespmem:s25], [sflag:$0x4], $0x7D0, $0x38;
	[tilespmem:$0xF4A8] =	vst v63  }
0x441: {  	_ =	swait.ge [sflag:s17], $0x7D0  }
0x442: {  	[sflag:s17] =	ssyncset.done $0x0  }
0x443: {  	[sflag:s17] =	ssyncadd.s32 $0xFFFFF830  }
0x444: {  	_ =	swait.ge [sflag:s17], $0x7D0  }
0x445: {  	[sflag:s17] =	ssyncset.done $0x0  }
0x446: {  	[sflag:s17] =	ssyncadd.s32 $0xFFFFF830  }
0x447: {  	_ =	swait.ge [sflag:s17], $0x7D0  }
0x448: {  	[sflag:s17] =	ssyncset.done $0x0  }
0x449: {  	[sflag:s17] =	ssyncadd.s32 $0xFFFFF830  }
0x44a: {  	_ =	swait.ge [sflag:s17], $0x7D0  }
0x44b: {  	[sflag:s17] =	ssyncset.done $0x0  }
0x44c: {  	[sflag:s17] =	ssyncadd.s32 $0xFFFFF830  }
0x44d: {  	_ =	swait.ge [sflag:s17], $0x7D0  }
0x44e: {  	[sflag:s17] =	ssyncset.done $0x0  }
0x44f: {  	[sflag:s17] =	ssyncadd.s32 $0xFFFFF830  }
0x450: {  	_ =	swait.ge [sflag:s17], $0x7D0  }
0x451: {  	[sflag:s17] =	ssyncset.done $0x0  }
0x452: {  	[sflag:s17] =	ssyncadd.s32 $0xFFFFF830  }
0x453: {  	_ =	swait.ge [sflag:s30], $0x7D0  }
0x454: {  	[sflag:s30] =	ssyncset.done $0x0  }
0x455: {  	[sflag:s30] =	ssyncadd.s32 $0xFFFFF830  }
0x456: {  	_ =	swait.ge [sflag:s30], $0x7D0  }
0x457: {  	[sflag:s30] =	ssyncset.done $0x0  }
0x458: {  	[sflag:s30] =	ssyncadd.s32 $0xFFFFF830  }
0x459: {  	_ =	swait.ge [sflag:s30], $0x7D0  }
0x45a: {  	[sflag:s30] =	ssyncset.done $0x0  }
0x45b: {  	[sflag:s30] =	ssyncadd.s32 $0xFFFFF830  }
0x45c: {  	_ =	swait.ge [sflag:s30], $0x7D0  }
0x45d: {  	[sflag:s30] =	ssyncset.done $0x0  }
0x45e: {  	[sflag:s30] =	ssyncadd.s32 $0xFFFFF830  }
0x45f: {  	_ =	swait.ge [sflag:s30], $0x7D0  }
0x460: {  	[sflag:s30] =	ssyncset.done $0x0  }
0x461: {  	s3 =	simm.s32 $0x0;
	[sflag:s30] =	ssyncadd.s32 $0xFFFFF830  }
0x462: {  	v0 =	vld [tilespmem:s3+$0x44A8]  }
0x463: {  	v1 =	vld [tilespmem:s3+$0x3CA8]  }
0x464: {  	v2 =	vld [tilespmem:s3+$0x5CA8]  }
0x465: {  	v3 =	vld [tilespmem:s3+$0x34A8]  }
0x466: {  	v4 =	vld [tilespmem:s3+$0x54A8]  }
0x467: {  	v5 =	vld [tilespmem:s3+$0x4CA8];
	_ =	sdelay $0x3  }
0x468: {  	v0 =	vsub.f32 v2, v0  }
0x469: {  	v1 =	vsub.f32 v4, v1;
	v2 =	vsub.f32 v5, v3  }
0x46a: {  	[tilespmem:s3+$0xB4A8] =	vst v0  }
0x46b: {  	v3 =	vmul.f32 v1, v1;
	v4 =	vmul.f32 v2, v2;
	[tilespmem:s3+$0xACA8] =	vst v1  }
0x46c: {  	s10 =	simm.s32 $0x10;
	[tilespmem:s3+$0xA4A8] =	vst v2  }
0x46d: {  	v0 =	vmul.f32 v0, v0;
	v2 =	vld [tilespmem:s10+$0x44A8];
	v1 =	vadd.f32 v3, v4  }
0x46e: {  	v6 =	vld [tilespmem:s10+$0x34A8]  }
0x46f: {  	v7 =	vld [tilespmem:s10+$0x54A8];
	v0 =	vadd.f32 v0, v1  }
0x470: {  	v9 =	vld [tilespmem:s10+$0x4CA8]  }
0x471: {  	v3 =	vld [tilespmem:s10+$0x5CA8];
	v4 =	vshra.s32 v0, $0x1;
	v5 =	vmul.f32 $5.000000000e-01, v0  }
0x472: {  	v1 =	vld [tilespmem:s10+$0x3CA8];
	v4 =	vsub.s32 $0x5F3759DF, v4  }
0x473: {  	v8 =	vmul.f32 v4, v5;
	_ =	sdelay $0x1  }
0x474: {  	v8 =	vmul.f32 v4, v8  }
0x475: {  	v2 =	vsub.f32 v3, v2;
	v3 =	vsub.f32 v9, v6  }
0x476: {  	v1 =	vsub.f32 v7, v1;
	v8 =	vsub.f32 $1.500000000e+00, v8  }
0x477: {  	v7 =	vmul.f32 v3, v3  }
0x478: {  	[tilespmem:s10+$0xB4A8] =	vst v2;
	v6 =	vmul.f32 v1, v1;
	v4 =	vmul.f32 v4, v8  }
0x479: {  	[tilespmem:s10+$0xA4A8] =	vst v3  }
0x47a: {  	s16 =	simm.s32 $0x20;
	v2 =	vmul.f32 v2, v2;
	[tilespmem:s10+$0xACA8] =	vst v1;
	v3 =	vadd.f32 v6, v7;
	v1 =	vmul.f32 v4, v5  }
0x47b: {  	v9 =	vld [tilespmem:s16+$0x34A8]  }
0x47c: {  	v10 =	vld [tilespmem:s16+$0x54A8];
	v2 =	vadd.f32 v2, v3;
	v1 =	vmul.f32 v1, v4  }
0x47d: {  	v6 =	vld [tilespmem:s16+$0x5CA8]  }
0x47e: {  	v3 =	vld [tilespmem:s16+$0x3CA8];
	v7 =	vshra.s32 v2, $0x1;
	v8 =	vmul.f32 $5.000000000e-01, v2;
	v1 =	vsub.f32 $1.500000000e+00, v1  }
0x47f: {  	v5 =	vld [tilespmem:s16+$0x44A8];
	v7 =	vsub.s32 $0x5F3759DF, v7  }
0x480: {  	v11 =	vld [tilespmem:s16+$0x4CA8];
	v1 =	vmul.f32 v1, v4;
	v4 =	vmul.f32 v7, v8;
	_ =	sdelay $0x1  }
0x481: {  	v1 =	vmul.f32 v1, v0;
	v4 =	vmul.f32 v7, v4  }
0x482: {  	vm0 =	vgt.f32 v0, $0.0e+00;
	v3 =	vsub.f32 v10, v3  }
0x483: {  	v0 =	vnsel vm0, $0x0, v1;
	v1 =	vsub.f32 $1.500000000e+00, v4;
	v4 =	vsub.f32 v6, v5  }
0x484: {  	v5 =	vsub.f32 v11, v9;
	[tilespmem:s3+$0xBCA8] =	vst v0  }
0x485: {  	v6 =	vmul.f32 v3, v3;
	[tilespmem:s16+$0xB4A8] =	vst v4  }
0x486: {  	v1 =	vmul.f32 v7, v1;
	[tilespmem:s16+$0xACA8] =	vst v3;
	v3 =	vmul.f32 v5, v5  }
0x487: {  	s0 =	simm.s32 $0x30;
	[tilespmem:s16+$0xA4A8] =	vst v5  }
0x488: {  	v4 =	vmul.f32 v4, v4;
	v7 =	vld [tilespmem:s0+$0x3CA8];
	v5 =	vmul.f32 v1, v8;
	v3 =	vadd.f32 v6, v3  }
0x489: {  	v11 =	vld [tilespmem:s0+$0x4CA8]  }
0x48a: {  	v12 =	vld [tilespmem:s0+$0x5CA8];
	v5 =	vmul.f32 v5, v1;
	v3 =	vadd.f32 v4, v3  }
0x48b: {  	v8 =	vld [tilespmem:s0+$0x54A8]  }
0x48c: {  	v4 =	vld [tilespmem:s0+$0x34A8];
	v5 =	vsub.f32 $1.500000000e+00, v5;
	v9 =	vshra.s32 v3, $0x1;
	v10 =	vmul.f32 $5.000000000e-01, v3  }
0x48d: {  	v6 =	vld [tilespmem:s0+$0x44A8];
	v9 =	vsub.s32 $0x5F3759DF, v9  }
0x48e: {  	v1 =	vmul.f32 v5, v1;
	v5 =	vmul.f32 v9, v10  }
0x48f: {  	v0 =	vmul.f32 $2.000000030e-01, v0  }
0x490: {  	vm0 =	vgt.f32 v2, $0.0e+00;
	v1 =	vmul.f32 v1, v2;
	v5 =	vmul.f32 v9, v5  }
0x491: {  	v13 =	vmul.f32 $5.000000000e-01, v0;
	v4 =	vsub.f32 v11, v4;
	v2 =	vsub.f32 v8, v7  }
0x492: {  	v6 =	vsub.f32 v12, v6;
	v1 =	vnsel vm0, $0x0, v1;
	v5 =	vsub.f32 $1.500000000e+00, v5  }
0x493: {  	v8 =	vmul.f32 v4, v4;
	v7 =	vmul.f32 v2, v2;
	[tilespmem:s10+$0xBCA8] =	vst v1  }
0x494: {  	v11 =	vadd.f32 $5.000000000e-01, v13;
	v5 =	vmul.f32 v9, v5;
	[tilespmem:s0+$0xB4A8] =	vst v6  }
0x495: {  	[tilespmem:s0+$0xACA8] =	vst v2;
	v2 =	vadd.f32 v7, v8;
	v6 =	vmul.f32 v6, v6  }
0x496: {  	v7 =	vtrunc.f32 v11;
	v8 =	vmul.f32 v5, v10  }
0x497: {  	s1 =	simm.s32 $0x40;
	[tilespmem:s0+$0xA4A8] =	vst v4;
	v4 =	vcvt.f32.s32 v7;
	v2 =	vadd.f32 v6, v2  }
0x498: {  	v1 =	vmul.f32 $2.000000030e-01, v1;
	v11 =	vld [tilespmem:s1+$0x34A8];
	v7 =	vmul.f32 v8, v5  }
0x499: {  	v40 =	vld [tilespmem:s1+$0x54A8];
	v4 =	vcvt.s32.f32 v4;
	v9 =	vshra.s32 v2, $0x1;
	v10 =	vmul.f32 $5.000000000e-01, v2  }
0x49a: {  	v39 =	vmul.f32 $5.000000000e-01, v1;
	v15 =	vld [tilespmem:s1+$0x4CA8];
	v9 =	vsub.s32 $0x5F3759DF, v9;
	v7 =	vsub.f32 $1.500000000e+00, v7  }
0x49b: {  	v8 =	vld [tilespmem:s1+$0x3CA8];
	v4 =	vadd.f32 v4, v4;
	v14 =	vmul.f32 v9, v10  }
0x49c: {  	v6 =	vld [tilespmem:s1+$0x44A8];
	v12 =	vadd.f32 $5.000000000e-01, v39;
	v5 =	vmul.f32 v7, v5  }
0x49d: {  	v0 =	vsub.f32 v0, v4;
	v7 =	vld [tilespmem:s1+$0x5CA8];
	v14 =	vmul.f32 v9, v14  }
0x49e: {  	vm0 =	vgt.f32 v3, $0.0e+00;
	v4 =	vtrunc.f32 v12;
	v5 =	vmul.f32 v5, v3  }
0x49f: {  	v4 =	vcvt.f32.s32 v4;
	v0 =	vand.u32 $0x7FFFFFFF, v0;
	v3 =	vsub.f32 $1.500000000e+00, v14  }
0x4a0: {  	v8 =	vsub.f32 v40, v8;
	v41 =	vsub.f32 $1.000000000e+00, v0;
	v5 =	vnsel vm0, $0x0, v5  }
0x4a1: {  	v11 =	vsub.f32 v15, v11;
	v3 =	vmul.f32 v9, v3;
	vm0 =	vgt.f32 v0, $5.000000000e-01;
	[tilespmem:s16+$0xBCA8] =	vst v5  }
0x4a2: {  	v4 =	vcvt.s32.f32 v4;
	v6 =	vsub.f32 v7, v6;
	v0 =	vsel vm0, v41, v0;
	[tilespmem:s1+$0xACA8] =	vst v8  }
0x4a3: {  	v10 =	vmul.f32 v3, v10;
	[tilespmem:s1+$0xA4A8] =	vst v11;
	v0 =	vmul.f32 $3.141592740e+00, v0  }
0x4a4: {  	s2 =	simm.s32 $0x50;
	v9 =	vmul.f32 v11, v11;
	v7 =	vmul.f32 v8, v8;
	[tilespmem:s1+$0xB4A8] =	vst v6  }
0x4a5: {  	v4 =	vadd.f32 v4, v4;
	v8 =	vmul.f32 v10, v3;
	v10 =	vmul.f32 v0, v0;
	v0 =	vld [tilespmem:s2+$0x3CA8]  }
0x4a6: {  	v5 =	vmul.f32 $2.000000030e-01, v5;
	v43 =	vld [tilespmem:s2+$0x5CA8]  }
0x4a7: {  	v1 =	vsub.f32 v1, v4;
	v7 =	vadd.f32 v7, v9;
	v6 =	vmul.f32 v6, v6;
	v44 =	vld [tilespmem:s2+$0x34A8]  }
0x4a8: {  	v9 =	vmul.f32 $5.000000000e-01, v5;
	v16 =	vld [tilespmem:s2+$0x54A8]  }
0x4a9: {  	v17 =	vld [tilespmem:s2+$0x4CA8];
	v1 =	vand.u32 $0x7FFFFFFF, v1;
	v6 =	vadd.f32 v6, v7;
	v8 =	vsub.f32 $1.500000000e+00, v8  }
0x4aa: {  	vm1 =	vgt.f32 v2, $0.0e+00;
	v7 =	vld [tilespmem:s2+$0x44A8];
	v9 =	vadd.f32 $5.000000000e-01, v9;
	v48 =	vsub.f32 $1.000000000e+00, v1  }
0x4ab: {  	v11 =	vshra.s32 v6, $0x1;
	v42 =	vmul.f32 $5.000000000e-01, v6;
	v3 =	vmul.f32 v8, v3  }
0x4ac: {  	v9 =	vtrunc.f32 v9;
	v11 =	vsub.s32 $0x5F3759DF, v11;
	v8 =	vmul.f32 $2.087675590e-09, v10  }
0x4ad: {  	v45 =	vmul.f32 v11, v42;
	v0 =	vsub.f32 v16, v0;
	v3 =	vmul.f32 v3, v2  }
0x4ae: {  	v9 =	vcvt.f32.s32 v9;
	v14 =	vsub.f32 v17, v44;
	v8 =	vadd.f32 $-2.755732000e-07, v8  }
0x4af: {  	v7 =	vsub.f32 v43, v7;
	v4 =	vmul.f32 v11, v45;
	v2 =	vnsel vm1, $0x0, v3  }
0x4b0: {  	v3 =	vcvt.s32.f32 v9;
	v8 =	vmul.f32 v8, v10;
	vm1 =	vmmov vm0  }
0x4b1: {  	vm0 =	vgt.f32 v1, $5.000000000e-01;
	v4 =	vsub.f32 $1.500000000e+00, v4;
	v9 =	vmul.f32 $2.000000030e-01, v2  }
0x4b2: {  	v47 =	vmul.f32 v14, v14;
	[tilespmem:s0+$0xBCA8] =	vst v2;
	v49 =	vsel vm0, v48, v1;
	v8 =	vadd.f32 $2.480158760e-05, v8  }
0x4b3: {  	vm2 =	vmmov vm1;
	[tilespmem:s2+$0xB4A8] =	vst v7;
	v46 =	vmul.f32 $5.000000000e-01, v9;
	v4 =	vmul.f32 v11, v4  }
0x4b4: {  	vm1 =	vgt.f32 v6, $0.0e+00;
	[tilespmem:s2+$0xACA8] =	vst v0;
	v11 =	vmul.f32 v0, v0;
	v8 =	vmul.f32 v8, v10  }
0x4b5: {  	s4 =	simm.s32 $0x60;
	v3 =	vadd.f32 v3, v3;
	[tilespmem:s2+$0xA4A8] =	vst v14;
	v0 =	vmul.f32 $3.141592740e+00, v49;
	v12 =	vmul.f32 v4, v42  }
0x4b6: {  	v54 =	vld [tilespmem:s4+$0x34A8];
	v2 =	vadd.f32 v11, v47;
	v11 =	vmul.f32 v7, v7;
	v8 =	vadd.f32 $-1.388888920e-03, v8  }
0x4b7: {  	v56 =	vld [tilespmem:s4+$0x4CA8];
	v3 =	vsub.f32 v5, v3;
	v0 =	vmul.f32 v0, v0;
	v7 =	vmul.f32 v12, v4  }
0x4b8: {  	v13 =	vadd.f32 $5.000000000e-01, v46;
	v1 =	vadd.f32 v11, v2;
	v8 =	vmul.f32 v8, v10  }
0x4b9: {  	v3 =	vand.u32 $0x7FFFFFFF, v3;
	v53 =	vmul.f32 $2.087675590e-09, v0;
	v5 =	vsub.f32 $1.500000000e+00, v7  }
0x4ba: {  	v11 =	vshra.s32 v1, $0x1;
	v50 =	vmul.f32 $5.000000000e-01, v1;
	v2 =	vadd.f32 $4.166666790e-02, v8  }
0x4bb: {  	v51 =	vld [tilespmem:s4+$0x3CA8];
	v62 =	vsub.f32 $1.000000000e+00, v3;
	v11 =	vsub.s32 $0x5F3759DF, v11;
	v4 =	vmul.f32 v5, v4  }
0x4bc: {  	v58 =	vsub.f32 v56, v54;
	v8 =	vld [tilespmem:s4+$0x44A8];
	v52 =	vmul.f32 v11, v50;
	v2 =	vmul.f32 v2, v10  }
0x4bd: {  	v7 =	vtrunc.f32 v13;
	v5 =	vld [tilespmem:s4+$0x5CA8];
	v4 =	vmul.f32 v4, v6;
	v6 =	vadd.f32 $-2.755732000e-07, v53  }
0x4be: {  	v55 =	vld [tilespmem:s4+$0x54A8];
	v7 =	vcvt.f32.s32 v7;
	v14 =	vmul.f32 v11, v52;
	v2 =	vadd.f32 $-5.000000000e-01, v2  }
0x4bf: {  	v61 =	vmul.f32 v58, v58;
	v18 =	vnsel vm1, $0x0, v4;
	v6 =	vmul.f32 v6, v0  }
0x4c0: {  	v4 =	vcvt.s32.f32 v7;
	v7 =	vmul.f32 v2, v10;
	v10 =	vsub.f32 $1.500000000e+00, v14  }
0x4c1: {  	vm1 =	vmmov vm0;
	v2 =	vmul.f32 $2.000000030e-01, v18;
	v6 =	vadd.f32 $2.480158760e-05, v6  }
0x4c2: {  	v5 =	vsub.f32 v5, v8;
	v8 =	vadd.f32 v4, v4;
	v4 =	vmul.f32 v11, v10  }
0x4c3: {  	v11 =	vsub.f32 v55, v51;
	v57 =	vadd.f32 $1.000000000e+00, v7;
	v6 =	vmul.f32 v6, v0  }
0x4c4: {  	vm0 =	vgt.f32 v3, $5.000000000e-01;
	v10 =	vmul.f32 $5.000000000e-01, v2;
	v63 =	vmul.f32 v5, v5  }
0x4c5: {  	[tilespmem:s1+$0xBCA8] =	vst v18;
	v59 =	vmul.f32 v11, v11;
	v60 =	vsub.f32 $0.0e+00, v57;
	v6 =	vadd.f32 $-1.388888920e-03, v6  }
0x4c6: {  	[tilespmem:s4+$0xB4A8] =	vst v5;
	v5 =	vsub.f32 v9, v8;
	v9 =	vsel vm0, v62, v3;
	v12 =	vmul.f32 v4, v50  }
0x4c7: {  	v13 =	vsel vm2, v60, v57;
	v15 =	vadd.f32 v59, v61;
	v6 =	vmul.f32 v6, v0  }
0x4c8: {  	[tilespmem:s4+$0xA4A8] =	vst v58;
	v7 =	vadd.f32 $5.000000000e-01, v10;
	v10 =	vmul.f32 v12, v4;
	v3 =	vmul.f32 $5.000000000e-01, v13  }
0x4c9: {  	s5 =	simm.s32 $0x1C0;
	[tilespmem:s4+$0xACA8] =	vst v11;
	v9 =	vmul.f32 $3.141592740e+00, v9;
	v8 =	vadd.f32 v63, v15;
	v6 =	vadd.f32 $4.166666790e-02, v6  }
.LBB2_19:
0x4ca: {  	s15 =	sshra.s32 s5, $0x2;
	p3 =	sne.s32 s5, $0x1F00;
	s5 =	sadd.s32 $0x40, s5;
	v10 =	vsub.f32 $1.500000000e+00, v10;
	v7 =	vtrunc.f32 v7;
	v3 =	vadd.f32 $5.000000000e-01, v3  }
0x4cb: {  	v11 =	vld [tilespmem:s15+$0x44A8];
	v12 =	vshra.s32 v8, $0x1;
	v13 =	vmul.f32 $5.000000000e-01, v8;
	v9 =	vmul.f32 v9, v9  }
0x4cc: {  	v6 =	vmul.f32 v6, v0;
	v14 =	vld [tilespmem:s15+$0x3CA8];
	v12 =	vsub.s32 $0x5F3759DF, v12;
	v4 =	vmul.f32 v10, v4;
	[tilespmem:s3+$0xC4A8] =	vst v3;
	s3 =	smov.u32 s10;
	s10 =	smov.u32 s16;
	s16 =	smov.u32 s0  }
0x4cd: {  	vm2 =	vmmov vm1;
	s0 =	smov.u32 s1;
	s1 =	smov.u32 s2;
	s2 =	smov.u32 s4;
	v3 =	vld [tilespmem:s15+$0x5CA8];
	v10 =	vmul.f32 v12, v13;
	v15 =	vmul.f32 $2.087675590e-09, v9  }
0x4ce: {  	v7 =	vcvt.f32.s32 v7;
	s4 =	smov.u32 s15;
	v6 =	vadd.f32 $-5.000000000e-01, v6;
	v16 =	vld [tilespmem:s15+$0x34A8];
	v4 =	vmul.f32 v4, v1  }
0x4cf: {  	vm1 =	vgt.f32 v1, $0.0e+00;
	v1 =	vmovc v8;
	v17 =	vld [tilespmem:s4+$0x54A8];
	v10 =	vmul.f32 v12, v10;
	v15 =	vadd.f32 $-2.755732000e-07, v15  }
0x4d0: {  	v7 =	vcvt.s32.f32 v7;
	v6 =	vmul.f32 v6, v0;
	v0 =	vmovc v9;
	v8 =	vld [tilespmem:s4+$0x4CA8];
	v4 =	vnsel vm1, $0x0, v4  }
0x4d1: {  	v9 =	vsub.f32 $1.500000000e+00, v10;
	v18 =	vmul.f32 $2.000000030e-01, v4;
	[tilespmem:s1+$0xBCA8] =	vst v4;
	v10 =	vmul.f32 v15, v0  }
0x4d2: {  	vm1 =	vmmov vm0;
	v3 =	vsub.f32 v3, v11;
	v11 =	vadd.f32 v7, v7  }
0x4d3: {  	v4 =	vmul.f32 v12, v9;
	v9 =	vand.u32 $0x7FFFFFFF, v5;
	v5 =	vadd.f32 $2.480158760e-05, v10  }
0x4d4: {  	v6 =	vadd.f32 $1.000000000e+00, v6;
	v10 =	vmul.f32 $5.000000000e-01, v18;
	v7 =	vsub.f32 v17, v14;
	[tilespmem:s4+$0xB4A8] =	vst v3  }
0x4d5: {  	v8 =	vsub.f32 v8, v16;
	v12 =	vmul.f32 v4, v13;
	v5 =	vmul.f32 v5, v0  }
0x4d6: {  	v14 =	vsub.f32 $0.0e+00, v6;
	v13 =	vmul.f32 v7, v7;
	[tilespmem:s4+$0xACA8] =	vst v7;
	v7 =	vadd.f32 $5.000000000e-01, v10  }
.Ltmp10:
0x4d7: {  	vm0 =	vgt.f32 v9, $5.000000000e-01;
	v15 =	vmul.f32 v8, v8;
	[tilespmem:s4+$0xA4A8] =	vst v8;
	v5 =	vadd.f32 $-1.388888920e-03, v5;
	(pc) =	sbr.rel @p3 .LBB2_19-.Ltmp10, $4  }
0x4d8: {  	v6 =	vsel vm2, v14, v6;
	v10 =	vmul.f32 v12, v4;
	v8 =	vsub.f32 $1.000000000e+00, v9  }
0x4d9: {  	v12 =	vadd.f32 v13, v15;
	v13 =	vmul.f32 v3, v3;
	v14 =	vmul.f32 v5, v0  }
0x4da: {  	v5 =	vsub.f32 v2, v11;
	v9 =	vsel vm0, v8, v9;
	v3 =	vmul.f32 $5.000000000e-01, v6;
	v2 =	vmovc v18  }
0x4db: {  	v9 =	vmul.f32 $3.141592740e+00, v9;
	v8 =	vadd.f32 v13, v12;
	v6 =	vadd.f32 $4.166666790e-02, v14  }
0x4dc: {  	_ = 	snop  }
0x4dd: {  	v11 =	vshra.s32 v8, $0x1;
	v12 =	vmul.f32 $5.000000000e-01, v8  }
0x4de: {  	v11 =	vsub.s32 $0x5F3759DF, v11  }
0x4df: {  	v13 =	vmul.f32 v11, v12;
	_ =	sdelay $0x1  }
0x4e0: {  	v13 =	vmul.f32 v11, v13;
	_ =	sdelay $0x1  }
0x4e1: {  	v13 =	vsub.f32 $1.500000000e+00, v13;
	_ =	sdelay $0x1  }
0x4e2: {  	v11 =	vmul.f32 v11, v13;
	_ =	sdelay $0x1  }
0x4e3: {  	v12 =	vmul.f32 v11, v12;
	_ =	sdelay $0x1  }
0x4e4: {  	v12 =	vmul.f32 v12, v11  }
0x4e5: {  	v10 =	vsub.f32 $1.500000000e+00, v10  }
0x4e6: {  	v12 =	vsub.f32 $1.500000000e+00, v12  }
0x4e7: {  	v4 =	vmul.f32 v10, v4  }
0x4e8: {  	v27 =	vmul.f32 v12, v11  }
0x4e9: {  	v4 =	vmul.f32 v4, v1  }
0x4ea: {  	vm2 =	vgt.f32 v1, $0.0e+00;
	v28 =	vmul.f32 v27, v8  }
0x4eb: {  	vm7 =	vgt.f32 v8, $0.0e+00;
	v4 =	vnsel vm2, $0x0, v4  }
0x4ec: {  	v29 =	vmul.f32 $2.000000030e-01, v4;
	v1 =	vnsel vm7, $0x0, v28  }
0x4ed: {  	v30 =	vmul.f32 $2.000000030e-01, v1  }
0x4ee: {  	v31 =	vmul.f32 $5.000000000e-01, v29  }
0x4ef: {  	v32 =	vmul.f32 $5.000000000e-01, v30  }
0x4f0: {  	v7 =	vtrunc.f32 v7;
	v11 =	vadd.f32 $5.000000000e-01, v31  }
0x4f1: {  	v7 =	vcvt.f32.s32 v7;
	v12 =	vadd.f32 $5.000000000e-01, v32  }
0x4f2: {  	v9 =	vmul.f32 v9, v9;
	v11 =	vtrunc.f32 v11  }
0x4f3: {  	v5 =	vand.u32 $0x7FFFFFFF, v5;
	v11 =	vcvt.f32.s32 v11;
	v12 =	vtrunc.f32 v12  }
0x4f4: {  	v33 =	vsub.f32 $1.000000000e+00, v5;
	v7 =	vcvt.s32.f32 v7;
	v12 =	vcvt.f32.s32 v12  }
0x4f5: {  	vm3 =	vgt.f32 v5, $5.000000000e-01;
	v34 =	vmul.f32 $2.087675590e-09, v9;
	v11 =	vcvt.s32.f32 v11  }
0x4f6: {  	v5 =	vsel vm3, v33, v5;
	v7 =	vadd.f32 v7, v7;
	v12 =	vcvt.s32.f32 v12  }
0x4f7: {  	v5 =	vmul.f32 $3.141592740e+00, v5;
	v36 =	vadd.f32 $-2.755732000e-07, v34;
	v35 =	vadd.f32 v11, v11  }
0x4f8: {  	vm1 =	vmmov vm1;
	v2 =	vsub.f32 v2, v7;
	v12 =	vadd.f32 v12, v12  }
0x4f9: {  	v6 =	vmul.f32 v6, v0;
	v5 =	vmul.f32 v5, v5;
	v7 =	vsub.f32 v29, v35  }
0x4fa: {  	v38 =	vmul.f32 v36, v9;
	v2 =	vand.u32 $0x7FFFFFFF, v2;
	v10 =	vsub.f32 v30, v12  }
0x4fb: {  	v37 =	vmul.f32 $2.087675590e-09, v5;
	v39 =	vsub.f32 $1.000000000e+00, v2;
	v7 =	vand.u32 $0x7FFFFFFF, v7  }
0x4fc: {  	vm5 =	vgt.f32 v2, $5.000000000e-01;
	v41 =	vsub.f32 $1.000000000e+00, v7;
	v10 =	vand.u32 $0x7FFFFFFF, v10  }
0x4fd: {  	v2 =	vsel vm5, v39, v2;
	vm4 =	vgt.f32 v7, $5.000000000e-01;
	v42 =	vsub.f32 $1.000000000e+00, v10  }
0x4fe: {  	v2 =	vmul.f32 $3.141592740e+00, v2;
	v7 =	vsel vm4, v41, v7;
	vm8 =	vgt.f32 v10, $5.000000000e-01  }
0x4ff: {  	v40 =	vadd.f32 $-2.755732000e-07, v37;
	v7 =	vmul.f32 $3.141592740e+00, v7;
	v10 =	vsel vm8, v42, v10  }
0x500: {  	vm0 =	vmmov vm0;
	v2 =	vmul.f32 v2, v2;
	v10 =	vmul.f32 $3.141592740e+00, v10  }
0x501: {  	v3 =	vadd.f32 $5.000000000e-01, v3;
	v7 =	vmul.f32 v7, v7;
	v12 =	vmul.f32 v40, v5  }
0x502: {  	v44 =	vmul.f32 $2.087675590e-09, v2;
	v8 =	vadd.f32 $2.480158760e-05, v38;
	v10 =	vmul.f32 v10, v10  }
0x503: {  	vm0 =	vmmov vm0;
	v45 =	vmul.f32 $2.087675590e-09, v7;
	v43 =	vadd.f32 $2.480158760e-05, v12  }
0x504: {  	v8 =	vmul.f32 v8, v9;
	v12 =	vadd.f32 $-2.755732000e-07, v44;
	v14 =	vmul.f32 $2.087675590e-09, v10  }
0x505: {  	vm9 =	vmmov vm3;
	v13 =	vadd.f32 $-2.755732000e-07, v45;
	v11 =	vmul.f32 v43, v5  }
0x506: {  	v8 =	vadd.f32 $-1.388888920e-03, v8;
	v12 =	vmul.f32 v12, v2;
	v48 =	vadd.f32 $-2.755732000e-07, v14  }
0x507: {  	v6 =	vadd.f32 $-5.000000000e-01, v6;
	v13 =	vmul.f32 v13, v7;
	v11 =	vadd.f32 $-1.388888920e-03, v11  }
0x508: {  	v47 =	vmul.f32 v8, v9;
	v12 =	vadd.f32 $2.480158760e-05, v12;
	v8 =	vmul.f32 v48, v10  }
0x509: {  	vm10 =	vmmov vm9;
	v13 =	vadd.f32 $2.480158760e-05, v13;
	v11 =	vmul.f32 v11, v5  }
0x50a: {  	v46 =	vmul.f32 v6, v0;
	v12 =	vmul.f32 v12, v2;
	v8 =	vadd.f32 $2.480158760e-05, v8  }
0x50b: {  	v6 =	vadd.f32 $4.166666790e-02, v47;
	v13 =	vmul.f32 v13, v7;
	v11 =	vadd.f32 $4.166666790e-02, v11  }
0x50c: {  	v0 =	vadd.f32 $1.000000000e+00, v46;
	v12 =	vadd.f32 $-1.388888920e-03, v12;
	v8 =	vmul.f32 v8, v10  }
0x50d: {  	v6 =	vmul.f32 v6, v9;
	v13 =	vadd.f32 $-1.388888920e-03, v13;
	v11 =	vmul.f32 v11, v5  }
0x50e: {  	v49 =	vsub.f32 $0.0e+00, v0;
	v12 =	vmul.f32 v12, v2;
	v8 =	vadd.f32 $-1.388888920e-03, v8  }
0x50f: {  	v6 =	vadd.f32 $-5.000000000e-01, v6;
	v51 =	vmul.f32 v13, v7;
	v11 =	vadd.f32 $-5.000000000e-01, v11  }
0x510: {  	v0 =	vsel vm1, v49, v0;
	v50 =	vadd.f32 $4.166666790e-02, v12;
	v8 =	vmul.f32 v8, v10  }
0x511: {  	v6 =	vmul.f32 v6, v9;
	v5 =	vmul.f32 v11, v5;
	v11 =	vadd.f32 $4.166666790e-02, v51  }
0x512: {  	v0 =	vmul.f32 $5.000000000e-01, v0;
	v9 =	vmul.f32 v50, v2;
	v8 =	vadd.f32 $4.166666790e-02, v8  }
0x513: {  	vm11 =	vmmov vm5;
	v6 =	vadd.f32 $1.000000000e+00, v6;
	v11 =	vmul.f32 v11, v7  }
0x514: {  	v0 =	vadd.f32 $5.000000000e-01, v0;
	v9 =	vadd.f32 $-5.000000000e-01, v9;
	v8 =	vmul.f32 v8, v10  }
0x515: {  	vm12 =	vmmov vm4;
	v52 =	vsub.f32 $0.0e+00, v6;
	v54 =	vadd.f32 $-5.000000000e-01, v11  }
0x516: {  	vm13 =	vmmov vm12;
	v2 =	vmul.f32 v9, v2;
	v8 =	vadd.f32 $-5.000000000e-01, v8  }
0x517: {  	v6 =	vsel vm0, v52, v6;
	v5 =	vadd.f32 $1.000000000e+00, v5;
	v7 =	vmul.f32 v54, v7  }
0x518: {  	vm0 =	vmmov vm11;
	v2 =	vadd.f32 $1.000000000e+00, v2;
	v8 =	vmul.f32 v8, v10  }
0x519: {  	vm14 =	vmmov vm8;
	v53 =	vsub.f32 $0.0e+00, v5;
	v7 =	vadd.f32 $1.000000000e+00, v7  }
0x51a: {  	v6 =	vmul.f32 $5.000000000e-01, v6;
	v55 =	vsub.f32 $0.0e+00, v2;
	v8 =	vadd.f32 $1.000000000e+00, v8  }
0x51b: {  	[tilespmem:s3+$0xC4A8] =	vst v3;
	vm15 =	vmmov vm14;
	v5 =	vsel vm10, v53, v5;
	v56 =	vsub.f32 $0.0e+00, v7  }
0x51c: {  	[tilespmem:s2+$0xBCA8] =	vst v4;
	v5 =	vmul.f32 $5.000000000e-01, v5;
	v2 =	vsel vm0, v55, v2;
	v57 =	vsub.f32 $0.0e+00, v8  }
0x51d: {  	[tilespmem:s10+$0xC4A8] =	vst v0;
	v6 =	vadd.f32 $5.000000000e-01, v6;
	v58 =	vmul.f32 $5.000000000e-01, v2;
	v59 =	vsel vm13, v56, v7  }
0x51e: {  	[tilespmem:s4+$0xBCA8] =	vst v1;
	v60 =	vadd.f32 $5.000000000e-01, v5;
	v2 =	vmul.f32 $5.000000000e-01, v59;
	v61 =	vsel vm15, v57, v8  }
0x51f: {  	[tilespmem:s16+$0xC4A8] =	vst v6;
	v0 =	vadd.f32 $5.000000000e-01, v58;
	v3 =	vmul.f32 $5.000000000e-01, v61  }
0x520: {  	[tilespmem:s0+$0xC4A8] =	vst v60;
	v62 =	vadd.f32 $5.000000000e-01, v2  }
0x521: {  	[tilespmem:s1+$0xC4A8] =	vst v0;
	s1 =	sld [smem:$0x7F8];
	v63 =	vadd.f32 $5.000000000e-01, v3  }
0x522: {  	[tilespmem:s2+$0xC4A8] =	vst v62  }
0x523: {  	s3 =	sld [smem:$0x7F9];
	s2 =	simm.s32 $0xA4A8;
	[tilespmem:s4+$0xC4A8] =	vst v63  }
0x524: {  	[hbm4b:s1+s9] =	stream.linear.scatter [tilespmem:s2], [sflag:$0x3], $0x7D0, $0x38;
	[tilespmem:$0xF4A8] =	vst v63  }
0x525: {  	s5 =	sld [smem:$0x7FA];
	s4 =	simm.s32 $0xACA8  }
0x526: {  	[hbm4b:s3+s9] =	stream.linear.scatter [tilespmem:s4], [sflag:$0x3], $0x7D0, $0x38;
	[tilespmem:$0xF4A8] =	vst v63  }
0x527: {  	s15 =	sld [smem:$0x7FB];
	s10 =	simm.s32 $0xB4A8  }
0x528: {  	[hbm4b:s5+s9] =	stream.linear.scatter [tilespmem:s10], [sflag:$0x3], $0x7D0, $0x38;
	[tilespmem:$0xF4A8] =	vst v63  }
0x529: {  	s18 =	sld [smem:$0x7FC];
	s16 =	simm.s32 $0xBCA8  }
0x52a: {  	[hbm4b:s15+s9] =	stream.linear.scatter [tilespmem:s16], [sflag:$0x3], $0x7D0, $0x38;
	[tilespmem:$0xF4A8] =	vst v63  }
0x52b: {  	s19 =	simm.s32 $0xC4A8  }
0x52c: {  	[hbm4b:s18+s9] =	stream.linear.scatter [tilespmem:s19], [sflag:$0x3], $0x7D0, $0x38;
	[tilespmem:$0xF4A8] =	vst v63  }
0x52d: {  	_ =	swait.ge [sflag:s30], $0x7D0  }
0x52e: {  	[sflag:s30] =	ssyncset.done $0x0  }
0x52f: {  	[sflag:s30] =	ssyncadd.s32 $0xFFFFF830  }
0x530: {  	_ =	swait.ge [sflag:s30], $0x7D0  }
0x531: {  	[sflag:s30] =	ssyncset.done $0x0  }
0x532: {  	[sflag:s30] =	ssyncadd.s32 $0xFFFFF830  }
0x533: {  	_ =	swait.ge [sflag:s30], $0x7D0  }
0x534: {  	[sflag:s30] =	ssyncset.done $0x0  }
0x535: {  	[sflag:s30] =	ssyncadd.s32 $0xFFFFF830  }
0x536: {  	_ =	swait.ge [sflag:s30], $0x7D0  }
0x537: {  	[sflag:s30] =	ssyncset.done $0x0  }
0x538: {  	[sflag:s30] =	ssyncadd.s32 $0xFFFFF830  }
0x539: {  	_ =	swait.ge [sflag:s30], $0x7D0  }
0x53a: {  	[sflag:s30] =	ssyncset.done $0x0  }
0x53b: {  	[sflag:s30] =	ssyncadd.s32 $0xFFFFF830  }
0x53c: {  	_ =	swait.ge [sflag:s31], $0x7D0  }
0x53d: {  	[sflag:s31] =	ssyncset.done $0x0  }
0x53e: {  	[sflag:s31] =	ssyncadd.s32 $0xFFFFF830  }
0x53f: {  	_ =	swait.ge [sflag:s31], $0x7D0  }
0x540: {  	[sflag:s31] =	ssyncset.done $0x0  }
0x541: {  	[sflag:s31] =	ssyncadd.s32 $0xFFFFF830  }
0x542: {  	_ =	swait.ge [sflag:s31], $0x7D0  }
0x543: {  	[sflag:s31] =	ssyncset.done $0x0  }
0x544: {  	[sflag:s31] =	ssyncadd.s32 $0xFFFFF830  }
0x545: {  	_ =	swait.ge [sflag:s31], $0x7D0  }
0x546: {  	[sflag:s31] =	ssyncset.done $0x0  }
0x547: {  	[sflag:s31] =	ssyncadd.s32 $0xFFFFF830  }
0x548: {  	_ =	swait.ge [sflag:s31], $0x7D0  }
0x549: {  	s20 =	sld [smem:$0x7F7]  }
0x54a: {  	s25 =	sld [smem:$0x7FD];
	_ =	sdelay $0x1  }
0x54b: {  	s1 =	sadd.s32 $0x1, s20  }
0x54c: {  	p3 =	sne.s32 s1, s25  }
.Ltmp11:
0x54d: {  	_ = 	snop;
	(pc) =	sbr.rel @p3 .LBB2_1-.Ltmp11, $3  }
0x54e: {  	_ =	sdelay $0x1  }
0x54f: {  	[sflag:s31] =	ssyncset.done $0x0  }
0x550: {  	[sflag:s31] =	ssyncadd.s32 $0xFFFFF830  }
0x551: {  	_ =	sfence.sel $0x180000  }
0x552: {  	[bflag:$0x0] =	sbarrier.arrive $0xFFFF  }
0x553: {  	_ =	strace $0x90000047  }
0x554: {  	[bflag:$0x2] =	sbarrier.arrive $0xFFFF  }
0x555: {  	s0 =	rddreg [dreg:$0x9]  }
0x556: {  	s0 =	sadd.s32 @!p0 $0x100000, s0  }
0x557: {  	[sflag:s0] =	ssyncadd.tile.s32 @!p0 $0x1;
	_ =	shalt  }
.Lfunc_end2:
_tile_overlayer_lowered:
.L_overlay_start_2:
0x558: {  	(tag) =	ssettag $0x2  }
0x559: {  	s0 =	rddreg [dreg:$0x0];
	s2 =	stileid.u32  }
0x55a: {  	s1 =	rddreg [dreg:$0x1];
	p0 =	sne.s32 s2, $0x0  }
0x55b: {  	s3 =	rddreg [dreg:$0x2];
	[bflag:$0x3] =	sbarrier.arrive $0xFFFF;
	s2 =	simm.s32 @!p0 $0x1C05  }
0x55c: {  	[timem:s3], [sflag:s2] =	dma.local @!p0 [hbm:s0], s1  }
0x55d: {  	s0 =	simm.s32 @!p0 $0x5  }
0x55e: {  	_ =	swait.ge @!p0 [sflag:s0], s1  }
0x55f: {  	s1 =	ssub.s32 @!p0 $0x0, s1;
	[sflag:s0] =	ssyncset.done @!p0 $0x0  }
0x560: {  	[sflag:s0] =	ssyncadd.s32 @!p0 s1  }
0x561: {  	[bflag:$0x3] =	sbarrier.arrive $0xFFFF  }
0x562: {  	_ =	shalt  }

</sc_bundles>
